<compile_context>
chip_gen: v7x
topology: tpu7x:2x2x1
jax: 0.10.2.dev20260603
libtpu: 0.0.44.dev20260713+nightly
codegen_flags: <defaults>
</compile_context>

<pallas_src>
import jax
import jax.numpy as jnp
from jax import lax
from jax.experimental import pallas as pl
from jax.experimental.pallas import tpu as pltpu
from jax.experimental.pallas import tpu_sc as plsc

_TOKENS = 8192
_SLOTS = 32768
_HEADS = 8
_DIM = 128

_NW = 32
_SPW = _SLOTS // _NW
_SB = 128
_NC = _SPW // _SB


def _quant_body(x_ref, o_ref):
    o_ref[...] = x_ref[...].astype(jnp.float8_e4m3fn)


def _sc_dedup_body(slot_hbm, slotsl_hbm, toksl_hbm, cnt_hbm,
                   slot_v, ticket_v, slots_l, toks_l, cntb, sem):
    wid = lax.axis_index("s") * 2 + lax.axis_index("c")
    base = wid * _SPW

    pltpu.sync_copy(slot_hbm, slot_v)

    lane = lax.iota(jnp.int32, 16)
    neg1 = jnp.full((16,), -1, jnp.int32)

    def init_body(v, c):
        ticket_v[pl.ds(v * 16, 16)] = neg1
        return c

    lax.fori_loop(0, _SPW // 16, init_body, jnp.int32(0))

    def dedup_body(t, c):
        slots = slot_v[pl.ds(t * 16, 16)]
        local = slots - base
        m = (local >= 0) & (local < _SPW)
        lidx = local & (_SPW - 1)
        plsc.store_scatter(ticket_v, [lidx], t * 16 + lane, mask=m)
        return c

    lax.fori_loop(0, _TOKENS // 16, dedup_body, jnp.int32(0))

    def comp_body(v, cnt):
        tk = ticket_v[pl.ds(v * 16, 16)]
        m = tk >= 0
        mi = m.astype(jnp.int32)
        pos = jnp.maximum(cnt + plsc.cumsum(mi) - 1, 0)
        plsc.store_scatter(slots_l, [pos], base + v * 16 + lane, mask=m)
        plsc.store_scatter(toks_l, [pos], tk, mask=m)
        return cnt + jnp.sum(mi)

    cnt = lax.fori_loop(0, _SPW // 16, comp_body, jnp.int32(0))

    cntb[pl.ds(0, 16)] = jnp.broadcast_to(cnt, (16,))
    pltpu.sync_copy(slots_l, slotsl_hbm.at[wid])
    pltpu.sync_copy(toks_l, toksl_hbm.at[wid])
    pltpu.sync_copy(cntb, cnt_hbm.at[wid])


def _sc_scatter_body(qin_hbm, slotsl_hbm, toksl_hbm, cnt_hbm, out_hbm,
                     slots_l, toks_l, cntb, tokidx0, tokidx1,
                     slotidx0, slotidx1, buf0, buf1,
                     sem_g0, sem_g1, sem_s0, sem_s1):
    wid = lax.axis_index("s") * 2 + lax.axis_index("c")
    bufs = (buf0, buf1)
    tokidx = (tokidx0, tokidx1)
    slotidx = (slotidx0, slotidx1)
    gsems = (sem_g0, sem_g1)
    ssems = (sem_s0, sem_s1)
    qin_i = qin_hbm.bitcast(jnp.int32)
    out_i = out_hbm.bitcast(jnp.int32)

    pltpu.sync_copy(slotsl_hbm.at[wid], slots_l)
    pltpu.sync_copy(toksl_hbm.at[wid], toks_l)
    pltpu.sync_copy(cnt_hbm.at[wid], cntb)
    cnt = jnp.max(cntb[pl.ds(0, 16)])

    lane = lax.iota(jnp.int32, 16)
    for c in range(_NC):
        k = c % 2

        @pl.when(c * _SB < cnt)
        def _(c=c, k=k):
            if c >= 2:
                pltpu.make_async_copy(
                    bufs[k], out_i.at[slotidx[k]], ssems[k]).wait()
            for v in range(_SB // 16):
                eff = jnp.minimum(c * _SB + v * 16 + lane, cnt - 1)
                tokidx[k][pl.ds(v * 16, 16)] = plsc.load_gather(
                    toks_l, [eff])
                slotidx[k][pl.ds(v * 16, 16)] = plsc.load_gather(
                    slots_l, [eff])
            pltpu.async_copy(qin_i.at[tokidx[k]], bufs[k], gsems[k]).wait()
            pltpu.async_copy(bufs[k], out_i.at[slotidx[k]], ssems[k])

    for k in range(2):
        @pl.when(k * _SB < cnt)
        def _(k=k):
            pltpu.make_async_copy(
                bufs[k], out_i.at[slotidx[k]], ssems[k]).wait()


def kernel(input, cache, slot_mapping):
    qin = pl.pallas_call(
        _quant_body,
        grid=(16,),
        in_specs=[pl.BlockSpec((512, _HEADS, _DIM), lambda i: (i, 0, 0))],
        out_specs=pl.BlockSpec((512, _HEADS, _DIM), lambda i: (i, 0, 0)),
        out_shape=jax.ShapeDtypeStruct((_TOKENS, _HEADS, _DIM),
                                       jnp.float8_e4m3fn),
    )(input)

    out_ref = jax.new_ref(cache)
    slotsl_ref = jax.new_ref(jnp.zeros((_NW, _SPW), jnp.int32))
    toksl_ref = jax.new_ref(jnp.zeros((_NW, _SPW), jnp.int32))
    cnt_ref = jax.new_ref(jnp.zeros((_NW, 16), jnp.int32))

    mesh = plsc.VectorSubcoreMesh(core_axis_name="c", subcore_axis_name="s")
    dedup = pl.kernel(
        _sc_dedup_body,
        out_type=(),
        mesh=mesh,
        compiler_params=pltpu.CompilerParams(needs_layout_passes=False),
        scratch_types=[
            pltpu.VMEM((_TOKENS,), jnp.int32),
            pltpu.VMEM((_SPW,), jnp.int32),
            pltpu.VMEM((_SPW,), jnp.int32),
            pltpu.VMEM((_SPW,), jnp.int32),
            pltpu.VMEM((16,), jnp.int32),
            pltpu.SemaphoreType.DMA,
        ],
    )
    dedup(slot_mapping, slotsl_ref, toksl_ref, cnt_ref)

    scatter = pl.kernel(
        _sc_scatter_body,
        out_type=(),
        mesh=mesh,
        compiler_params=pltpu.CompilerParams(needs_layout_passes=False),
        scratch_types=[
            pltpu.VMEM((_SPW,), jnp.int32),
            pltpu.VMEM((_SPW,), jnp.int32),
            pltpu.VMEM((16,), jnp.int32),
            pltpu.VMEM((_SB,), jnp.int32),
            pltpu.VMEM((_SB,), jnp.int32),
            pltpu.VMEM((_SB,), jnp.int32),
            pltpu.VMEM((_SB,), jnp.int32),
            pltpu.VMEM((_SB, 2, _DIM), jnp.int32),
            pltpu.VMEM((_SB, 2, _DIM), jnp.int32),
            pltpu.SemaphoreType.DMA,
            pltpu.SemaphoreType.DMA,
            pltpu.SemaphoreType.DMA,
            pltpu.SemaphoreType.DMA,
        ],
    )
    scatter(qin, slotsl_ref, toksl_ref, cnt_ref, out_ref)
    return jax.freeze(out_ref)

# --- scband reference (transcript-rebuilt; emitter-appended) ---
"""Pipeline reference for scband-vllmfp8-kvcache-7103875908080 (READ-ONLY COPY).

The authoritative reference and input builder live on the scoring server;
editing this copy changes nothing except your own understanding.
"""

import jax, jax.numpy as jnp
import numpy as np

INPUT_SCALE = 1.0

NUM_TOKENS = 8192
NUM_SLOTS = 32768
NUM_KV_HEADS = 8
HEAD_DIM = 128


def setup_inputs(seed: int = 0) -> dict:
    key = jax.random.key(seed)
    k1, k2 = jax.random.split(key)
    inp = jax.random.normal(k1, (NUM_TOKENS, NUM_KV_HEADS, HEAD_DIM), dtype=jnp.float32)
    # fp8 KV cache storage (float8_e4m3fn), initialized to zeros
    cache = jnp.zeros((NUM_SLOTS, NUM_KV_HEADS, HEAD_DIM), dtype=jnp.float8_e4m3fn)
    slot_mapping = jax.random.randint(k2, (NUM_TOKENS,), 0, NUM_SLOTS, dtype=jnp.int32)
    return {"input": inp, "cache": cache, "slot_mapping": slot_mapping}


def reference(input, cache, slot_mapping):
    # quant_input: cast_to_fp8_v2(input, input_scale) == (input * input_scale) cast to fp8_e4m3fn
    qinput = (input * jnp.asarray(INPUT_SCALE, dtype=input.dtype)).astype(jnp.float8_e4m3fn)
    # VLLMKVCache.forward: cache.index_copy_(0, slot_mapping, qinput)
    new_cache = cache.at[slot_mapping].set(qinput)
    return new_cache

if __name__ == "__main__":
    import jax
    _d = setup_inputs()
    print(jax.jit(kernel)(*tuple(_d.values())))

</pallas_src>

<mosaic_0001>
#map = affine_map<(d0, d1) -> (0, 0, 0)>
#map1 = affine_map<(d0, d1) -> (0, 0)>
module attributes {stable_mosaic.version = 14 : i64} {
  func.func @new_body(%arg0: i32, %arg1: i32, %arg2: memref<8192x8x128xf8E4M3FN, #tpu.memory_space<hbm>>, %arg3: memref<32x1024xi32, #tpu.memory_space<hbm>>, %arg4: memref<32x1024xi32, #tpu.memory_space<hbm>>, %arg5: memref<32x16xi32, #tpu.memory_space<hbm>>, %arg6: memref<32768x8x128xf8E4M3FN, #tpu.memory_space<hbm>>, %arg7: memref<32x1024xi32, #tpu.memory_space<hbm>>, %arg8: memref<32x1024xi32, #tpu.memory_space<hbm>>, %arg9: memref<32x16xi32, #tpu.memory_space<hbm>>, %arg10: memref<32768x8x128xf8E4M3FN, #tpu.memory_space<hbm>>, %arg11: memref<1024xi32, #tpu.memory_space<vmem>>, %arg12: memref<1024xi32, #tpu.memory_space<vmem>>, %arg13: memref<16xi32, #tpu.memory_space<vmem>>, %arg14: memref<128xi32, #tpu.memory_space<vmem>>, %arg15: memref<128xi32, #tpu.memory_space<vmem>>, %arg16: memref<128xi32, #tpu.memory_space<vmem>>, %arg17: memref<128xi32, #tpu.memory_space<vmem>>, %arg18: memref<128x2x128xi32, #tpu.memory_space<vmem>>, %arg19: memref<128x2x128xi32, #tpu.memory_space<vmem>>, %arg20: memref<!tpu.dma_semaphore, #tpu.memory_space<semaphore_mem>>, %arg21: memref<!tpu.dma_semaphore, #tpu.memory_space<semaphore_mem>>, %arg22: memref<!tpu.dma_semaphore, #tpu.memory_space<semaphore_mem>>, %arg23: memref<!tpu.dma_semaphore, #tpu.memory_space<semaphore_mem>>) attributes {dimension_semantics = [#tpu.dimension_semantics<core_parallel>, #tpu.dimension_semantics<subcore_parallel>], iteration_bounds = array<i64: 2, 16>, scalar_prefetch = 0 : i64, scratch_operands = 13 : i64, tpu.core_type = #tpu.core_type<sc_vector_subcore>, window_params = [{transform_indices = #map}, {transform_indices = #map1}, {transform_indices = #map1}, {transform_indices = #map1}, {transform_indices = #map}, {transform_indices = #map1}, {transform_indices = #map1}, {transform_indices = #map1}, {transform_indices = #map}]} {
    %mul3A = arith.constant 2 : i32
    %mul3A_0 = arith.muli %arg1, %mul3A : i32
    %add3A = arith.addi %mul3A_0, %arg0 : i32
    "tpu.region"() ({
      %run_scoped3A = tpu.sem_alloc : memref<!tpu.dma_semaphore, #tpu.memory_space<semaphore_mem>>
      %dma_start3A = arith.constant 0 : i32
      %dma_start3A_56 = tpu.memref_slice %arg3[%add3A, %dma_start3A] : memref<32x1024xi32, #tpu.memory_space<hbm>> -> memref<1x1024xi32, #tpu.memory_space<hbm>>
      %dma_start3A_57 = tpu.memref_squeeze %dma_start3A_56 : memref<1x1024xi32, #tpu.memory_space<hbm>> -> memref<1024xi32, #tpu.memory_space<hbm>>
      %dma_start3A_58 = arith.constant 0 : i32
      %dma_start3A_59 = tpu.memref_slice %arg3[%add3A, %dma_start3A_58] : memref<32x1024xi32, #tpu.memory_space<hbm>> -> memref<1x1024xi32, #tpu.memory_space<hbm>>
      %dma_start3A_60 = tpu.memref_squeeze %dma_start3A_59 : memref<1x1024xi32, #tpu.memory_space<hbm>> -> memref<1024xi32, #tpu.memory_space<hbm>>
      tpu.enqueue_dma source(%dma_start3A_60 : memref<1024xi32, #tpu.memory_space<hbm>>) target(%arg11 : memref<1024xi32, #tpu.memory_space<vmem>>) target_semaphore(%run_scoped3A : memref<!tpu.dma_semaphore, #tpu.memory_space<semaphore_mem>>)
      %dma_wait3A = arith.constant 0 : i32
      %dma_wait3A_61 = tpu.memref_slice %arg3[%add3A, %dma_wait3A] : memref<32x1024xi32, #tpu.memory_space<hbm>> -> memref<1x1024xi32, #tpu.memory_space<hbm>>
      %dma_wait3A_62 = tpu.memref_squeeze %dma_wait3A_61 : memref<1x1024xi32, #tpu.memory_space<hbm>> -> memref<1024xi32, #tpu.memory_space<hbm>>
      %dma_wait3A_63 = arith.constant 0 : i32
      %dma_wait3A_64 = tpu.memref_slice %arg3[%add3A, %dma_wait3A_63] : memref<32x1024xi32, #tpu.memory_space<hbm>> -> memref<1x1024xi32, #tpu.memory_space<hbm>>
      %dma_wait3A_65 = tpu.memref_squeeze %dma_wait3A_64 : memref<1x1024xi32, #tpu.memory_space<hbm>> -> memref<1024xi32, #tpu.memory_space<hbm>>
      tpu.wait_dma2 semaphore(%run_scoped3A : memref<!tpu.dma_semaphore, #tpu.memory_space<semaphore_mem>>) src(%dma_wait3A_65 : memref<1024xi32, #tpu.memory_space<hbm>>) dst(%arg11 : memref<1024xi32, #tpu.memory_space<vmem>>)
      tpu.yield
    }) : () -> ()
    "tpu.region"() ({
      %run_scoped3A = tpu.sem_alloc : memref<!tpu.dma_semaphore, #tpu.memory_space<semaphore_mem>>
      %dma_start3A = arith.constant 0 : i32
      %dma_start3A_56 = tpu.memref_slice %arg4[%add3A, %dma_start3A] : memref<32x1024xi32, #tpu.memory_space<hbm>> -> memref<1x1024xi32, #tpu.memory_space<hbm>>
      %dma_start3A_57 = tpu.memref_squeeze %dma_start3A_56 : memref<1x1024xi32, #tpu.memory_space<hbm>> -> memref<1024xi32, #tpu.memory_space<hbm>>
      %dma_start3A_58 = arith.constant 0 : i32
      %dma_start3A_59 = tpu.memref_slice %arg4[%add3A, %dma_start3A_58] : memref<32x1024xi32, #tpu.memory_space<hbm>> -> memref<1x1024xi32, #tpu.memory_space<hbm>>
      %dma_start3A_60 = tpu.memref_squeeze %dma_start3A_59 : memref<1x1024xi32, #tpu.memory_space<hbm>> -> memref<1024xi32, #tpu.memory_space<hbm>>
      tpu.enqueue_dma source(%dma_start3A_60 : memref<1024xi32, #tpu.memory_space<hbm>>) target(%arg12 : memref<1024xi32, #tpu.memory_space<vmem>>) target_semaphore(%run_scoped3A : memref<!tpu.dma_semaphore, #tpu.memory_space<semaphore_mem>>)
      %dma_wait3A = arith.constant 0 : i32
      %dma_wait3A_61 = tpu.memref_slice %arg4[%add3A, %dma_wait3A] : memref<32x1024xi32, #tpu.memory_space<hbm>> -> memref<1x1024xi32, #tpu.memory_space<hbm>>
      %dma_wait3A_62 = tpu.memref_squeeze %dma_wait3A_61 : memref<1x1024xi32, #tpu.memory_space<hbm>> -> memref<1024xi32, #tpu.memory_space<hbm>>
      %dma_wait3A_63 = arith.constant 0 : i32
      %dma_wait3A_64 = tpu.memref_slice %arg4[%add3A, %dma_wait3A_63] : memref<32x1024xi32, #tpu.memory_space<hbm>> -> memref<1x1024xi32, #tpu.memory_space<hbm>>
      %dma_wait3A_65 = tpu.memref_squeeze %dma_wait3A_64 : memref<1x1024xi32, #tpu.memory_space<hbm>> -> memref<1024xi32, #tpu.memory_space<hbm>>
      tpu.wait_dma2 semaphore(%run_scoped3A : memref<!tpu.dma_semaphore, #tpu.memory_space<semaphore_mem>>) src(%dma_wait3A_65 : memref<1024xi32, #tpu.memory_space<hbm>>) dst(%arg12 : memref<1024xi32, #tpu.memory_space<vmem>>)
      tpu.yield
    }) : () -> ()
    "tpu.region"() ({
      %run_scoped3A = tpu.sem_alloc : memref<!tpu.dma_semaphore, #tpu.memory_space<semaphore_mem>>
      %dma_start3A = arith.constant 0 : i32
      %dma_start3A_56 = tpu.memref_slice %arg5[%add3A, %dma_start3A] : memref<32x16xi32, #tpu.memory_space<hbm>> -> memref<1x16xi32, #tpu.memory_space<hbm>>
      %dma_start3A_57 = tpu.memref_squeeze %dma_start3A_56 : memref<1x16xi32, #tpu.memory_space<hbm>> -> memref<16xi32, #tpu.memory_space<hbm>>
      %dma_start3A_58 = arith.constant 0 : i32
      %dma_start3A_59 = tpu.memref_slice %arg5[%add3A, %dma_start3A_58] : memref<32x16xi32, #tpu.memory_space<hbm>> -> memref<1x16xi32, #tpu.memory_space<hbm>>
      %dma_start3A_60 = tpu.memref_squeeze %dma_start3A_59 : memref<1x16xi32, #tpu.memory_space<hbm>> -> memref<16xi32, #tpu.memory_space<hbm>>
      tpu.enqueue_dma source(%dma_start3A_60 : memref<16xi32, #tpu.memory_space<hbm>>) target(%arg13 : memref<16xi32, #tpu.memory_space<vmem>>) target_semaphore(%run_scoped3A : memref<!tpu.dma_semaphore, #tpu.memory_space<semaphore_mem>>)
      %dma_wait3A = arith.constant 0 : i32
      %dma_wait3A_61 = tpu.memref_slice %arg5[%add3A, %dma_wait3A] : memref<32x16xi32, #tpu.memory_space<hbm>> -> memref<1x16xi32, #tpu.memory_space<hbm>>
      %dma_wait3A_62 = tpu.memref_squeeze %dma_wait3A_61 : memref<1x16xi32, #tpu.memory_space<hbm>> -> memref<16xi32, #tpu.memory_space<hbm>>
      %dma_wait3A_63 = arith.constant 0 : i32
      %dma_wait3A_64 = tpu.memref_slice %arg5[%add3A, %dma_wait3A_63] : memref<32x16xi32, #tpu.memory_space<hbm>> -> memref<1x16xi32, #tpu.memory_space<hbm>>
      %dma_wait3A_65 = tpu.memref_squeeze %dma_wait3A_64 : memref<1x16xi32, #tpu.memory_space<hbm>> -> memref<16xi32, #tpu.memory_space<hbm>>
      tpu.wait_dma2 semaphore(%run_scoped3A : memref<!tpu.dma_semaphore, #tpu.memory_space<semaphore_mem>>) src(%dma_wait3A_65 : memref<16xi32, #tpu.memory_space<hbm>>) dst(%arg13 : memref<16xi32, #tpu.memory_space<vmem>>)
      tpu.yield
    }) : () -> ()
    %get3A = arith.constant 0 : index
    %get3A_1 = tpu.vector_load %arg13[%get3A] {strides = array<i32>} : memref<16xi32, #tpu.memory_space<vmem>>, vector<16xi32>,
    %reduce_max3A = arith.constant true
    %reduce_max3A_2 = vector.broadcast %reduce_max3A : i1 to vector<16xi1>
    %reduce_max3A_3 = arith.constant -2147483648 : i32
    %reduce_max3A_4 = vector.broadcast %reduce_max3A_3 : i32 to vector<16xi32>
    %reduce_max3A_5 = arith.xori %get3A_1, %reduce_max3A_4 : vector<16xi32>
    %reduce_max3A_6 = tpu.scan <max>, %reduce_max3A_5 masked %reduce_max3A_2 : vector<16xi32>, vector<16xi1> -> vector<16xi32>
    %reduce_max3A_7 = arith.xori %reduce_max3A_6, %reduce_max3A_4 : vector<16xi32>
    %reduce_max3A_8 = vector.extract %reduce_max3A_7[15] : i32 from vector<16xi32>
    %iota3A = tpu.iota {dimensions = array<i32: 0>} : vector<16xi32>
    %gt3A = arith.constant 0 : i32
    %gt3A_9 = arith.cmpi sgt, %reduce_max3A_8, %gt3A : i32
    %convert_element_type3A = arith.extui %gt3A_9 : i1 to i32
    %cond3A = arith.constant 0 : i32
    %cond3A_10 = arith.cmpi ne, %convert_element_type3A, %cond3A : i32
    scf.if %cond3A_10 {
      %add3A_56 = arith.constant 0 : i32
      %add3A_57 = vector.broadcast %add3A_56 : i32 to vector<16xi32>
      %add3A_58 = arith.addi %add3A_57, %iota3A : vector<16xi32>
      %sub3A = arith.constant 1 : i32
      %sub3A_59 = arith.subi %reduce_max3A_8, %sub3A : i32
      %min3A = vector.broadcast %sub3A_59 : i32 to vector<16xi32>
      %min3A_60 = arith.minsi %add3A_58, %min3A : vector<16xi32>
      %gather3A = tpu.vector_load_idx %arg12[%min3A_60] : memref<1024xi32, #tpu.memory_space<vmem>>[vector<16xi32>], vector<16xi32>,
      %swap3A = arith.constant 0 : index
      %swap3A_61 = tpu.vector_load %arg14[%swap3A] {strides = array<i32>} : memref<128xi32, #tpu.memory_space<vmem>>, vector<16xi32>,
      tpu.vector_store %arg14[%swap3A], %gather3A {strides = array<i32>} : memref<128xi32, #tpu.memory_space<vmem>>, vector<16xi32>,
      %gather3A_62 = tpu.vector_load_idx %arg11[%min3A_60] : memref<1024xi32, #tpu.memory_space<vmem>>[vector<16xi32>], vector<16xi32>,
      %swap3A_63 = arith.constant 0 : index
      %swap3A_64 = tpu.vector_load %arg16[%swap3A_63] {strides = array<i32>} : memref<128xi32, #tpu.memory_space<vmem>>, vector<16xi32>,
      tpu.vector_store %arg16[%swap3A_63], %gather3A_62 {strides = array<i32>} : memref<128xi32, #tpu.memory_space<vmem>>, vector<16xi32>,
      %add3A_65 = arith.constant 16 : i32
      %add3A_66 = vector.broadcast %add3A_65 : i32 to vector<16xi32>
      %add3A_67 = arith.addi %add3A_66, %iota3A : vector<16xi32>
      %sub3A_68 = arith.constant 1 : i32
      %sub3A_69 = arith.subi %reduce_max3A_8, %sub3A_68 : i32
      %min3A_70 = vector.broadcast %sub3A_69 : i32 to vector<16xi32>
      %min3A_71 = arith.minsi %add3A_67, %min3A_70 : vector<16xi32>
      %gather3A_72 = tpu.vector_load_idx %arg12[%min3A_71] : memref<1024xi32, #tpu.memory_space<vmem>>[vector<16xi32>], vector<16xi32>,
      %swap3A_73 = arith.constant 16 : index
      %swap3A_74 = tpu.vector_load %arg14[%swap3A_73] {strides = array<i32>} : memref<128xi32, #tpu.memory_space<vmem>>, vector<16xi32>,
      tpu.vector_store %arg14[%swap3A_73], %gather3A_72 {strides = array<i32>} : memref<128xi32, #tpu.memory_space<vmem>>, vector<16xi32>,
      %gather3A_75 = tpu.vector_load_idx %arg11[%min3A_71] : memref<1024xi32, #tpu.memory_space<vmem>>[vector<16xi32>], vector<16xi32>,
      %swap3A_76 = arith.constant 16 : index
      %swap3A_77 = tpu.vector_load %arg16[%swap3A_76] {strides = array<i32>} : memref<128xi32, #tpu.memory_space<vmem>>, vector<16xi32>,
      tpu.vector_store %arg16[%swap3A_76], %gather3A_75 {strides = array<i32>} : memref<128xi32, #tpu.memory_space<vmem>>, vector<16xi32>,
      %add3A_78 = arith.constant 32 : i32
      %add3A_79 = vector.broadcast %add3A_78 : i32 to vector<16xi32>
      %add3A_80 = arith.addi %add3A_79, %iota3A : vector<16xi32>
      %sub3A_81 = arith.constant 1 : i32
      %sub3A_82 = arith.subi %reduce_max3A_8, %sub3A_81 : i32
      %min3A_83 = vector.broadcast %sub3A_82 : i32 to vector<16xi32>
      %min3A_84 = arith.minsi %add3A_80, %min3A_83 : vector<16xi32>
      %gather3A_85 = tpu.vector_load_idx %arg12[%min3A_84] : memref<1024xi32, #tpu.memory_space<vmem>>[vector<16xi32>], vector<16xi32>,
      %swap3A_86 = arith.constant 32 : index
      %swap3A_87 = tpu.vector_load %arg14[%swap3A_86] {strides = array<i32>} : memref<128xi32, #tpu.memory_space<vmem>>, vector<16xi32>,
      tpu.vector_store %arg14[%swap3A_86], %gather3A_85 {strides = array<i32>} : memref<128xi32, #tpu.memory_space<vmem>>, vector<16xi32>,
      %gather3A_88 = tpu.vector_load_idx %arg11[%min3A_84] : memref<1024xi32, #tpu.memory_space<vmem>>[vector<16xi32>], vector<16xi32>,
      %swap3A_89 = arith.constant 32 : index
      %swap3A_90 = tpu.vector_load %arg16[%swap3A_89] {strides = array<i32>} : memref<128xi32, #tpu.memory_space<vmem>>, vector<16xi32>,
      tpu.vector_store %arg16[%swap3A_89], %gather3A_88 {strides = array<i32>} : memref<128xi32, #tpu.memory_space<vmem>>, vector<16xi32>,
      %add3A_91 = arith.constant 48 : i32
      %add3A_92 = vector.broadcast %add3A_91 : i32 to vector<16xi32>
      %add3A_93 = arith.addi %add3A_92, %iota3A : vector<16xi32>
      %sub3A_94 = arith.constant 1 : i32
      %sub3A_95 = arith.subi %reduce_max3A_8, %sub3A_94 : i32
      %min3A_96 = vector.broadcast %sub3A_95 : i32 to vector<16xi32>
      %min3A_97 = arith.minsi %add3A_93, %min3A_96 : vector<16xi32>
      %gather3A_98 = tpu.vector_load_idx %arg12[%min3A_97] : memref<1024xi32, #tpu.memory_space<vmem>>[vector<16xi32>], vector<16xi32>,
      %swap3A_99 = arith.constant 48 : index
      %swap3A_100 = tpu.vector_load %arg14[%swap3A_99] {strides = array<i32>} : memref<128xi32, #tpu.memory_space<vmem>>, vector<16xi32>,
      tpu.vector_store %arg14[%swap3A_99], %gather3A_98 {strides = array<i32>} : memref<128xi32, #tpu.memory_space<vmem>>, vector<16xi32>,
      %gather3A_101 = tpu.vector_load_idx %arg11[%min3A_97] : memref<1024xi32, #tpu.memory_space<vmem>>[vector<16xi32>], vector<16xi32>,
      %swap3A_102 = arith.constant 48 : index
      %swap3A_103 = tpu.vector_load %arg16[%swap3A_102] {strides = array<i32>} : memref<128xi32, #tpu.memory_space<vmem>>, vector<16xi32>,
      tpu.vector_store %arg16[%swap3A_102], %gather3A_101 {strides = array<i32>} : memref<128xi32, #tpu.memory_space<vmem>>, vector<16xi32>,
      %add3A_104 = arith.constant 64 : i32
      %add3A_105 = vector.broadcast %add3A_104 : i32 to vector<16xi32>
      %add3A_106 = arith.addi %add3A_105, %iota3A : vector<16xi32>
      %sub3A_107 = arith.constant 1 : i32
      %sub3A_108 = arith.subi %reduce_max3A_8, %sub3A_107 : i32
      %min3A_109 = vector.broadcast %sub3A_108 : i32 to vector<16xi32>
      %min3A_110 = arith.minsi %add3A_106, %min3A_109 : vector<16xi32>
      %gather3A_111 = tpu.vector_load_idx %arg12[%min3A_110] : memref<1024xi32, #tpu.memory_space<vmem>>[vector<16xi32>], vector<16xi32>,
      %swap3A_112 = arith.constant 64 : index
      %swap3A_113 = tpu.vector_load %arg14[%swap3A_112] {strides = array<i32>} : memref<128xi32, #tpu.memory_space<vmem>>, vector<16xi32>,
      tpu.vector_store %arg14[%swap3A_112], %gather3A_111 {strides = array<i32>} : memref<128xi32, #tpu.memory_space<vmem>>, vector<16xi32>,
      %gather3A_114 = tpu.vector_load_idx %arg11[%min3A_110] : memref<1024xi32, #tpu.memory_space<vmem>>[vector<16xi32>], vector<16xi32>,
      %swap3A_115 = arith.constant 64 : index
      %swap3A_116 = tpu.vector_load %arg16[%swap3A_115] {strides = array<i32>} : memref<128xi32, #tpu.memory_space<vmem>>, vector<16xi32>,
      tpu.vector_store %arg16[%swap3A_115], %gather3A_114 {strides = array<i32>} : memref<128xi32, #tpu.memory_space<vmem>>, vector<16xi32>,
      %add3A_117 = arith.constant 80 : i32
      %add3A_118 = vector.broadcast %add3A_117 : i32 to vector<16xi32>
      %add3A_119 = arith.addi %add3A_118, %iota3A : vector<16xi32>
      %sub3A_120 = arith.constant 1 : i32
      %sub3A_121 = arith.subi %reduce_max3A_8, %sub3A_120 : i32
      %min3A_122 = vector.broadcast %sub3A_121 : i32 to vector<16xi32>
      %min3A_123 = arith.minsi %add3A_119, %min3A_122 : vector<16xi32>
      %gather3A_124 = tpu.vector_load_idx %arg12[%min3A_123] : memref<1024xi32, #tpu.memory_space<vmem>>[vector<16xi32>], vector<16xi32>,
      %swap3A_125 = arith.constant 80 : index
      %swap3A_126 = tpu.vector_load %arg14[%swap3A_125] {strides = array<i32>} : memref<128xi32, #tpu.memory_space<vmem>>, vector<16xi32>,
      tpu.vector_store %arg14[%swap3A_125], %gather3A_124 {strides = array<i32>} : memref<128xi32, #tpu.memory_space<vmem>>, vector<16xi32>,
      %gather3A_127 = tpu.vector_load_idx %arg11[%min3A_123] : memref<1024xi32, #tpu.memory_space<vmem>>[vector<16xi32>], vector<16xi32>,
      %swap3A_128 = arith.constant 80 : index
      %swap3A_129 = tpu.vector_load %arg16[%swap3A_128] {strides = array<i32>} : memref<128xi32, #tpu.memory_space<vmem>>, vector<16xi32>,
      tpu.vector_store %arg16[%swap3A_128], %gather3A_127 {strides = array<i32>} : memref<128xi32, #tpu.memory_space<vmem>>, vector<16xi32>,
      %add3A_130 = arith.constant 96 : i32
      %add3A_131 = vector.broadcast %add3A_130 : i32 to vector<16xi32>
      %add3A_132 = arith.addi %add3A_131, %iota3A : vector<16xi32>
      %sub3A_133 = arith.constant 1 : i32
      %sub3A_134 = arith.subi %reduce_max3A_8, %sub3A_133 : i32
      %min3A_135 = vector.broadcast %sub3A_134 : i32 to vector<16xi32>
      %min3A_136 = arith.minsi %add3A_132, %min3A_135 : vector<16xi32>
      %gather3A_137 = tpu.vector_load_idx %arg12[%min3A_136] : memref<1024xi32, #tpu.memory_space<vmem>>[vector<16xi32>], vector<16xi32>,
      %swap3A_138 = arith.constant 96 : index
      %swap3A_139 = tpu.vector_load %arg14[%swap3A_138] {strides = array<i32>} : memref<128xi32, #tpu.memory_space<vmem>>, vector<16xi32>,
      tpu.vector_store %arg14[%swap3A_138], %gather3A_137 {strides = array<i32>} : memref<128xi32, #tpu.memory_space<vmem>>, vector<16xi32>,
      %gather3A_140 = tpu.vector_load_idx %arg11[%min3A_136] : memref<1024xi32, #tpu.memory_space<vmem>>[vector<16xi32>], vector<16xi32>,
      %swap3A_141 = arith.constant 96 : index
      %swap3A_142 = tpu.vector_load %arg16[%swap3A_141] {strides = array<i32>} : memref<128xi32, #tpu.memory_space<vmem>>, vector<16xi32>,
      tpu.vector_store %arg16[%swap3A_141], %gather3A_140 {strides = array<i32>} : memref<128xi32, #tpu.memory_space<vmem>>, vector<16xi32>,
      %add3A_143 = arith.constant 112 : i32
      %add3A_144 = vector.broadcast %add3A_143 : i32 to vector<16xi32>
      %add3A_145 = arith.addi %add3A_144, %iota3A : vector<16xi32>
      %sub3A_146 = arith.constant 1 : i32
      %sub3A_147 = arith.subi %reduce_max3A_8, %sub3A_146 : i32
      %min3A_148 = vector.broadcast %sub3A_147 : i32 to vector<16xi32>
      %min3A_149 = arith.minsi %add3A_145, %min3A_148 : vector<16xi32>
      %gather3A_150 = tpu.vector_load_idx %arg12[%min3A_149] : memref<1024xi32, #tpu.memory_space<vmem>>[vector<16xi32>], vector<16xi32>,
      %swap3A_151 = arith.constant 112 : index
      %swap3A_152 = tpu.vector_load %arg14[%swap3A_151] {strides = array<i32>} : memref<128xi32, #tpu.memory_space<vmem>>, vector<16xi32>,
      tpu.vector_store %arg14[%swap3A_151], %gather3A_150 {strides = array<i32>} : memref<128xi32, #tpu.memory_space<vmem>>, vector<16xi32>,
      %gather3A_153 = tpu.vector_load_idx %arg11[%min3A_149] : memref<1024xi32, #tpu.memory_space<vmem>>[vector<16xi32>], vector<16xi32>,
      %swap3A_154 = arith.constant 112 : index
      %swap3A_155 = tpu.vector_load %arg16[%swap3A_154] {strides = array<i32>} : memref<128xi32, #tpu.memory_space<vmem>>, vector<16xi32>,
      tpu.vector_store %arg16[%swap3A_154], %gather3A_153 {strides = array<i32>} : memref<128xi32, #tpu.memory_space<vmem>>, vector<16xi32>,
      %dma_start3A = tpu.memref_bitcast %arg2 : memref<8192x8x128xf8E4M3FN, #tpu.memory_space<hbm>> -> memref<8192x2x128xi32, #tpu.memory_space<hbm>>
      %dma_start3A_156 = arith.constant 0 : i32
      %dma_start3A_157 = arith.constant 0 : i32
      %dma_start3A_158 = arith.constant 0 : i32
      %dma_start3A_159 = tpu.memref_slice %dma_start3A[%dma_start3A_156, %dma_start3A_157, %dma_start3A_158] : memref<8192x2x128xi32, #tpu.memory_space<hbm>> -> memref<8192x2x128xi32, #tpu.memory_space<hbm>>
      tpu.enqueue_indirect_dma source(%dma_start3A_159 : memref<8192x2x128xi32, #tpu.memory_space<hbm>>) target(%arg18 : memref<128x2x128xi32, #tpu.memory_space<vmem>>) offsets(%arg14 : memref<128xi32, #tpu.memory_space<vmem>>) semaphore(%arg20 : memref<!tpu.dma_semaphore, #tpu.memory_space<semaphore_mem>>)
      %dma_wait3A = tpu.memref_bitcast %arg2 : memref<8192x8x128xf8E4M3FN, #tpu.memory_space<hbm>> -> memref<8192x2x128xi32, #tpu.memory_space<hbm>>
      %dma_wait3A_160 = arith.constant 0 : i32
      %dma_wait3A_161 = arith.constant 0 : i32
      %dma_wait3A_162 = arith.constant 0 : i32
      %dma_wait3A_163 = tpu.memref_slice %dma_wait3A[%dma_wait3A_160, %dma_wait3A_161, %dma_wait3A_162] : memref<8192x2x128xi32, #tpu.memory_space<hbm>> -> memref<8192x2x128xi32, #tpu.memory_space<hbm>>
      tpu.wait_indirect_dma semaphore(%arg20 : memref<!tpu.dma_semaphore, #tpu.memory_space<semaphore_mem>>) src(%dma_wait3A_163 : memref<8192x2x128xi32, #tpu.memory_space<hbm>>) dst(%arg18 : memref<128x2x128xi32, #tpu.memory_space<vmem>>)
      %dma_start3A_164 = tpu.memref_bitcast %arg6 : memref<32768x8x128xf8E4M3FN, #tpu.memory_space<hbm>> -> memref<32768x2x128xi32, #tpu.memory_space<hbm>>
      %dma_start3A_165 = arith.constant 0 : i32
      %dma_start3A_166 = arith.constant 0 : i32
      %dma_start3A_167 = arith.constant 0 : i32
      %dma_start3A_168 = tpu.memref_slice %dma_start3A_164[%dma_start3A_165, %dma_start3A_166, %dma_start3A_167] : memref<32768x2x128xi32, #tpu.memory_space<hbm>> -> memref<32768x2x128xi32, #tpu.memory_space<hbm>>
      tpu.enqueue_indirect_dma source(%arg18 : memref<128x2x128xi32, #tpu.memory_space<vmem>>) target(%dma_start3A_168 : memref<32768x2x128xi32, #tpu.memory_space<hbm>>) offsets(%arg16 : memref<128xi32, #tpu.memory_space<vmem>>) semaphore(%arg22 : memref<!tpu.dma_semaphore, #tpu.memory_space<semaphore_mem>>)
    } else {
    }
    %gt3A_11 = arith.constant 128 : i32
    %gt3A_12 = arith.cmpi sgt, %reduce_max3A_8, %gt3A_11 : i32
    %convert_element_type3A_13 = arith.extui %gt3A_12 : i1 to i32
    %cond3A_14 = arith.constant 0 : i32
    %cond3A_15 = arith.cmpi ne, %convert_element_type3A_13, %cond3A_14 : i32
    scf.if %cond3A_15 {
      %add3A_56 = arith.constant 128 : i32
      %add3A_57 = vector.broadcast %add3A_56 : i32 to vector<16xi32>
      %add3A_58 = arith.addi %add3A_57, %iota3A : vector<16xi32>
      %sub3A = arith.constant 1 : i32
      %sub3A_59 = arith.subi %reduce_max3A_8, %sub3A : i32
      %min3A = vector.broadcast %sub3A_59 : i32 to vector<16xi32>
      %min3A_60 = arith.minsi %add3A_58, %min3A : vector<16xi32>
      %gather3A = tpu.vector_load_idx %arg12[%min3A_60] : memref<1024xi32, #tpu.memory_space<vmem>>[vector<16xi32>], vector<16xi32>,
      %swap3A = arith.constant 0 : index
      %swap3A_61 = tpu.vector_load %arg15[%swap3A] {strides = array<i32>} : memref<128xi32, #tpu.memory_space<vmem>>, vector<16xi32>,
      tpu.vector_store %arg15[%swap3A], %gather3A {strides = array<i32>} : memref<128xi32, #tpu.memory_space<vmem>>, vector<16xi32>,
      %gather3A_62 = tpu.vector_load_idx %arg11[%min3A_60] : memref<1024xi32, #tpu.memory_space<vmem>>[vector<16xi32>], vector<16xi32>,
      %swap3A_63 = arith.constant 0 : index
      %swap3A_64 = tpu.vector_load %arg17[%swap3A_63] {strides = array<i32>} : memref<128xi32, #tpu.memory_space<vmem>>, vector<16xi32>,
      tpu.vector_store %arg17[%swap3A_63], %gather3A_62 {strides = array<i32>} : memref<128xi32, #tpu.memory_space<vmem>>, vector<16xi32>,
      %add3A_65 = arith.constant 144 : i32
      %add3A_66 = vector.broadcast %add3A_65 : i32 to vector<16xi32>
      %add3A_67 = arith.addi %add3A_66, %iota3A : vector<16xi32>
      %sub3A_68 = arith.constant 1 : i32
      %sub3A_69 = arith.subi %reduce_max3A_8, %sub3A_68 : i32
      %min3A_70 = vector.broadcast %sub3A_69 : i32 to vector<16xi32>
      %min3A_71 = arith.minsi %add3A_67, %min3A_70 : vector<16xi32>
      %gather3A_72 = tpu.vector_load_idx %arg12[%min3A_71] : memref<1024xi32, #tpu.memory_space<vmem>>[vector<16xi32>], vector<16xi32>,
      %swap3A_73 = arith.constant 16 : index
      %swap3A_74 = tpu.vector_load %arg15[%swap3A_73] {strides = array<i32>} : memref<128xi32, #tpu.memory_space<vmem>>, vector<16xi32>,
      tpu.vector_store %arg15[%swap3A_73], %gather3A_72 {strides = array<i32>} : memref<128xi32, #tpu.memory_space<vmem>>, vector<16xi32>,
      %gather3A_75 = tpu.vector_load_idx %arg11[%min3A_71] : memref<1024xi32, #tpu.memory_space<vmem>>[vector<16xi32>], vector<16xi32>,
      %swap3A_76 = arith.constant 16 : index
      %swap3A_77 = tpu.vector_load %arg17[%swap3A_76] {strides = array<i32>} : memref<128xi32, #tpu.memory_space<vmem>>, vector<16xi32>,
      tpu.vector_store %arg17[%swap3A_76], %gather3A_75 {strides = array<i32>} : memref<128xi32, #tpu.memory_space<vmem>>, vector<16xi32>,
      %add3A_78 = arith.constant 160 : i32
      %add3A_79 = vector.broadcast %add3A_78 : i32 to vector<16xi32>
      %add3A_80 = arith.addi %add3A_79, %iota3A : vector<16xi32>
      %sub3A_81 = arith.constant 1 : i32
      %sub3A_82 = arith.subi %reduce_max3A_8, %sub3A_81 : i32
      %min3A_83 = vector.broadcast %sub3A_82 : i32 to vector<16xi32>
      %min3A_84 = arith.minsi %add3A_80, %min3A_83 : vector<16xi32>
      %gather3A_85 = tpu.vector_load_idx %arg12[%min3A_84] : memref<1024xi32, #tpu.memory_space<vmem>>[vector<16xi32>], vector<16xi32>,
      %swap3A_86 = arith.constant 32 : index
      %swap3A_87 = tpu.vector_load %arg15[%swap3A_86] {strides = array<i32>} : memref<128xi32, #tpu.memory_space<vmem>>, vector<16xi32>,
      tpu.vector_store %arg15[%swap3A_86], %gather3A_85 {strides = array<i32>} : memref<128xi32, #tpu.memory_space<vmem>>, vector<16xi32>,
      %gather3A_88 = tpu.vector_load_idx %arg11[%min3A_84] : memref<1024xi32, #tpu.memory_space<vmem>>[vector<16xi32>], vector<16xi32>,
      %swap3A_89 = arith.constant 32 : index
      %swap3A_90 = tpu.vector_load %arg17[%swap3A_89] {strides = array<i32>} : memref<128xi32, #tpu.memory_space<vmem>>, vector<16xi32>,
      tpu.vector_store %arg17[%swap3A_89], %gather3A_88 {strides = array<i32>} : memref<128xi32, #tpu.memory_space<vmem>>, vector<16xi32>,
      %add3A_91 = arith.constant 176 : i32
      %add3A_92 = vector.broadcast %add3A_91 : i32 to vector<16xi32>
      %add3A_93 = arith.addi %add3A_92, %iota3A : vector<16xi32>
      %sub3A_94 = arith.constant 1 : i32
      %sub3A_95 = arith.subi %reduce_max3A_8, %sub3A_94 : i32
      %min3A_96 = vector.broadcast %sub3A_95 : i32 to vector<16xi32>
      %min3A_97 = arith.minsi %add3A_93, %min3A_96 : vector<16xi32>
      %gather3A_98 = tpu.vector_load_idx %arg12[%min3A_97] : memref<1024xi32, #tpu.memory_space<vmem>>[vector<16xi32>], vector<16xi32>,
      %swap3A_99 = arith.constant 48 : index
      %swap3A_100 = tpu.vector_load %arg15[%swap3A_99] {strides = array<i32>} : memref<128xi32, #tpu.memory_space<vmem>>, vector<16xi32>,
      tpu.vector_store %arg15[%swap3A_99], %gather3A_98 {strides = array<i32>} : memref<128xi32, #tpu.memory_space<vmem>>, vector<16xi32>,
      %gather3A_101 = tpu.vector_load_idx %arg11[%min3A_97] : memref<1024xi32, #tpu.memory_space<vmem>>[vector<16xi32>], vector<16xi32>,
      %swap3A_102 = arith.constant 48 : index
      %swap3A_103 = tpu.vector_load %arg17[%swap3A_102] {strides = array<i32>} : memref<128xi32, #tpu.memory_space<vmem>>, vector<16xi32>,
      tpu.vector_store %arg17[%swap3A_102], %gather3A_101 {strides = array<i32>} : memref<128xi32, #tpu.memory_space<vmem>>, vector<16xi32>,
      %add3A_104 = arith.constant 192 : i32
      %add3A_105 = vector.broadcast %add3A_104 : i32 to vector<16xi32>
      %add3A_106 = arith.addi %add3A_105, %iota3A : vector<16xi32>
      %sub3A_107 = arith.constant 1 : i32
      %sub3A_108 = arith.subi %reduce_max3A_8, %sub3A_107 : i32
      %min3A_109 = vector.broadcast %sub3A_108 : i32 to vector<16xi32>
      %min3A_110 = arith.minsi %add3A_106, %min3A_109 : vector<16xi32>
      %gather3A_111 = tpu.vector_load_idx %arg12[%min3A_110] : memref<1024xi32, #tpu.memory_space<vmem>>[vector<16xi32>], vector<16xi32>,
      %swap3A_112 = arith.constant 64 : index
      %swap3A_113 = tpu.vector_load %arg15[%swap3A_112] {strides = array<i32>} : memref<128xi32, #tpu.memory_space<vmem>>, vector<16xi32>,
      tpu.vector_store %arg15[%swap3A_112], %gather3A_111 {strides = array<i32>} : memref<128xi32, #tpu.memory_space<vmem>>, vector<16xi32>,
      %gather3A_114 = tpu.vector_load_idx %arg11[%min3A_110] : memref<1024xi32, #tpu.memory_space<vmem>>[vector<16xi32>], vector<16xi32>,
      %swap3A_115 = arith.constant 64 : index
      %swap3A_116 = tpu.vector_load %arg17[%swap3A_115] {strides = array<i32>} : memref<128xi32, #tpu.memory_space<vmem>>, vector<16xi32>,
      tpu.vector_store %arg17[%swap3A_115], %gather3A_114 {strides = array<i32>} : memref<128xi32, #tpu.memory_space<vmem>>, vector<16xi32>,
      %add3A_117 = arith.constant 208 : i32
      %add3A_118 = vector.broadcast %add3A_117 : i32 to vector<16xi32>
      %add3A_119 = arith.addi %add3A_118, %iota3A : vector<16xi32>
      %sub3A_120 = arith.constant 1 : i32
      %sub3A_121 = arith.subi %reduce_max3A_8, %sub3A_120 : i32
      %min3A_122 = vector.broadcast %sub3A_121 : i32 to vector<16xi32>
      %min3A_123 = arith.minsi %add3A_119, %min3A_122 : vector<16xi32>
      %gather3A_124 = tpu.vector_load_idx %arg12[%min3A_123] : memref<1024xi32, #tpu.memory_space<vmem>>[vector<16xi32>], vector<16xi32>,
      %swap3A_125 = arith.constant 80 : index
      %swap3A_126 = tpu.vector_load %arg15[%swap3A_125] {strides = array<i32>} : memref<128xi32, #tpu.memory_space<vmem>>, vector<16xi32>,
      tpu.vector_store %arg15[%swap3A_125], %gather3A_124 {strides = array<i32>} : memref<128xi32, #tpu.memory_space<vmem>>, vector<16xi32>,
      %gather3A_127 = tpu.vector_load_idx %arg11[%min3A_123] : memref<1024xi32, #tpu.memory_space<vmem>>[vector<16xi32>], vector<16xi32>,
      %swap3A_128 = arith.constant 80 : index
      %swap3A_129 = tpu.vector_load %arg17[%swap3A_128] {strides = array<i32>} : memref<128xi32, #tpu.memory_space<vmem>>, vector<16xi32>,
      tpu.vector_store %arg17[%swap3A_128], %gather3A_127 {strides = array<i32>} : memref<128xi32, #tpu.memory_space<vmem>>, vector<16xi32>,
      %add3A_130 = arith.constant 224 : i32
      %add3A_131 = vector.broadcast %add3A_130 : i32 to vector<16xi32>
      %add3A_132 = arith.addi %add3A_131, %iota3A : vector<16xi32>
      %sub3A_133 = arith.constant 1 : i32
      %sub3A_134 = arith.subi %reduce_max3A_8, %sub3A_133 : i32
      %min3A_135 = vector.broadcast %sub3A_134 : i32 to vector<16xi32>
      %min3A_136 = arith.minsi %add3A_132, %min3A_135 : vector<16xi32>
      %gather3A_137 = tpu.vector_load_idx %arg12[%min3A_136] : memref<1024xi32, #tpu.memory_space<vmem>>[vector<16xi32>], vector<16xi32>,
      %swap3A_138 = arith.constant 96 : index
      %swap3A_139 = tpu.vector_load %arg15[%swap3A_138] {strides = array<i32>} : memref<128xi32, #tpu.memory_space<vmem>>, vector<16xi32>,
      tpu.vector_store %arg15[%swap3A_138], %gather3A_137 {strides = array<i32>} : memref<128xi32, #tpu.memory_space<vmem>>, vector<16xi32>,
      %gather3A_140 = tpu.vector_load_idx %arg11[%min3A_136] : memref<1024xi32, #tpu.memory_space<vmem>>[vector<16xi32>], vector<16xi32>,
      %swap3A_141 = arith.constant 96 : index
      %swap3A_142 = tpu.vector_load %arg17[%swap3A_141] {strides = array<i32>} : memref<128xi32, #tpu.memory_space<vmem>>, vector<16xi32>,
      tpu.vector_store %arg17[%swap3A_141], %gather3A_140 {strides = array<i32>} : memref<128xi32, #tpu.memory_space<vmem>>, vector<16xi32>,
      %add3A_143 = arith.constant 240 : i32
      %add3A_144 = vector.broadcast %add3A_143 : i32 to vector<16xi32>
      %add3A_145 = arith.addi %add3A_144, %iota3A : vector<16xi32>
      %sub3A_146 = arith.constant 1 : i32
      %sub3A_147 = arith.subi %reduce_max3A_8, %sub3A_146 : i32
      %min3A_148 = vector.broadcast %sub3A_147 : i32 to vector<16xi32>
      %min3A_149 = arith.minsi %add3A_145, %min3A_148 : vector<16xi32>
      %gather3A_150 = tpu.vector_load_idx %arg12[%min3A_149] : memref<1024xi32, #tpu.memory_space<vmem>>[vector<16xi32>], vector<16xi32>,
      %swap3A_151 = arith.constant 112 : index
      %swap3A_152 = tpu.vector_load %arg15[%swap3A_151] {strides = array<i32>} : memref<128xi32, #tpu.memory_space<vmem>>, vector<16xi32>,
      tpu.vector_store %arg15[%swap3A_151], %gather3A_150 {strides = array<i32>} : memref<128xi32, #tpu.memory_space<vmem>>, vector<16xi32>,
      %gather3A_153 = tpu.vector_load_idx %arg11[%min3A_149] : memref<1024xi32, #tpu.memory_space<vmem>>[vector<16xi32>], vector<16xi32>,
      %swap3A_154 = arith.constant 112 : index
      %swap3A_155 = tpu.vector_load %arg17[%swap3A_154] {strides = array<i32>} : memref<128xi32, #tpu.memory_space<vmem>>, vector<16xi32>,
      tpu.vector_store %arg17[%swap3A_154], %gather3A_153 {strides = array<i32>} : memref<128xi32, #tpu.memory_space<vmem>>, vector<16xi32>,
      %dma_start3A = tpu.memref_bitcast %arg2 : memref<8192x8x128xf8E4M3FN, #tpu.memory_space<hbm>> -> memref<8192x2x128xi32, #tpu.memory_space<hbm>>
      %dma_start3A_156 = arith.constant 0 : i32
      %dma_start3A_157 = arith.constant 0 : i32
      %dma_start3A_158 = arith.constant 0 : i32
      %dma_start3A_159 = tpu.memref_slice %dma_start3A[%dma_start3A_156, %dma_start3A_157, %dma_start3A_158] : memref<8192x2x128xi32, #tpu.memory_space<hbm>> -> memref<8192x2x128xi32, #tpu.memory_space<hbm>>
      tpu.enqueue_indirect_dma source(%dma_start3A_159 : memref<8192x2x128xi32, #tpu.memory_space<hbm>>) target(%arg19 : memref<128x2x128xi32, #tpu.memory_space<vmem>>) offsets(%arg15 : memref<128xi32, #tpu.memory_space<vmem>>) semaphore(%arg21 : memref<!tpu.dma_semaphore, #tpu.memory_space<semaphore_mem>>)
      %dma_wait3A = tpu.memref_bitcast %arg2 : memref<8192x8x128xf8E4M3FN, #tpu.memory_space<hbm>> -> memref<8192x2x128xi32, #tpu.memory_space<hbm>>
      %dma_wait3A_160 = arith.constant 0 : i32
      %dma_wait3A_161 = arith.constant 0 : i32
      %dma_wait3A_162 = arith.constant 0 : i32
      %dma_wait3A_163 = tpu.memref_slice %dma_wait3A[%dma_wait3A_160, %dma_wait3A_161, %dma_wait3A_162] : memref<8192x2x128xi32, #tpu.memory_space<hbm>> -> memref<8192x2x128xi32, #tpu.memory_space<hbm>>
      tpu.wait_indirect_dma semaphore(%arg21 : memref<!tpu.dma_semaphore, #tpu.memory_space<semaphore_mem>>) src(%dma_wait3A_163 : memref<8192x2x128xi32, #tpu.memory_space<hbm>>) dst(%arg19 : memref<128x2x128xi32, #tpu.memory_space<vmem>>)
      %dma_start3A_164 = tpu.memref_bitcast %arg6 : memref<32768x8x128xf8E4M3FN, #tpu.memory_space<hbm>> -> memref<32768x2x128xi32, #tpu.memory_space<hbm>>
      %dma_start3A_165 = arith.constant 0 : i32
      %dma_start3A_166 = arith.constant 0 : i32
      %dma_start3A_167 = arith.constant 0 : i32
      %dma_start3A_168 = tpu.memref_slice %dma_start3A_164[%dma_start3A_165, %dma_start3A_166, %dma_start3A_167] : memref<32768x2x128xi32, #tpu.memory_space<hbm>> -> memref<32768x2x128xi32, #tpu.memory_space<hbm>>
      tpu.enqueue_indirect_dma source(%arg19 : memref<128x2x128xi32, #tpu.memory_space<vmem>>) target(%dma_start3A_168 : memref<32768x2x128xi32, #tpu.memory_space<hbm>>) offsets(%arg17 : memref<128xi32, #tpu.memory_space<vmem>>) semaphore(%arg23 : memref<!tpu.dma_semaphore, #tpu.memory_space<semaphore_mem>>)
    } else {
    }
    %gt3A_16 = arith.constant 256 : i32
    %gt3A_17 = arith.cmpi sgt, %reduce_max3A_8, %gt3A_16 : i32
    %convert_element_type3A_18 = arith.extui %gt3A_17 : i1 to i32
    %cond3A_19 = arith.constant 0 : i32
    %cond3A_20 = arith.cmpi ne, %convert_element_type3A_18, %cond3A_19 : i32
    scf.if %cond3A_20 {
      %dma_wait3A = tpu.memref_bitcast %arg6 : memref<32768x8x128xf8E4M3FN, #tpu.memory_space<hbm>> -> memref<32768x2x128xi32, #tpu.memory_space<hbm>>
      %dma_wait3A_56 = arith.constant 0 : i32
      %dma_wait3A_57 = arith.constant 0 : i32
      %dma_wait3A_58 = arith.constant 0 : i32
      %dma_wait3A_59 = tpu.memref_slice %dma_wait3A[%dma_wait3A_56, %dma_wait3A_57, %dma_wait3A_58] : memref<32768x2x128xi32, #tpu.memory_space<hbm>> -> memref<32768x2x128xi32, #tpu.memory_space<hbm>>
      tpu.wait_indirect_dma semaphore(%arg22 : memref<!tpu.dma_semaphore, #tpu.memory_space<semaphore_mem>>) src(%arg18 : memref<128x2x128xi32, #tpu.memory_space<vmem>>) dst(%dma_wait3A_59 : memref<32768x2x128xi32, #tpu.memory_space<hbm>>)
      %add3A_60 = arith.constant 256 : i32
      %add3A_61 = vector.broadcast %add3A_60 : i32 to vector<16xi32>
      %add3A_62 = arith.addi %add3A_61, %iota3A : vector<16xi32>
      %sub3A = arith.constant 1 : i32
      %sub3A_63 = arith.subi %reduce_max3A_8, %sub3A : i32
      %min3A = vector.broadcast %sub3A_63 : i32 to vector<16xi32>
      %min3A_64 = arith.minsi %add3A_62, %min3A : vector<16xi32>
      %gather3A = tpu.vector_load_idx %arg12[%min3A_64] : memref<1024xi32, #tpu.memory_space<vmem>>[vector<16xi32>], vector<16xi32>,
      %swap3A = arith.constant 0 : index
      %swap3A_65 = tpu.vector_load %arg14[%swap3A] {strides = array<i32>} : memref<128xi32, #tpu.memory_space<vmem>>, vector<16xi32>,
      tpu.vector_store %arg14[%swap3A], %gather3A {strides = array<i32>} : memref<128xi32, #tpu.memory_space<vmem>>, vector<16xi32>,
      %gather3A_66 = tpu.vector_load_idx %arg11[%min3A_64] : memref<1024xi32, #tpu.memory_space<vmem>>[vector<16xi32>], vector<16xi32>,
      %swap3A_67 = arith.constant 0 : index
      %swap3A_68 = tpu.vector_load %arg16[%swap3A_67] {strides = array<i32>} : memref<128xi32, #tpu.memory_space<vmem>>, vector<16xi32>,
      tpu.vector_store %arg16[%swap3A_67], %gather3A_66 {strides = array<i32>} : memref<128xi32, #tpu.memory_space<vmem>>, vector<16xi32>,
      %add3A_69 = arith.constant 272 : i32
      %add3A_70 = vector.broadcast %add3A_69 : i32 to vector<16xi32>
      %add3A_71 = arith.addi %add3A_70, %iota3A : vector<16xi32>
      %sub3A_72 = arith.constant 1 : i32
      %sub3A_73 = arith.subi %reduce_max3A_8, %sub3A_72 : i32
      %min3A_74 = vector.broadcast %sub3A_73 : i32 to vector<16xi32>
      %min3A_75 = arith.minsi %add3A_71, %min3A_74 : vector<16xi32>
      %gather3A_76 = tpu.vector_load_idx %arg12[%min3A_75] : memref<1024xi32, #tpu.memory_space<vmem>>[vector<16xi32>], vector<16xi32>,
      %swap3A_77 = arith.constant 16 : index
      %swap3A_78 = tpu.vector_load %arg14[%swap3A_77] {strides = array<i32>} : memref<128xi32, #tpu.memory_space<vmem>>, vector<16xi32>,
      tpu.vector_store %arg14[%swap3A_77], %gather3A_76 {strides = array<i32>} : memref<128xi32, #tpu.memory_space<vmem>>, vector<16xi32>,
      %gather3A_79 = tpu.vector_load_idx %arg11[%min3A_75] : memref<1024xi32, #tpu.memory_space<vmem>>[vector<16xi32>], vector<16xi32>,
      %swap3A_80 = arith.constant 16 : index
      %swap3A_81 = tpu.vector_load %arg16[%swap3A_80] {strides = array<i32>} : memref<128xi32, #tpu.memory_space<vmem>>, vector<16xi32>,
      tpu.vector_store %arg16[%swap3A_80], %gather3A_79 {strides = array<i32>} : memref<128xi32, #tpu.memory_space<vmem>>, vector<16xi32>,
      %add3A_82 = arith.constant 288 : i32
      %add3A_83 = vector.broadcast %add3A_82 : i32 to vector<16xi32>
      %add3A_84 = arith.addi %add3A_83, %iota3A : vector<16xi32>
      %sub3A_85 = arith.constant 1 : i32
      %sub3A_86 = arith.subi %reduce_max3A_8, %sub3A_85 : i32
      %min3A_87 = vector.broadcast %sub3A_86 : i32 to vector<16xi32>
      %min3A_88 = arith.minsi %add3A_84, %min3A_87 : vector<16xi32>
      %gather3A_89 = tpu.vector_load_idx %arg12[%min3A_88] : memref<1024xi32, #tpu.memory_space<vmem>>[vector<16xi32>], vector<16xi32>,
      %swap3A_90 = arith.constant 32 : index
      %swap3A_91 = tpu.vector_load %arg14[%swap3A_90] {strides = array<i32>} : memref<128xi32, #tpu.memory_space<vmem>>, vector<16xi32>,
      tpu.vector_store %arg14[%swap3A_90], %gather3A_89 {strides = array<i32>} : memref<128xi32, #tpu.memory_space<vmem>>, vector<16xi32>,
      %gather3A_92 = tpu.vector_load_idx %arg11[%min3A_88] : memref<1024xi32, #tpu.memory_space<vmem>>[vector<16xi32>], vector<16xi32>,
      %swap3A_93 = arith.constant 32 : index
      %swap3A_94 = tpu.vector_load %arg16[%swap3A_93] {strides = array<i32>} : memref<128xi32, #tpu.memory_space<vmem>>, vector<16xi32>,
      tpu.vector_store %arg16[%swap3A_93], %gather3A_92 {strides = array<i32>} : memref<128xi32, #tpu.memory_space<vmem>>, vector<16xi32>,
      %add3A_95 = arith.constant 304 : i32
      %add3A_96 = vector.broadcast %add3A_95 : i32 to vector<16xi32>
      %add3A_97 = arith.addi %add3A_96, %iota3A : vector<16xi32>
      %sub3A_98 = arith.constant 1 : i32
      %sub3A_99 = arith.subi %reduce_max3A_8, %sub3A_98 : i32
      %min3A_100 = vector.broadcast %sub3A_99 : i32 to vector<16xi32>
      %min3A_101 = arith.minsi %add3A_97, %min3A_100 : vector<16xi32>
      %gather3A_102 = tpu.vector_load_idx %arg12[%min3A_101] : memref<1024xi32, #tpu.memory_space<vmem>>[vector<16xi32>], vector<16xi32>,
      %swap3A_103 = arith.constant 48 : index
      %swap3A_104 = tpu.vector_load %arg14[%swap3A_103] {strides = array<i32>} : memref<128xi32, #tpu.memory_space<vmem>>, vector<16xi32>,
      tpu.vector_store %arg14[%swap3A_103], %gather3A_102 {strides = array<i32>} : memref<128xi32, #tpu.memory_space<vmem>>, vector<16xi32>,
      %gather3A_105 = tpu.vector_load_idx %arg11[%min3A_101] : memref<1024xi32, #tpu.memory_space<vmem>>[vector<16xi32>], vector<16xi32>,
      %swap3A_106 = arith.constant 48 : index
      %swap3A_107 = tpu.vector_load %arg16[%swap3A_106] {strides = array<i32>} : memref<128xi32, #tpu.memory_space<vmem>>, vector<16xi32>,
      tpu.vector_store %arg16[%swap3A_106], %gather3A_105 {strides = array<i32>} : memref<128xi32, #tpu.memory_space<vmem>>, vector<16xi32>,
      %add3A_108 = arith.constant 320 : i32
      %add3A_109 = vector.broadcast %add3A_108 : i32 to vector<16xi32>
      %add3A_110 = arith.addi %add3A_109, %iota3A : vector<16xi32>
      %sub3A_111 = arith.constant 1 : i32
      %sub3A_112 = arith.subi %reduce_max3A_8, %sub3A_111 : i32
      %min3A_113 = vector.broadcast %sub3A_112 : i32 to vector<16xi32>
      %min3A_114 = arith.minsi %add3A_110, %min3A_113 : vector<16xi32>
      %gather3A_115 = tpu.vector_load_idx %arg12[%min3A_114] : memref<1024xi32, #tpu.memory_space<vmem>>[vector<16xi32>], vector<16xi32>,
      %swap3A_116 = arith.constant 64 : index
      %swap3A_117 = tpu.vector_load %arg14[%swap3A_116] {strides = array<i32>} : memref<128xi32, #tpu.memory_space<vmem>>, vector<16xi32>,
      tpu.vector_store %arg14[%swap3A_116], %gather3A_115 {strides = array<i32>} : memref<128xi32, #tpu.memory_space<vmem>>, vector<16xi32>,
      %gather3A_118 = tpu.vector_load_idx %arg11[%min3A_114] : memref<1024xi32, #tpu.memory_space<vmem>>[vector<16xi32>], vector<16xi32>,
      %swap3A_119 = arith.constant 64 : index
      %swap3A_120 = tpu.vector_load %arg16[%swap3A_119] {strides = array<i32>} : memref<128xi32, #tpu.memory_space<vmem>>, vector<16xi32>,
      tpu.vector_store %arg16[%swap3A_119], %gather3A_118 {strides = array<i32>} : memref<128xi32, #tpu.memory_space<vmem>>, vector<16xi32>,
      %add3A_121 = arith.constant 336 : i32
      %add3A_122 = vector.broadcast %add3A_121 : i32 to vector<16xi32>
      %add3A_123 = arith.addi %add3A_122, %iota3A : vector<16xi32>
      %sub3A_124 = arith.constant 1 : i32
      %sub3A_125 = arith.subi %reduce_max3A_8, %sub3A_124 : i32
      %min3A_126 = vector.broadcast %sub3A_125 : i32 to vector<16xi32>
      %min3A_127 = arith.minsi %add3A_123, %min3A_126 : vector<16xi32>
      %gather3A_128 = tpu.vector_load_idx %arg12[%min3A_127] : memref<1024xi32, #tpu.memory_space<vmem>>[vector<16xi32>], vector<16xi32>,
      %swap3A_129 = arith.constant 80 : index
      %swap3A_130 = tpu.vector_load %arg14[%swap3A_129] {strides = array<i32>} : memref<128xi32, #tpu.memory_space<vmem>>, vector<16xi32>,
      tpu.vector_store %arg14[%swap3A_129], %gather3A_128 {strides = array<i32>} : memref<128xi32, #tpu.memory_space<vmem>>, vector<16xi32>,
      %gather3A_131 = tpu.vector_load_idx %arg11[%min3A_127] : memref<1024xi32, #tpu.memory_space<vmem>>[vector<16xi32>], vector<16xi32>,
      %swap3A_132 = arith.constant 80 : index
      %swap3A_133 = tpu.vector_load %arg16[%swap3A_132] {strides = array<i32>} : memref<128xi32, #tpu.memory_space<vmem>>, vector<16xi32>,
      tpu.vector_store %arg16[%swap3A_132], %gather3A_131 {strides = array<i32>} : memref<128xi32, #tpu.memory_space<vmem>>, vector<16xi32>,
      %add3A_134 = arith.constant 352 : i32
      %add3A_135 = vector.broadcast %add3A_134 : i32 to vector<16xi32>
      %add3A_136 = arith.addi %add3A_135, %iota3A : vector<16xi32>
      %sub3A_137 = arith.constant 1 : i32
      %sub3A_138 = arith.subi %reduce_max3A_8, %sub3A_137 : i32
      %min3A_139 = vector.broadcast %sub3A_138 : i32 to vector<16xi32>
      %min3A_140 = arith.minsi %add3A_136, %min3A_139 : vector<16xi32>
      %gather3A_141 = tpu.vector_load_idx %arg12[%min3A_140] : memref<1024xi32, #tpu.memory_space<vmem>>[vector<16xi32>], vector<16xi32>,
      %swap3A_142 = arith.constant 96 : index
      %swap3A_143 = tpu.vector_load %arg14[%swap3A_142] {strides = array<i32>} : memref<128xi32, #tpu.memory_space<vmem>>, vector<16xi32>,
      tpu.vector_store %arg14[%swap3A_142], %gather3A_141 {strides = array<i32>} : memref<128xi32, #tpu.memory_space<vmem>>, vector<16xi32>,
      %gather3A_144 = tpu.vector_load_idx %arg11[%min3A_140] : memref<1024xi32, #tpu.memory_space<vmem>>[vector<16xi32>], vector<16xi32>,
      %swap3A_145 = arith.constant 96 : index
      %swap3A_146 = tpu.vector_load %arg16[%swap3A_145] {strides = array<i32>} : memref<128xi32, #tpu.memory_space<vmem>>, vector<16xi32>,
      tpu.vector_store %arg16[%swap3A_145], %gather3A_144 {strides = array<i32>} : memref<128xi32, #tpu.memory_space<vmem>>, vector<16xi32>,
      %add3A_147 = arith.constant 368 : i32
      %add3A_148 = vector.broadcast %add3A_147 : i32 to vector<16xi32>
      %add3A_149 = arith.addi %add3A_148, %iota3A : vector<16xi32>
      %sub3A_150 = arith.constant 1 : i32
      %sub3A_151 = arith.subi %reduce_max3A_8, %sub3A_150 : i32
      %min3A_152 = vector.broadcast %sub3A_151 : i32 to vector<16xi32>
      %min3A_153 = arith.minsi %add3A_149, %min3A_152 : vector<16xi32>
      %gather3A_154 = tpu.vector_load_idx %arg12[%min3A_153] : memref<1024xi32, #tpu.memory_space<vmem>>[vector<16xi32>], vector<16xi32>,
      %swap3A_155 = arith.constant 112 : index
      %swap3A_156 = tpu.vector_load %arg14[%swap3A_155] {strides = array<i32>} : memref<128xi32, #tpu.memory_space<vmem>>, vector<16xi32>,
      tpu.vector_store %arg14[%swap3A_155], %gather3A_154 {strides = array<i32>} : memref<128xi32, #tpu.memory_space<vmem>>, vector<16xi32>,
      %gather3A_157 = tpu.vector_load_idx %arg11[%min3A_153] : memref<1024xi32, #tpu.memory_space<vmem>>[vector<16xi32>], vector<16xi32>,
      %swap3A_158 = arith.constant 112 : index
      %swap3A_159 = tpu.vector_load %arg16[%swap3A_158] {strides = array<i32>} : memref<128xi32, #tpu.memory_space<vmem>>, vector<16xi32>,
      tpu.vector_store %arg16[%swap3A_158], %gather3A_157 {strides = array<i32>} : memref<128xi32, #tpu.memory_space<vmem>>, vector<16xi32>,
      %dma_start3A = tpu.memref_bitcast %arg2 : memref<8192x8x128xf8E4M3FN, #tpu.memory_space<hbm>> -> memref<8192x2x128xi32, #tpu.memory_space<hbm>>
      %dma_start3A_160 = arith.constant 0 : i32
      %dma_start3A_161 = arith.constant 0 : i32
      %dma_start3A_162 = arith.constant 0 : i32
      %dma_start3A_163 = tpu.memref_slice %dma_start3A[%dma_start3A_160, %dma_start3A_161, %dma_start3A_162] : memref<8192x2x128xi32, #tpu.memory_space<hbm>> -> memref<8192x2x128xi32, #tpu.memory_space<hbm>>
      tpu.enqueue_indirect_dma source(%dma_start3A_163 : memref<8192x2x128xi32, #tpu.memory_space<hbm>>) target(%arg18 : memref<128x2x128xi32, #tpu.memory_space<vmem>>) offsets(%arg14 : memref<128xi32, #tpu.memory_space<vmem>>) semaphore(%arg20 : memref<!tpu.dma_semaphore, #tpu.memory_space<semaphore_mem>>)
      %dma_wait3A_164 = tpu.memref_bitcast %arg2 : memref<8192x8x128xf8E4M3FN, #tpu.memory_space<hbm>> -> memref<8192x2x128xi32, #tpu.memory_space<hbm>>
      %dma_wait3A_165 = arith.constant 0 : i32
      %dma_wait3A_166 = arith.constant 0 : i32
      %dma_wait3A_167 = arith.constant 0 : i32
      %dma_wait3A_168 = tpu.memref_slice %dma_wait3A_164[%dma_wait3A_165, %dma_wait3A_166, %dma_wait3A_167] : memref<8192x2x128xi32, #tpu.memory_space<hbm>> -> memref<8192x2x128xi32, #tpu.memory_space<hbm>>
      tpu.wait_indirect_dma semaphore(%arg20 : memref<!tpu.dma_semaphore, #tpu.memory_space<semaphore_mem>>) src(%dma_wait3A_168 : memref<8192x2x128xi32, #tpu.memory_space<hbm>>) dst(%arg18 : memref<128x2x128xi32, #tpu.memory_space<vmem>>)
      %dma_start3A_169 = tpu.memref_bitcast %arg6 : memref<32768x8x128xf8E4M3FN, #tpu.memory_space<hbm>> -> memref<32768x2x128xi32, #tpu.memory_space<hbm>>
      %dma_start3A_170 = arith.constant 0 : i32
      %dma_start3A_171 = arith.constant 0 : i32
      %dma_start3A_172 = arith.constant 0 : i32
      %dma_start3A_173 = tpu.memref_slice %dma_start3A_169[%dma_start3A_170, %dma_start3A_171, %dma_start3A_172] : memref<32768x2x128xi32, #tpu.memory_space<hbm>> -> memref<32768x2x128xi32, #tpu.memory_space<hbm>>
      tpu.enqueue_indirect_dma source(%arg18 : memref<128x2x128xi32, #tpu.memory_space<vmem>>) target(%dma_start3A_173 : memref<32768x2x128xi32, #tpu.memory_space<hbm>>) offsets(%arg16 : memref<128xi32, #tpu.memory_space<vmem>>) semaphore(%arg22 : memref<!tpu.dma_semaphore, #tpu.memory_space<semaphore_mem>>)
    } else {
    }
    %gt3A_21 = arith.constant 384 : i32
    %gt3A_22 = arith.cmpi sgt, %reduce_max3A_8, %gt3A_21 : i32
    %convert_element_type3A_23 = arith.extui %gt3A_22 : i1 to i32
    %cond3A_24 = arith.constant 0 : i32
    %cond3A_25 = arith.cmpi ne, %convert_element_type3A_23, %cond3A_24 : i32
    scf.if %cond3A_25 {
      %dma_wait3A = tpu.memref_bitcast %arg6 : memref<32768x8x128xf8E4M3FN, #tpu.memory_space<hbm>> -> memref<32768x2x128xi32, #tpu.memory_space<hbm>>
      %dma_wait3A_56 = arith.constant 0 : i32
      %dma_wait3A_57 = arith.constant 0 : i32
      %dma_wait3A_58 = arith.constant 0 : i32
      %dma_wait3A_59 = tpu.memref_slice %dma_wait3A[%dma_wait3A_56, %dma_wait3A_57, %dma_wait3A_58] : memref<32768x2x128xi32, #tpu.memory_space<hbm>> -> memref<32768x2x128xi32, #tpu.memory_space<hbm>>
      tpu.wait_indirect_dma semaphore(%arg23 : memref<!tpu.dma_semaphore, #tpu.memory_space<semaphore_mem>>) src(%arg19 : memref<128x2x128xi32, #tpu.memory_space<vmem>>) dst(%dma_wait3A_59 : memref<32768x2x128xi32, #tpu.memory_space<hbm>>)
      %add3A_60 = arith.constant 384 : i32
      %add3A_61 = vector.broadcast %add3A_60 : i32 to vector<16xi32>
      %add3A_62 = arith.addi %add3A_61, %iota3A : vector<16xi32>
      %sub3A = arith.constant 1 : i32
      %sub3A_63 = arith.subi %reduce_max3A_8, %sub3A : i32
      %min3A = vector.broadcast %sub3A_63 : i32 to vector<16xi32>
      %min3A_64 = arith.minsi %add3A_62, %min3A : vector<16xi32>
      %gather3A = tpu.vector_load_idx %arg12[%min3A_64] : memref<1024xi32, #tpu.memory_space<vmem>>[vector<16xi32>], vector<16xi32>,
      %swap3A = arith.constant 0 : index
      %swap3A_65 = tpu.vector_load %arg15[%swap3A] {strides = array<i32>} : memref<128xi32, #tpu.memory_space<vmem>>, vector<16xi32>,
      tpu.vector_store %arg15[%swap3A], %gather3A {strides = array<i32>} : memref<128xi32, #tpu.memory_space<vmem>>, vector<16xi32>,
      %gather3A_66 = tpu.vector_load_idx %arg11[%min3A_64] : memref<1024xi32, #tpu.memory_space<vmem>>[vector<16xi32>], vector<16xi32>,
      %swap3A_67 = arith.constant 0 : index
      %swap3A_68 = tpu.vector_load %arg17[%swap3A_67] {strides = array<i32>} : memref<128xi32, #tpu.memory_space<vmem>>, vector<16xi32>,
      tpu.vector_store %arg17[%swap3A_67], %gather3A_66 {strides = array<i32>} : memref<128xi32, #tpu.memory_space<vmem>>, vector<16xi32>,
      %add3A_69 = arith.constant 400 : i32
      %add3A_70 = vector.broadcast %add3A_69 : i32 to vector<16xi32>
      %add3A_71 = arith.addi %add3A_70, %iota3A : vector<16xi32>
      %sub3A_72 = arith.constant 1 : i32
      %sub3A_73 = arith.subi %reduce_max3A_8, %sub3A_72 : i32
      %min3A_74 = vector.broadcast %sub3A_73 : i32 to vector<16xi32>
      %min3A_75 = arith.minsi %add3A_71, %min3A_74 : vector<16xi32>
      %gather3A_76 = tpu.vector_load_idx %arg12[%min3A_75] : memref<1024xi32, #tpu.memory_space<vmem>>[vector<16xi32>], vector<16xi32>,
      %swap3A_77 = arith.constant 16 : index
      %swap3A_78 = tpu.vector_load %arg15[%swap3A_77] {strides = array<i32>} : memref<128xi32, #tpu.memory_space<vmem>>, vector<16xi32>,
      tpu.vector_store %arg15[%swap3A_77], %gather3A_76 {strides = array<i32>} : memref<128xi32, #tpu.memory_space<vmem>>, vector<16xi32>,
      %gather3A_79 = tpu.vector_load_idx %arg11[%min3A_75] : memref<1024xi32, #tpu.memory_space<vmem>>[vector<16xi32>], vector<16xi32>,
      %swap3A_80 = arith.constant 16 : index
      %swap3A_81 = tpu.vector_load %arg17[%swap3A_80] {strides = array<i32>} : memref<128xi32, #tpu.memory_space<vmem>>, vector<16xi32>,
      tpu.vector_store %arg17[%swap3A_80], %gather3A_79 {strides = array<i32>} : memref<128xi32, #tpu.memory_space<vmem>>, vector<16xi32>,
      %add3A_82 = arith.constant 416 : i32
      %add3A_83 = vector.broadcast %add3A_82 : i32 to vector<16xi32>
      %add3A_84 = arith.addi %add3A_83, %iota3A : vector<16xi32>
      %sub3A_85 = arith.constant 1 : i32
      %sub3A_86 = arith.subi %reduce_max3A_8, %sub3A_85 : i32
      %min3A_87 = vector.broadcast %sub3A_86 : i32 to vector<16xi32>
      %min3A_88 = arith.minsi %add3A_84, %min3A_87 : vector<16xi32>
      %gather3A_89 = tpu.vector_load_idx %arg12[%min3A_88] : memref<1024xi32, #tpu.memory_space<vmem>>[vector<16xi32>], vector<16xi32>,
      %swap3A_90 = arith.constant 32 : index
      %swap3A_91 = tpu.vector_load %arg15[%swap3A_90] {strides = array<i32>} : memref<128xi32, #tpu.memory_space<vmem>>, vector<16xi32>,
      tpu.vector_store %arg15[%swap3A_90], %gather3A_89 {strides = array<i32>} : memref<128xi32, #tpu.memory_space<vmem>>, vector<16xi32>,
      %gather3A_92 = tpu.vector_load_idx %arg11[%min3A_88] : memref<1024xi32, #tpu.memory_space<vmem>>[vector<16xi32>], vector<16xi32>,
      %swap3A_93 = arith.constant 32 : index
      %swap3A_94 = tpu.vector_load %arg17[%swap3A_93] {strides = array<i32>} : memref<128xi32, #tpu.memory_space<vmem>>, vector<16xi32>,
      tpu.vector_store %arg17[%swap3A_93], %gather3A_92 {strides = array<i32>} : memref<128xi32, #tpu.memory_space<vmem>>, vector<16xi32>,
      %add3A_95 = arith.constant 432 : i32
      %add3A_96 = vector.broadcast %add3A_95 : i32 to vector<16xi32>
      %add3A_97 = arith.addi %add3A_96, %iota3A : vector<16xi32>
      %sub3A_98 = arith.constant 1 : i32
      %sub3A_99 = arith.subi %reduce_max3A_8, %sub3A_98 : i32
      %min3A_100 = vector.broadcast %sub3A_99 : i32 to vector<16xi32>
      %min3A_101 = arith.minsi %add3A_97, %min3A_100 : vector<16xi32>
      %gather3A_102 = tpu.vector_load_idx %arg12[%min3A_101] : memref<1024xi32, #tpu.memory_space<vmem>>[vector<16xi32>], vector<16xi32>,
      %swap3A_103 = arith.constant 48 : index
      %swap3A_104 = tpu.vector_load %arg15[%swap3A_103] {strides = array<i32>} : memref<128xi32, #tpu.memory_space<vmem>>, vector<16xi32>,
      tpu.vector_store %arg15[%swap3A_103], %gather3A_102 {strides = array<i32>} : memref<128xi32, #tpu.memory_space<vmem>>, vector<16xi32>,
      %gather3A_105 = tpu.vector_load_idx %arg11[%min3A_101] : memref<1024xi32, #tpu.memory_space<vmem>>[vector<16xi32>], vector<16xi32>,
      %swap3A_106 = arith.constant 48 : index
      %swap3A_107 = tpu.vector_load %arg17[%swap3A_106] {strides = array<i32>} : memref<128xi32, #tpu.memory_space<vmem>>, vector<16xi32>,
      tpu.vector_store %arg17[%swap3A_106], %gather3A_105 {strides = array<i32>} : memref<128xi32, #tpu.memory_space<vmem>>, vector<16xi32>,
      %add3A_108 = arith.constant 448 : i32
      %add3A_109 = vector.broadcast %add3A_108 : i32 to vector<16xi32>
      %add3A_110 = arith.addi %add3A_109, %iota3A : vector<16xi32>
      %sub3A_111 = arith.constant 1 : i32
      %sub3A_112 = arith.subi %reduce_max3A_8, %sub3A_111 : i32
      %min3A_113 = vector.broadcast %sub3A_112 : i32 to vector<16xi32>
      %min3A_114 = arith.minsi %add3A_110, %min3A_113 : vector<16xi32>
      %gather3A_115 = tpu.vector_load_idx %arg12[%min3A_114] : memref<1024xi32, #tpu.memory_space<vmem>>[vector<16xi32>], vector<16xi32>,
      %swap3A_116 = arith.constant 64 : index
      %swap3A_117 = tpu.vector_load %arg15[%swap3A_116] {strides = array<i32>} : memref<128xi32, #tpu.memory_space<vmem>>, vector<16xi32>,
      tpu.vector_store %arg15[%swap3A_116], %gather3A_115 {strides = array<i32>} : memref<128xi32, #tpu.memory_space<vmem>>, vector<16xi32>,
      %gather3A_118 = tpu.vector_load_idx %arg11[%min3A_114] : memref<1024xi32, #tpu.memory_space<vmem>>[vector<16xi32>], vector<16xi32>,
      %swap3A_119 = arith.constant 64 : index
      %swap3A_120 = tpu.vector_load %arg17[%swap3A_119] {strides = array<i32>} : memref<128xi32, #tpu.memory_space<vmem>>, vector<16xi32>,
      tpu.vector_store %arg17[%swap3A_119], %gather3A_118 {strides = array<i32>} : memref<128xi32, #tpu.memory_space<vmem>>, vector<16xi32>,
      %add3A_121 = arith.constant 464 : i32
      %add3A_122 = vector.broadcast %add3A_121 : i32 to vector<16xi32>
      %add3A_123 = arith.addi %add3A_122, %iota3A : vector<16xi32>
      %sub3A_124 = arith.constant 1 : i32
      %sub3A_125 = arith.subi %reduce_max3A_8, %sub3A_124 : i32
      %min3A_126 = vector.broadcast %sub3A_125 : i32 to vector<16xi32>
      %min3A_127 = arith.minsi %add3A_123, %min3A_126 : vector<16xi32>
      %gather3A_128 = tpu.vector_load_idx %arg12[%min3A_127] : memref<1024xi32, #tpu.memory_space<vmem>>[vector<16xi32>], vector<16xi32>,
      %swap3A_129 = arith.constant 80 : index
      %swap3A_130 = tpu.vector_load %arg15[%swap3A_129] {strides = array<i32>} : memref<128xi32, #tpu.memory_space<vmem>>, vector<16xi32>,
      tpu.vector_store %arg15[%swap3A_129], %gather3A_128 {strides = array<i32>} : memref<128xi32, #tpu.memory_space<vmem>>, vector<16xi32>,
      %gather3A_131 = tpu.vector_load_idx %arg11[%min3A_127] : memref<1024xi32, #tpu.memory_space<vmem>>[vector<16xi32>], vector<16xi32>,
      %swap3A_132 = arith.constant 80 : index
      %swap3A_133 = tpu.vector_load %arg17[%swap3A_132] {strides = array<i32>} : memref<128xi32, #tpu.memory_space<vmem>>, vector<16xi32>,
      tpu.vector_store %arg17[%swap3A_132], %gather3A_131 {strides = array<i32>} : memref<128xi32, #tpu.memory_space<vmem>>, vector<16xi32>,
      %add3A_134 = arith.constant 480 : i32
      %add3A_135 = vector.broadcast %add3A_134 : i32 to vector<16xi32>
      %add3A_136 = arith.addi %add3A_135, %iota3A : vector<16xi32>
      %sub3A_137 = arith.constant 1 : i32
      %sub3A_138 = arith.subi %reduce_max3A_8, %sub3A_137 : i32
      %min3A_139 = vector.broadcast %sub3A_138 : i32 to vector<16xi32>
      %min3A_140 = arith.minsi %add3A_136, %min3A_139 : vector<16xi32>
      %gather3A_141 = tpu.vector_load_idx %arg12[%min3A_140] : memref<1024xi32, #tpu.memory_space<vmem>>[vector<16xi32>], vector<16xi32>,
      %swap3A_142 = arith.constant 96 : index
      %swap3A_143 = tpu.vector_load %arg15[%swap3A_142] {strides = array<i32>} : memref<128xi32, #tpu.memory_space<vmem>>, vector<16xi32>,
      tpu.vector_store %arg15[%swap3A_142], %gather3A_141 {strides = array<i32>} : memref<128xi32, #tpu.memory_space<vmem>>, vector<16xi32>,
      %gather3A_144 = tpu.vector_load_idx %arg11[%min3A_140] : memref<1024xi32, #tpu.memory_space<vmem>>[vector<16xi32>], vector<16xi32>,
      %swap3A_145 = arith.constant 96 : index
      %swap3A_146 = tpu.vector_load %arg17[%swap3A_145] {strides = array<i32>} : memref<128xi32, #tpu.memory_space<vmem>>, vector<16xi32>,
      tpu.vector_store %arg17[%swap3A_145], %gather3A_144 {strides = array<i32>} : memref<128xi32, #tpu.memory_space<vmem>>, vector<16xi32>,
      %add3A_147 = arith.constant 496 : i32
      %add3A_148 = vector.broadcast %add3A_147 : i32 to vector<16xi32>
      %add3A_149 = arith.addi %add3A_148, %iota3A : vector<16xi32>
      %sub3A_150 = arith.constant 1 : i32
      %sub3A_151 = arith.subi %reduce_max3A_8, %sub3A_150 : i32
      %min3A_152 = vector.broadcast %sub3A_151 : i32 to vector<16xi32>
      %min3A_153 = arith.minsi %add3A_149, %min3A_152 : vector<16xi32>
      %gather3A_154 = tpu.vector_load_idx %arg12[%min3A_153] : memref<1024xi32, #tpu.memory_space<vmem>>[vector<16xi32>], vector<16xi32>,
      %swap3A_155 = arith.constant 112 : index
      %swap3A_156 = tpu.vector_load %arg15[%swap3A_155] {strides = array<i32>} : memref<128xi32, #tpu.memory_space<vmem>>, vector<16xi32>,
      tpu.vector_store %arg15[%swap3A_155], %gather3A_154 {strides = array<i32>} : memref<128xi32, #tpu.memory_space<vmem>>, vector<16xi32>,
      %gather3A_157 = tpu.vector_load_idx %arg11[%min3A_153] : memref<1024xi32, #tpu.memory_space<vmem>>[vector<16xi32>], vector<16xi32>,
      %swap3A_158 = arith.constant 112 : index
      %swap3A_159 = tpu.vector_load %arg17[%swap3A_158] {strides = array<i32>} : memref<128xi32, #tpu.memory_space<vmem>>, vector<16xi32>,
      tpu.vector_store %arg17[%swap3A_158], %gather3A_157 {strides = array<i32>} : memref<128xi32, #tpu.memory_space<vmem>>, vector<16xi32>,
      %dma_start3A = tpu.memref_bitcast %arg2 : memref<8192x8x128xf8E4M3FN, #tpu.memory_space<hbm>> -> memref<8192x2x128xi32, #tpu.memory_space<hbm>>
      %dma_start3A_160 = arith.constant 0 : i32
      %dma_start3A_161 = arith.constant 0 : i32
      %dma_start3A_162 = arith.constant 0 : i32
      %dma_start3A_163 = tpu.memref_slice %dma_start3A[%dma_start3A_160, %dma_start3A_161, %dma_start3A_162] : memref<8192x2x128xi32, #tpu.memory_space<hbm>> -> memref<8192x2x128xi32, #tpu.memory_space<hbm>>
      tpu.enqueue_indirect_dma source(%dma_start3A_163 : memref<8192x2x128xi32, #tpu.memory_space<hbm>>) target(%arg19 : memref<128x2x128xi32, #tpu.memory_space<vmem>>) offsets(%arg15 : memref<128xi32, #tpu.memory_space<vmem>>) semaphore(%arg21 : memref<!tpu.dma_semaphore, #tpu.memory_space<semaphore_mem>>)
      %dma_wait3A_164 = tpu.memref_bitcast %arg2 : memref<8192x8x128xf8E4M3FN, #tpu.memory_space<hbm>> -> memref<8192x2x128xi32, #tpu.memory_space<hbm>>
      %dma_wait3A_165 = arith.constant 0 : i32
      %dma_wait3A_166 = arith.constant 0 : i32
      %dma_wait3A_167 = arith.constant 0 : i32
      %dma_wait3A_168 = tpu.memref_slice %dma_wait3A_164[%dma_wait3A_165, %dma_wait3A_166, %dma_wait3A_167] : memref<8192x2x128xi32, #tpu.memory_space<hbm>> -> memref<8192x2x128xi32, #tpu.memory_space<hbm>>
      tpu.wait_indirect_dma semaphore(%arg21 : memref<!tpu.dma_semaphore, #tpu.memory_space<semaphore_mem>>) src(%dma_wait3A_168 : memref<8192x2x128xi32, #tpu.memory_space<hbm>>) dst(%arg19 : memref<128x2x128xi32, #tpu.memory_space<vmem>>)
      %dma_start3A_169 = tpu.memref_bitcast %arg6 : memref<32768x8x128xf8E4M3FN, #tpu.memory_space<hbm>> -> memref<32768x2x128xi32, #tpu.memory_space<hbm>>
      %dma_start3A_170 = arith.constant 0 : i32
      %dma_start3A_171 = arith.constant 0 : i32
      %dma_start3A_172 = arith.constant 0 : i32
      %dma_start3A_173 = tpu.memref_slice %dma_start3A_169[%dma_start3A_170, %dma_start3A_171, %dma_start3A_172] : memref<32768x2x128xi32, #tpu.memory_space<hbm>> -> memref<32768x2x128xi32, #tpu.memory_space<hbm>>
      tpu.enqueue_indirect_dma source(%arg19 : memref<128x2x128xi32, #tpu.memory_space<vmem>>) target(%dma_start3A_173 : memref<32768x2x128xi32, #tpu.memory_space<hbm>>) offsets(%arg17 : memref<128xi32, #tpu.memory_space<vmem>>) semaphore(%arg23 : memref<!tpu.dma_semaphore, #tpu.memory_space<semaphore_mem>>)
    } else {
    }
    %gt3A_26 = arith.constant 512 : i32
    %gt3A_27 = arith.cmpi sgt, %reduce_max3A_8, %gt3A_26 : i32
    %convert_element_type3A_28 = arith.extui %gt3A_27 : i1 to i32
    %cond3A_29 = arith.constant 0 : i32
    %cond3A_30 = arith.cmpi ne, %convert_element_type3A_28, %cond3A_29 : i32
    scf.if %cond3A_30 {
      %dma_wait3A = tpu.memref_bitcast %arg6 : memref<32768x8x128xf8E4M3FN, #tpu.memory_space<hbm>> -> memref<32768x2x128xi32, #tpu.memory_space<hbm>>
      %dma_wait3A_56 = arith.constant 0 : i32
      %dma_wait3A_57 = arith.constant 0 : i32
      %dma_wait3A_58 = arith.constant 0 : i32
      %dma_wait3A_59 = tpu.memref_slice %dma_wait3A[%dma_wait3A_56, %dma_wait3A_57, %dma_wait3A_58] : memref<32768x2x128xi32, #tpu.memory_space<hbm>> -> memref<32768x2x128xi32, #tpu.memory_space<hbm>>
      tpu.wait_indirect_dma semaphore(%arg22 : memref<!tpu.dma_semaphore, #tpu.memory_space<semaphore_mem>>) src(%arg18 : memref<128x2x128xi32, #tpu.memory_space<vmem>>) dst(%dma_wait3A_59 : memref<32768x2x128xi32, #tpu.memory_space<hbm>>)
      %add3A_60 = arith.constant 512 : i32
      %add3A_61 = vector.broadcast %add3A_60 : i32 to vector<16xi32>
      %add3A_62 = arith.addi %add3A_61, %iota3A : vector<16xi32>
      %sub3A = arith.constant 1 : i32
      %sub3A_63 = arith.subi %reduce_max3A_8, %sub3A : i32
      %min3A = vector.broadcast %sub3A_63 : i32 to vector<16xi32>
      %min3A_64 = arith.minsi %add3A_62, %min3A : vector<16xi32>
      %gather3A = tpu.vector_load_idx %arg12[%min3A_64] : memref<1024xi32, #tpu.memory_space<vmem>>[vector<16xi32>], vector<16xi32>,
      %swap3A = arith.constant 0 : index
      %swap3A_65 = tpu.vector_load %arg14[%swap3A] {strides = array<i32>} : memref<128xi32, #tpu.memory_space<vmem>>, vector<16xi32>,
      tpu.vector_store %arg14[%swap3A], %gather3A {strides = array<i32>} : memref<128xi32, #tpu.memory_space<vmem>>, vector<16xi32>,
      %gather3A_66 = tpu.vector_load_idx %arg11[%min3A_64] : memref<1024xi32, #tpu.memory_space<vmem>>[vector<16xi32>], vector<16xi32>,
      %swap3A_67 = arith.constant 0 : index
      %swap3A_68 = tpu.vector_load %arg16[%swap3A_67] {strides = array<i32>} : memref<128xi32, #tpu.memory_space<vmem>>, vector<16xi32>,
      tpu.vector_store %arg16[%swap3A_67], %gather3A_66 {strides = array<i32>} : memref<128xi32, #tpu.memory_space<vmem>>, vector<16xi32>,
      %add3A_69 = arith.constant 528 : i32
      %add3A_70 = vector.broadcast %add3A_69 : i32 to vector<16xi32>
      %add3A_71 = arith.addi %add3A_70, %iota3A : vector<16xi32>
      %sub3A_72 = arith.constant 1 : i32
      %sub3A_73 = arith.subi %reduce_max3A_8, %sub3A_72 : i32
      %min3A_74 = vector.broadcast %sub3A_73 : i32 to vector<16xi32>
      %min3A_75 = arith.minsi %add3A_71, %min3A_74 : vector<16xi32>
      %gather3A_76 = tpu.vector_load_idx %arg12[%min3A_75] : memref<1024xi32, #tpu.memory_space<vmem>>[vector<16xi32>], vector<16xi32>,
      %swap3A_77 = arith.constant 16 : index
      %swap3A_78 = tpu.vector_load %arg14[%swap3A_77] {strides = array<i32>} : memref<128xi32, #tpu.memory_space<vmem>>, vector<16xi32>,
      tpu.vector_store %arg14[%swap3A_77], %gather3A_76 {strides = array<i32>} : memref<128xi32, #tpu.memory_space<vmem>>, vector<16xi32>,
      %gather3A_79 = tpu.vector_load_idx %arg11[%min3A_75] : memref<1024xi32, #tpu.memory_space<vmem>>[vector<16xi32>], vector<16xi32>,
      %swap3A_80 = arith.constant 16 : index
      %swap3A_81 = tpu.vector_load %arg16[%swap3A_80] {strides = array<i32>} : memref<128xi32, #tpu.memory_space<vmem>>, vector<16xi32>,
      tpu.vector_store %arg16[%swap3A_80], %gather3A_79 {strides = array<i32>} : memref<128xi32, #tpu.memory_space<vmem>>, vector<16xi32>,
      %add3A_82 = arith.constant 544 : i32
      %add3A_83 = vector.broadcast %add3A_82 : i32 to vector<16xi32>
      %add3A_84 = arith.addi %add3A_83, %iota3A : vector<16xi32>
      %sub3A_85 = arith.constant 1 : i32
      %sub3A_86 = arith.subi %reduce_max3A_8, %sub3A_85 : i32
      %min3A_87 = vector.broadcast %sub3A_86 : i32 to vector<16xi32>
      %min3A_88 = arith.minsi %add3A_84, %min3A_87 : vector<16xi32>
      %gather3A_89 = tpu.vector_load_idx %arg12[%min3A_88] : memref<1024xi32, #tpu.memory_space<vmem>>[vector<16xi32>], vector<16xi32>,
      %swap3A_90 = arith.constant 32 : index
      %swap3A_91 = tpu.vector_load %arg14[%swap3A_90] {strides = array<i32>} : memref<128xi32, #tpu.memory_space<vmem>>, vector<16xi32>,
      tpu.vector_store %arg14[%swap3A_90], %gather3A_89 {strides = array<i32>} : memref<128xi32, #tpu.memory_space<vmem>>, vector<16xi32>,
      %gather3A_92 = tpu.vector_load_idx %arg11[%min3A_88] : memref<1024xi32, #tpu.memory_space<vmem>>[vector<16xi32>], vector<16xi32>,
      %swap3A_93 = arith.constant 32 : index
      %swap3A_94 = tpu.vector_load %arg16[%swap3A_93] {strides = array<i32>} : memref<128xi32, #tpu.memory_space<vmem>>, vector<16xi32>,
      tpu.vector_store %arg16[%swap3A_93], %gather3A_92 {strides = array<i32>} : memref<128xi32, #tpu.memory_space<vmem>>, vector<16xi32>,
      %add3A_95 = arith.constant 560 : i32
      %add3A_96 = vector.broadcast %add3A_95 : i32 to vector<16xi32>
      %add3A_97 = arith.addi %add3A_96, %iota3A : vector<16xi32>
      %sub3A_98 = arith.constant 1 : i32
      %sub3A_99 = arith.subi %reduce_max3A_8, %sub3A_98 : i32
      %min3A_100 = vector.broadcast %sub3A_99 : i32 to vector<16xi32>
      %min3A_101 = arith.minsi %add3A_97, %min3A_100 : vector<16xi32>
      %gather3A_102 = tpu.vector_load_idx %arg12[%min3A_101] : memref<1024xi32, #tpu.memory_space<vmem>>[vector<16xi32>], vector<16xi32>,
      %swap3A_103 = arith.constant 48 : index
      %swap3A_104 = tpu.vector_load %arg14[%swap3A_103] {strides = array<i32>} : memref<128xi32, #tpu.memory_space<vmem>>, vector<16xi32>,
      tpu.vector_store %arg14[%swap3A_103], %gather3A_102 {strides = array<i32>} : memref<128xi32, #tpu.memory_space<vmem>>, vector<16xi32>,
      %gather3A_105 = tpu.vector_load_idx %arg11[%min3A_101] : memref<1024xi32, #tpu.memory_space<vmem>>[vector<16xi32>], vector<16xi32>,
      %swap3A_106 = arith.constant 48 : index
      %swap3A_107 = tpu.vector_load %arg16[%swap3A_106] {strides = array<i32>} : memref<128xi32, #tpu.memory_space<vmem>>, vector<16xi32>,
      tpu.vector_store %arg16[%swap3A_106], %gather3A_105 {strides = array<i32>} : memref<128xi32, #tpu.memory_space<vmem>>, vector<16xi32>,
      %add3A_108 = arith.constant 576 : i32
      %add3A_109 = vector.broadcast %add3A_108 : i32 to vector<16xi32>
      %add3A_110 = arith.addi %add3A_109, %iota3A : vector<16xi32>
      %sub3A_111 = arith.constant 1 : i32
      %sub3A_112 = arith.subi %reduce_max3A_8, %sub3A_111 : i32
      %min3A_113 = vector.broadcast %sub3A_112 : i32 to vector<16xi32>
      %min3A_114 = arith.minsi %add3A_110, %min3A_113 : vector<16xi32>
      %gather3A_115 = tpu.vector_load_idx %arg12[%min3A_114] : memref<1024xi32, #tpu.memory_space<vmem>>[vector<16xi32>], vector<16xi32>,
      %swap3A_116 = arith.constant 64 : index
      %swap3A_117 = tpu.vector_load %arg14[%swap3A_116] {strides = array<i32>} : memref<128xi32, #tpu.memory_space<vmem>>, vector<16xi32>,
      tpu.vector_store %arg14[%swap3A_116], %gather3A_115 {strides = array<i32>} : memref<128xi32, #tpu.memory_space<vmem>>, vector<16xi32>,
      %gather3A_118 = tpu.vector_load_idx %arg11[%min3A_114] : memref<1024xi32, #tpu.memory_space<vmem>>[vector<16xi32>], vector<16xi32>,
      %swap3A_119 = arith.constant 64 : index
      %swap3A_120 = tpu.vector_load %arg16[%swap3A_119] {strides = array<i32>} : memref<128xi32, #tpu.memory_space<vmem>>, vector<16xi32>,
      tpu.vector_store %arg16[%swap3A_119], %gather3A_118 {strides = array<i32>} : memref<128xi32, #tpu.memory_space<vmem>>, vector<16xi32>,
      %add3A_121 = arith.constant 592 : i32
      %add3A_122 = vector.broadcast %add3A_121 : i32 to vector<16xi32>
      %add3A_123 = arith.addi %add3A_122, %iota3A : vector<16xi32>
      %sub3A_124 = arith.constant 1 : i32
      %sub3A_125 = arith.subi %reduce_max3A_8, %sub3A_124 : i32
      %min3A_126 = vector.broadcast %sub3A_125 : i32 to vector<16xi32>
      %min3A_127 = arith.minsi %add3A_123, %min3A_126 : vector<16xi32>
      %gather3A_128 = tpu.vector_load_idx %arg12[%min3A_127] : memref<1024xi32, #tpu.memory_space<vmem>>[vector<16xi32>], vector<16xi32>,
      %swap3A_129 = arith.constant 80 : index
      %swap3A_130 = tpu.vector_load %arg14[%swap3A_129] {strides = array<i32>} : memref<128xi32, #tpu.memory_space<vmem>>, vector<16xi32>,
      tpu.vector_store %arg14[%swap3A_129], %gather3A_128 {strides = array<i32>} : memref<128xi32, #tpu.memory_space<vmem>>, vector<16xi32>,
      %gather3A_131 = tpu.vector_load_idx %arg11[%min3A_127] : memref<1024xi32, #tpu.memory_space<vmem>>[vector<16xi32>], vector<16xi32>,
      %swap3A_132 = arith.constant 80 : index
      %swap3A_133 = tpu.vector_load %arg16[%swap3A_132] {strides = array<i32>} : memref<128xi32, #tpu.memory_space<vmem>>, vector<16xi32>,
      tpu.vector_store %arg16[%swap3A_132], %gather3A_131 {strides = array<i32>} : memref<128xi32, #tpu.memory_space<vmem>>, vector<16xi32>,
      %add3A_134 = arith.constant 608 : i32
      %add3A_135 = vector.broadcast %add3A_134 : i32 to vector<16xi32>
      %add3A_136 = arith.addi %add3A_135, %iota3A : vector<16xi32>
      %sub3A_137 = arith.constant 1 : i32
      %sub3A_138 = arith.subi %reduce_max3A_8, %sub3A_137 : i32
      %min3A_139 = vector.broadcast %sub3A_138 : i32 to vector<16xi32>
      %min3A_140 = arith.minsi %add3A_136, %min3A_139 : vector<16xi32>
      %gather3A_141 = tpu.vector_load_idx %arg12[%min3A_140] : memref<1024xi32, #tpu.memory_space<vmem>>[vector<16xi32>], vector<16xi32>,
      %swap3A_142 = arith.constant 96 : index
      %swap3A_143 = tpu.vector_load %arg14[%swap3A_142] {strides = array<i32>} : memref<128xi32, #tpu.memory_space<vmem>>, vector<16xi32>,
      tpu.vector_store %arg14[%swap3A_142], %gather3A_141 {strides = array<i32>} : memref<128xi32, #tpu.memory_space<vmem>>, vector<16xi32>,
      %gather3A_144 = tpu.vector_load_idx %arg11[%min3A_140] : memref<1024xi32, #tpu.memory_space<vmem>>[vector<16xi32>], vector<16xi32>,
      %swap3A_145 = arith.constant 96 : index
      %swap3A_146 = tpu.vector_load %arg16[%swap3A_145] {strides = array<i32>} : memref<128xi32, #tpu.memory_space<vmem>>, vector<16xi32>,
      tpu.vector_store %arg16[%swap3A_145], %gather3A_144 {strides = array<i32>} : memref<128xi32, #tpu.memory_space<vmem>>, vector<16xi32>,
      %add3A_147 = arith.constant 624 : i32
      %add3A_148 = vector.broadcast %add3A_147 : i32 to vector<16xi32>
      %add3A_149 = arith.addi %add3A_148, %iota3A : vector<16xi32>
      %sub3A_150 = arith.constant 1 : i32
      %sub3A_151 = arith.subi %reduce_max3A_8, %sub3A_150 : i32
      %min3A_152 = vector.broadcast %sub3A_151 : i32 to vector<16xi32>
      %min3A_153 = arith.minsi %add3A_149, %min3A_152 : vector<16xi32>
      %gather3A_154 = tpu.vector_load_idx %arg12[%min3A_153] : memref<1024xi32, #tpu.memory_space<vmem>>[vector<16xi32>], vector<16xi32>,
      %swap3A_155 = arith.constant 112 : index
      %swap3A_156 = tpu.vector_load %arg14[%swap3A_155] {strides = array<i32>} : memref<128xi32, #tpu.memory_space<vmem>>, vector<16xi32>,
      tpu.vector_store %arg14[%swap3A_155], %gather3A_154 {strides = array<i32>} : memref<128xi32, #tpu.memory_space<vmem>>, vector<16xi32>,
      %gather3A_157 = tpu.vector_load_idx %arg11[%min3A_153] : memref<1024xi32, #tpu.memory_space<vmem>>[vector<16xi32>], vector<16xi32>,
      %swap3A_158 = arith.constant 112 : index
      %swap3A_159 = tpu.vector_load %arg16[%swap3A_158] {strides = array<i32>} : memref<128xi32, #tpu.memory_space<vmem>>, vector<16xi32>,
      tpu.vector_store %arg16[%swap3A_158], %gather3A_157 {strides = array<i32>} : memref<128xi32, #tpu.memory_space<vmem>>, vector<16xi32>,
      %dma_start3A = tpu.memref_bitcast %arg2 : memref<8192x8x128xf8E4M3FN, #tpu.memory_space<hbm>> -> memref<8192x2x128xi32, #tpu.memory_space<hbm>>
      %dma_start3A_160 = arith.constant 0 : i32
      %dma_start3A_161 = arith.constant 0 : i32
      %dma_start3A_162 = arith.constant 0 : i32
      %dma_start3A_163 = tpu.memref_slice %dma_start3A[%dma_start3A_160, %dma_start3A_161, %dma_start3A_162] : memref<8192x2x128xi32, #tpu.memory_space<hbm>> -> memref<8192x2x128xi32, #tpu.memory_space<hbm>>
      tpu.enqueue_indirect_dma source(%dma_start3A_163 : memref<8192x2x128xi32, #tpu.memory_space<hbm>>) target(%arg18 : memref<128x2x128xi32, #tpu.memory_space<vmem>>) offsets(%arg14 : memref<128xi32, #tpu.memory_space<vmem>>) semaphore(%arg20 : memref<!tpu.dma_semaphore, #tpu.memory_space<semaphore_mem>>)
      %dma_wait3A_164 = tpu.memref_bitcast %arg2 : memref<8192x8x128xf8E4M3FN, #tpu.memory_space<hbm>> -> memref<8192x2x128xi32, #tpu.memory_space<hbm>>
      %dma_wait3A_165 = arith.constant 0 : i32
      %dma_wait3A_166 = arith.constant 0 : i32
      %dma_wait3A_167 = arith.constant 0 : i32
      %dma_wait3A_168 = tpu.memref_slice %dma_wait3A_164[%dma_wait3A_165, %dma_wait3A_166, %dma_wait3A_167] : memref<8192x2x128xi32, #tpu.memory_space<hbm>> -> memref<8192x2x128xi32, #tpu.memory_space<hbm>>
      tpu.wait_indirect_dma semaphore(%arg20 : memref<!tpu.dma_semaphore, #tpu.memory_space<semaphore_mem>>) src(%dma_wait3A_168 : memref<8192x2x128xi32, #tpu.memory_space<hbm>>) dst(%arg18 : memref<128x2x128xi32, #tpu.memory_space<vmem>>)
      %dma_start3A_169 = tpu.memref_bitcast %arg6 : memref<32768x8x128xf8E4M3FN, #tpu.memory_space<hbm>> -> memref<32768x2x128xi32, #tpu.memory_space<hbm>>
      %dma_start3A_170 = arith.constant 0 : i32
      %dma_start3A_171 = arith.constant 0 : i32
      %dma_start3A_172 = arith.constant 0 : i32
      %dma_start3A_173 = tpu.memref_slice %dma_start3A_169[%dma_start3A_170, %dma_start3A_171, %dma_start3A_172] : memref<32768x2x128xi32, #tpu.memory_space<hbm>> -> memref<32768x2x128xi32, #tpu.memory_space<hbm>>
      tpu.enqueue_indirect_dma source(%arg18 : memref<128x2x128xi32, #tpu.memory_space<vmem>>) target(%dma_start3A_173 : memref<32768x2x128xi32, #tpu.memory_space<hbm>>) offsets(%arg16 : memref<128xi32, #tpu.memory_space<vmem>>) semaphore(%arg22 : memref<!tpu.dma_semaphore, #tpu.memory_space<semaphore_mem>>)
    } else {
    }
    %gt3A_31 = arith.constant 640 : i32
    %gt3A_32 = arith.cmpi sgt, %reduce_max3A_8, %gt3A_31 : i32
    %convert_element_type3A_33 = arith.extui %gt3A_32 : i1 to i32
    %cond3A_34 = arith.constant 0 : i32
    %cond3A_35 = arith.cmpi ne, %convert_element_type3A_33, %cond3A_34 : i32
    scf.if %cond3A_35 {
      %dma_wait3A = tpu.memref_bitcast %arg6 : memref<32768x8x128xf8E4M3FN, #tpu.memory_space<hbm>> -> memref<32768x2x128xi32, #tpu.memory_space<hbm>>
      %dma_wait3A_56 = arith.constant 0 : i32
      %dma_wait3A_57 = arith.constant 0 : i32
      %dma_wait3A_58 = arith.constant 0 : i32
      %dma_wait3A_59 = tpu.memref_slice %dma_wait3A[%dma_wait3A_56, %dma_wait3A_57, %dma_wait3A_58] : memref<32768x2x128xi32, #tpu.memory_space<hbm>> -> memref<32768x2x128xi32, #tpu.memory_space<hbm>>
      tpu.wait_indirect_dma semaphore(%arg23 : memref<!tpu.dma_semaphore, #tpu.memory_space<semaphore_mem>>) src(%arg19 : memref<128x2x128xi32, #tpu.memory_space<vmem>>) dst(%dma_wait3A_59 : memref<32768x2x128xi32, #tpu.memory_space<hbm>>)
      %add3A_60 = arith.constant 640 : i32
      %add3A_61 = vector.broadcast %add3A_60 : i32 to vector<16xi32>
      %add3A_62 = arith.addi %add3A_61, %iota3A : vector<16xi32>
      %sub3A = arith.constant 1 : i32
      %sub3A_63 = arith.subi %reduce_max3A_8, %sub3A : i32
      %min3A = vector.broadcast %sub3A_63 : i32 to vector<16xi32>
      %min3A_64 = arith.minsi %add3A_62, %min3A : vector<16xi32>
      %gather3A = tpu.vector_load_idx %arg12[%min3A_64] : memref<1024xi32, #tpu.memory_space<vmem>>[vector<16xi32>], vector<16xi32>,
      %swap3A = arith.constant 0 : index
      %swap3A_65 = tpu.vector_load %arg15[%swap3A] {strides = array<i32>} : memref<128xi32, #tpu.memory_space<vmem>>, vector<16xi32>,
      tpu.vector_store %arg15[%swap3A], %gather3A {strides = array<i32>} : memref<128xi32, #tpu.memory_space<vmem>>, vector<16xi32>,
      %gather3A_66 = tpu.vector_load_idx %arg11[%min3A_64] : memref<1024xi32, #tpu.memory_space<vmem>>[vector<16xi32>], vector<16xi32>,
      %swap3A_67 = arith.constant 0 : index
      %swap3A_68 = tpu.vector_load %arg17[%swap3A_67] {strides = array<i32>} : memref<128xi32, #tpu.memory_space<vmem>>, vector<16xi32>,
      tpu.vector_store %arg17[%swap3A_67], %gather3A_66 {strides = array<i32>} : memref<128xi32, #tpu.memory_space<vmem>>, vector<16xi32>,
      %add3A_69 = arith.constant 656 : i32
      %add3A_70 = vector.broadcast %add3A_69 : i32 to vector<16xi32>
      %add3A_71 = arith.addi %add3A_70, %iota3A : vector<16xi32>
      %sub3A_72 = arith.constant 1 : i32
      %sub3A_73 = arith.subi %reduce_max3A_8, %sub3A_72 : i32
      %min3A_74 = vector.broadcast %sub3A_73 : i32 to vector<16xi32>
      %min3A_75 = arith.minsi %add3A_71, %min3A_74 : vector<16xi32>
      %gather3A_76 = tpu.vector_load_idx %arg12[%min3A_75] : memref<1024xi32, #tpu.memory_space<vmem>>[vector<16xi32>], vector<16xi32>,
      %swap3A_77 = arith.constant 16 : index
      %swap3A_78 = tpu.vector_load %arg15[%swap3A_77] {strides = array<i32>} : memref<128xi32, #tpu.memory_space<vmem>>, vector<16xi32>,
      tpu.vector_store %arg15[%swap3A_77], %gather3A_76 {strides = array<i32>} : memref<128xi32, #tpu.memory_space<vmem>>, vector<16xi32>,
      %gather3A_79 = tpu.vector_load_idx %arg11[%min3A_75] : memref<1024xi32, #tpu.memory_space<vmem>>[vector<16xi32>], vector<16xi32>,
      %swap3A_80 = arith.constant 16 : index
      %swap3A_81 = tpu.vector_load %arg17[%swap3A_80] {strides = array<i32>} : memref<128xi32, #tpu.memory_space<vmem>>, vector<16xi32>,
      tpu.vector_store %arg17[%swap3A_80], %gather3A_79 {strides = array<i32>} : memref<128xi32, #tpu.memory_space<vmem>>, vector<16xi32>,
      %add3A_82 = arith.constant 672 : i32
      %add3A_83 = vector.broadcast %add3A_82 : i32 to vector<16xi32>
      %add3A_84 = arith.addi %add3A_83, %iota3A : vector<16xi32>
      %sub3A_85 = arith.constant 1 : i32
      %sub3A_86 = arith.subi %reduce_max3A_8, %sub3A_85 : i32
      %min3A_87 = vector.broadcast %sub3A_86 : i32 to vector<16xi32>
      %min3A_88 = arith.minsi %add3A_84, %min3A_87 : vector<16xi32>
      %gather3A_89 = tpu.vector_load_idx %arg12[%min3A_88] : memref<1024xi32, #tpu.memory_space<vmem>>[vector<16xi32>], vector<16xi32>,
      %swap3A_90 = arith.constant 32 : index
      %swap3A_91 = tpu.vector_load %arg15[%swap3A_90] {strides = array<i32>} : memref<128xi32, #tpu.memory_space<vmem>>, vector<16xi32>,
      tpu.vector_store %arg15[%swap3A_90], %gather3A_89 {strides = array<i32>} : memref<128xi32, #tpu.memory_space<vmem>>, vector<16xi32>,
      %gather3A_92 = tpu.vector_load_idx %arg11[%min3A_88] : memref<1024xi32, #tpu.memory_space<vmem>>[vector<16xi32>], vector<16xi32>,
      %swap3A_93 = arith.constant 32 : index
      %swap3A_94 = tpu.vector_load %arg17[%swap3A_93] {strides = array<i32>} : memref<128xi32, #tpu.memory_space<vmem>>, vector<16xi32>,
      tpu.vector_store %arg17[%swap3A_93], %gather3A_92 {strides = array<i32>} : memref<128xi32, #tpu.memory_space<vmem>>, vector<16xi32>,
      %add3A_95 = arith.constant 688 : i32
      %add3A_96 = vector.broadcast %add3A_95 : i32 to vector<16xi32>
      %add3A_97 = arith.addi %add3A_96, %iota3A : vector<16xi32>
      %sub3A_98 = arith.constant 1 : i32
      %sub3A_99 = arith.subi %reduce_max3A_8, %sub3A_98 : i32
      %min3A_100 = vector.broadcast %sub3A_99 : i32 to vector<16xi32>
      %min3A_101 = arith.minsi %add3A_97, %min3A_100 : vector<16xi32>
      %gather3A_102 = tpu.vector_load_idx %arg12[%min3A_101] : memref<1024xi32, #tpu.memory_space<vmem>>[vector<16xi32>], vector<16xi32>,
      %swap3A_103 = arith.constant 48 : index
      %swap3A_104 = tpu.vector_load %arg15[%swap3A_103] {strides = array<i32>} : memref<128xi32, #tpu.memory_space<vmem>>, vector<16xi32>,
      tpu.vector_store %arg15[%swap3A_103], %gather3A_102 {strides = array<i32>} : memref<128xi32, #tpu.memory_space<vmem>>, vector<16xi32>,
      %gather3A_105 = tpu.vector_load_idx %arg11[%min3A_101] : memref<1024xi32, #tpu.memory_space<vmem>>[vector<16xi32>], vector<16xi32>,
      %swap3A_106 = arith.constant 48 : index
      %swap3A_107 = tpu.vector_load %arg17[%swap3A_106] {strides = array<i32>} : memref<128xi32, #tpu.memory_space<vmem>>, vector<16xi32>,
      tpu.vector_store %arg17[%swap3A_106], %gather3A_105 {strides = array<i32>} : memref<128xi32, #tpu.memory_space<vmem>>, vector<16xi32>,
      %add3A_108 = arith.constant 704 : i32
      %add3A_109 = vector.broadcast %add3A_108 : i32 to vector<16xi32>
      %add3A_110 = arith.addi %add3A_109, %iota3A : vector<16xi32>
      %sub3A_111 = arith.constant 1 : i32
      %sub3A_112 = arith.subi %reduce_max3A_8, %sub3A_111 : i32
      %min3A_113 = vector.broadcast %sub3A_112 : i32 to vector<16xi32>
      %min3A_114 = arith.minsi %add3A_110, %min3A_113 : vector<16xi32>
      %gather3A_115 = tpu.vector_load_idx %arg12[%min3A_114] : memref<1024xi32, #tpu.memory_space<vmem>>[vector<16xi32>], vector<16xi32>,
      %swap3A_116 = arith.constant 64 : index
      %swap3A_117 = tpu.vector_load %arg15[%swap3A_116] {strides = array<i32>} : memref<128xi32, #tpu.memory_space<vmem>>, vector<16xi32>,
      tpu.vector_store %arg15[%swap3A_116], %gather3A_115 {strides = array<i32>} : memref<128xi32, #tpu.memory_space<vmem>>, vector<16xi32>,
      %gather3A_118 = tpu.vector_load_idx %arg11[%min3A_114] : memref<1024xi32, #tpu.memory_space<vmem>>[vector<16xi32>], vector<16xi32>,
      %swap3A_119 = arith.constant 64 : index
      %swap3A_120 = tpu.vector_load %arg17[%swap3A_119] {strides = array<i32>} : memref<128xi32, #tpu.memory_space<vmem>>, vector<16xi32>,
      tpu.vector_store %arg17[%swap3A_119], %gather3A_118 {strides = array<i32>} : memref<128xi32, #tpu.memory_space<vmem>>, vector<16xi32>,
      %add3A_121 = arith.constant 720 : i32
      %add3A_122 = vector.broadcast %add3A_121 : i32 to vector<16xi32>
      %add3A_123 = arith.addi %add3A_122, %iota3A : vector<16xi32>
      %sub3A_124 = arith.constant 1 : i32
      %sub3A_125 = arith.subi %reduce_max3A_8, %sub3A_124 : i32
      %min3A_126 = vector.broadcast %sub3A_125 : i32 to vector<16xi32>
      %min3A_127 = arith.minsi %add3A_123, %min3A_126 : vector<16xi32>
      %gather3A_128 = tpu.vector_load_idx %arg12[%min3A_127] : memref<1024xi32, #tpu.memory_space<vmem>>[vector<16xi32>], vector<16xi32>,
      %swap3A_129 = arith.constant 80 : index
      %swap3A_130 = tpu.vector_load %arg15[%swap3A_129] {strides = array<i32>} : memref<128xi32, #tpu.memory_space<vmem>>, vector<16xi32>,
      tpu.vector_store %arg15[%swap3A_129], %gather3A_128 {strides = array<i32>} : memref<128xi32, #tpu.memory_space<vmem>>, vector<16xi32>,
      %gather3A_131 = tpu.vector_load_idx %arg11[%min3A_127] : memref<1024xi32, #tpu.memory_space<vmem>>[vector<16xi32>], vector<16xi32>,
      %swap3A_132 = arith.constant 80 : index
      %swap3A_133 = tpu.vector_load %arg17[%swap3A_132] {strides = array<i32>} : memref<128xi32, #tpu.memory_space<vmem>>, vector<16xi32>,
      tpu.vector_store %arg17[%swap3A_132], %gather3A_131 {strides = array<i32>} : memref<128xi32, #tpu.memory_space<vmem>>, vector<16xi32>,
      %add3A_134 = arith.constant 736 : i32
      %add3A_135 = vector.broadcast %add3A_134 : i32 to vector<16xi32>
      %add3A_136 = arith.addi %add3A_135, %iota3A : vector<16xi32>
      %sub3A_137 = arith.constant 1 : i32
      %sub3A_138 = arith.subi %reduce_max3A_8, %sub3A_137 : i32
      %min3A_139 = vector.broadcast %sub3A_138 : i32 to vector<16xi32>
      %min3A_140 = arith.minsi %add3A_136, %min3A_139 : vector<16xi32>
      %gather3A_141 = tpu.vector_load_idx %arg12[%min3A_140] : memref<1024xi32, #tpu.memory_space<vmem>>[vector<16xi32>], vector<16xi32>,
      %swap3A_142 = arith.constant 96 : index
      %swap3A_143 = tpu.vector_load %arg15[%swap3A_142] {strides = array<i32>} : memref<128xi32, #tpu.memory_space<vmem>>, vector<16xi32>,
      tpu.vector_store %arg15[%swap3A_142], %gather3A_141 {strides = array<i32>} : memref<128xi32, #tpu.memory_space<vmem>>, vector<16xi32>,
      %gather3A_144 = tpu.vector_load_idx %arg11[%min3A_140] : memref<1024xi32, #tpu.memory_space<vmem>>[vector<16xi32>], vector<16xi32>,
      %swap3A_145 = arith.constant 96 : index
      %swap3A_146 = tpu.vector_load %arg17[%swap3A_145] {strides = array<i32>} : memref<128xi32, #tpu.memory_space<vmem>>, vector<16xi32>,
      tpu.vector_store %arg17[%swap3A_145], %gather3A_144 {strides = array<i32>} : memref<128xi32, #tpu.memory_space<vmem>>, vector<16xi32>,
      %add3A_147 = arith.constant 752 : i32
      %add3A_148 = vector.broadcast %add3A_147 : i32 to vector<16xi32>
      %add3A_149 = arith.addi %add3A_148, %iota3A : vector<16xi32>
      %sub3A_150 = arith.constant 1 : i32
      %sub3A_151 = arith.subi %reduce_max3A_8, %sub3A_150 : i32
      %min3A_152 = vector.broadcast %sub3A_151 : i32 to vector<16xi32>
      %min3A_153 = arith.minsi %add3A_149, %min3A_152 : vector<16xi32>
      %gather3A_154 = tpu.vector_load_idx %arg12[%min3A_153] : memref<1024xi32, #tpu.memory_space<vmem>>[vector<16xi32>], vector<16xi32>,
      %swap3A_155 = arith.constant 112 : index
      %swap3A_156 = tpu.vector_load %arg15[%swap3A_155] {strides = array<i32>} : memref<128xi32, #tpu.memory_space<vmem>>, vector<16xi32>,
      tpu.vector_store %arg15[%swap3A_155], %gather3A_154 {strides = array<i32>} : memref<128xi32, #tpu.memory_space<vmem>>, vector<16xi32>,
      %gather3A_157 = tpu.vector_load_idx %arg11[%min3A_153] : memref<1024xi32, #tpu.memory_space<vmem>>[vector<16xi32>], vector<16xi32>,
      %swap3A_158 = arith.constant 112 : index
      %swap3A_159 = tpu.vector_load %arg17[%swap3A_158] {strides = array<i32>} : memref<128xi32, #tpu.memory_space<vmem>>, vector<16xi32>,
      tpu.vector_store %arg17[%swap3A_158], %gather3A_157 {strides = array<i32>} : memref<128xi32, #tpu.memory_space<vmem>>, vector<16xi32>,
      %dma_start3A = tpu.memref_bitcast %arg2 : memref<8192x8x128xf8E4M3FN, #tpu.memory_space<hbm>> -> memref<8192x2x128xi32, #tpu.memory_space<hbm>>
      %dma_start3A_160 = arith.constant 0 : i32
      %dma_start3A_161 = arith.constant 0 : i32
      %dma_start3A_162 = arith.constant 0 : i32
      %dma_start3A_163 = tpu.memref_slice %dma_start3A[%dma_start3A_160, %dma_start3A_161, %dma_start3A_162] : memref<8192x2x128xi32, #tpu.memory_space<hbm>> -> memref<8192x2x128xi32, #tpu.memory_space<hbm>>
      tpu.enqueue_indirect_dma source(%dma_start3A_163 : memref<8192x2x128xi32, #tpu.memory_space<hbm>>) target(%arg19 : memref<128x2x128xi32, #tpu.memory_space<vmem>>) offsets(%arg15 : memref<128xi32, #tpu.memory_space<vmem>>) semaphore(%arg21 : memref<!tpu.dma_semaphore, #tpu.memory_space<semaphore_mem>>)
      %dma_wait3A_164 = tpu.memref_bitcast %arg2 : memref<8192x8x128xf8E4M3FN, #tpu.memory_space<hbm>> -> memref<8192x2x128xi32, #tpu.memory_space<hbm>>
      %dma_wait3A_165 = arith.constant 0 : i32
      %dma_wait3A_166 = arith.constant 0 : i32
      %dma_wait3A_167 = arith.constant 0 : i32
      %dma_wait3A_168 = tpu.memref_slice %dma_wait3A_164[%dma_wait3A_165, %dma_wait3A_166, %dma_wait3A_167] : memref<8192x2x128xi32, #tpu.memory_space<hbm>> -> memref<8192x2x128xi32, #tpu.memory_space<hbm>>
      tpu.wait_indirect_dma semaphore(%arg21 : memref<!tpu.dma_semaphore, #tpu.memory_space<semaphore_mem>>) src(%dma_wait3A_168 : memref<8192x2x128xi32, #tpu.memory_space<hbm>>) dst(%arg19 : memref<128x2x128xi32, #tpu.memory_space<vmem>>)
      %dma_start3A_169 = tpu.memref_bitcast %arg6 : memref<32768x8x128xf8E4M3FN, #tpu.memory_space<hbm>> -> memref<32768x2x128xi32, #tpu.memory_space<hbm>>
      %dma_start3A_170 = arith.constant 0 : i32
      %dma_start3A_171 = arith.constant 0 : i32
      %dma_start3A_172 = arith.constant 0 : i32
      %dma_start3A_173 = tpu.memref_slice %dma_start3A_169[%dma_start3A_170, %dma_start3A_171, %dma_start3A_172] : memref<32768x2x128xi32, #tpu.memory_space<hbm>> -> memref<32768x2x128xi32, #tpu.memory_space<hbm>>
      tpu.enqueue_indirect_dma source(%arg19 : memref<128x2x128xi32, #tpu.memory_space<vmem>>) target(%dma_start3A_173 : memref<32768x2x128xi32, #tpu.memory_space<hbm>>) offsets(%arg17 : memref<128xi32, #tpu.memory_space<vmem>>) semaphore(%arg23 : memref<!tpu.dma_semaphore, #tpu.memory_space<semaphore_mem>>)
    } else {
    }
    %gt3A_36 = arith.constant 768 : i32
    %gt3A_37 = arith.cmpi sgt, %reduce_max3A_8, %gt3A_36 : i32
    %convert_element_type3A_38 = arith.extui %gt3A_37 : i1 to i32
    %cond3A_39 = arith.constant 0 : i32
    %cond3A_40 = arith.cmpi ne, %convert_element_type3A_38, %cond3A_39 : i32
    scf.if %cond3A_40 {
      %dma_wait3A = tpu.memref_bitcast %arg6 : memref<32768x8x128xf8E4M3FN, #tpu.memory_space<hbm>> -> memref<32768x2x128xi32, #tpu.memory_space<hbm>>
      %dma_wait3A_56 = arith.constant 0 : i32
      %dma_wait3A_57 = arith.constant 0 : i32
      %dma_wait3A_58 = arith.constant 0 : i32
      %dma_wait3A_59 = tpu.memref_slice %dma_wait3A[%dma_wait3A_56, %dma_wait3A_57, %dma_wait3A_58] : memref<32768x2x128xi32, #tpu.memory_space<hbm>> -> memref<32768x2x128xi32, #tpu.memory_space<hbm>>
      tpu.wait_indirect_dma semaphore(%arg22 : memref<!tpu.dma_semaphore, #tpu.memory_space<semaphore_mem>>) src(%arg18 : memref<128x2x128xi32, #tpu.memory_space<vmem>>) dst(%dma_wait3A_59 : memref<32768x2x128xi32, #tpu.memory_space<hbm>>)
      %add3A_60 = arith.constant 768 : i32
      %add3A_61 = vector.broadcast %add3A_60 : i32 to vector<16xi32>
      %add3A_62 = arith.addi %add3A_61, %iota3A : vector<16xi32>
      %sub3A = arith.constant 1 : i32
      %sub3A_63 = arith.subi %reduce_max3A_8, %sub3A : i32
      %min3A = vector.broadcast %sub3A_63 : i32 to vector<16xi32>
      %min3A_64 = arith.minsi %add3A_62, %min3A : vector<16xi32>
      %gather3A = tpu.vector_load_idx %arg12[%min3A_64] : memref<1024xi32, #tpu.memory_space<vmem>>[vector<16xi32>], vector<16xi32>,
      %swap3A = arith.constant 0 : index
      %swap3A_65 = tpu.vector_load %arg14[%swap3A] {strides = array<i32>} : memref<128xi32, #tpu.memory_space<vmem>>, vector<16xi32>,
      tpu.vector_store %arg14[%swap3A], %gather3A {strides = array<i32>} : memref<128xi32, #tpu.memory_space<vmem>>, vector<16xi32>,
      %gather3A_66 = tpu.vector_load_idx %arg11[%min3A_64] : memref<1024xi32, #tpu.memory_space<vmem>>[vector<16xi32>], vector<16xi32>,
      %swap3A_67 = arith.constant 0 : index
      %swap3A_68 = tpu.vector_load %arg16[%swap3A_67] {strides = array<i32>} : memref<128xi32, #tpu.memory_space<vmem>>, vector<16xi32>,
      tpu.vector_store %arg16[%swap3A_67], %gather3A_66 {strides = array<i32>} : memref<128xi32, #tpu.memory_space<vmem>>, vector<16xi32>,
      %add3A_69 = arith.constant 784 : i32
      %add3A_70 = vector.broadcast %add3A_69 : i32 to vector<16xi32>
      %add3A_71 = arith.addi %add3A_70, %iota3A : vector<16xi32>
      %sub3A_72 = arith.constant 1 : i32
      %sub3A_73 = arith.subi %reduce_max3A_8, %sub3A_72 : i32
      %min3A_74 = vector.broadcast %sub3A_73 : i32 to vector<16xi32>
      %min3A_75 = arith.minsi %add3A_71, %min3A_74 : vector<16xi32>
      %gather3A_76 = tpu.vector_load_idx %arg12[%min3A_75] : memref<1024xi32, #tpu.memory_space<vmem>>[vector<16xi32>], vector<16xi32>,
      %swap3A_77 = arith.constant 16 : index
      %swap3A_78 = tpu.vector_load %arg14[%swap3A_77] {strides = array<i32>} : memref<128xi32, #tpu.memory_space<vmem>>, vector<16xi32>,
      tpu.vector_store %arg14[%swap3A_77], %gather3A_76 {strides = array<i32>} : memref<128xi32, #tpu.memory_space<vmem>>, vector<16xi32>,
      %gather3A_79 = tpu.vector_load_idx %arg11[%min3A_75] : memref<1024xi32, #tpu.memory_space<vmem>>[vector<16xi32>], vector<16xi32>,
      %swap3A_80 = arith.constant 16 : index
      %swap3A_81 = tpu.vector_load %arg16[%swap3A_80] {strides = array<i32>} : memref<128xi32, #tpu.memory_space<vmem>>, vector<16xi32>,
      tpu.vector_store %arg16[%swap3A_80], %gather3A_79 {strides = array<i32>} : memref<128xi32, #tpu.memory_space<vmem>>, vector<16xi32>,
      %add3A_82 = arith.constant 800 : i32
      %add3A_83 = vector.broadcast %add3A_82 : i32 to vector<16xi32>
      %add3A_84 = arith.addi %add3A_83, %iota3A : vector<16xi32>
      %sub3A_85 = arith.constant 1 : i32
      %sub3A_86 = arith.subi %reduce_max3A_8, %sub3A_85 : i32
      %min3A_87 = vector.broadcast %sub3A_86 : i32 to vector<16xi32>
      %min3A_88 = arith.minsi %add3A_84, %min3A_87 : vector<16xi32>
      %gather3A_89 = tpu.vector_load_idx %arg12[%min3A_88] : memref<1024xi32, #tpu.memory_space<vmem>>[vector<16xi32>], vector<16xi32>,
      %swap3A_90 = arith.constant 32 : index
      %swap3A_91 = tpu.vector_load %arg14[%swap3A_90] {strides = array<i32>} : memref<128xi32, #tpu.memory_space<vmem>>, vector<16xi32>,
      tpu.vector_store %arg14[%swap3A_90], %gather3A_89 {strides = array<i32>} : memref<128xi32, #tpu.memory_space<vmem>>, vector<16xi32>,
      %gather3A_92 = tpu.vector_load_idx %arg11[%min3A_88] : memref<1024xi32, #tpu.memory_space<vmem>>[vector<16xi32>], vector<16xi32>,
      %swap3A_93 = arith.constant 32 : index
      %swap3A_94 = tpu.vector_load %arg16[%swap3A_93] {strides = array<i32>} : memref<128xi32, #tpu.memory_space<vmem>>, vector<16xi32>,
      tpu.vector_store %arg16[%swap3A_93], %gather3A_92 {strides = array<i32>} : memref<128xi32, #tpu.memory_space<vmem>>, vector<16xi32>,
      %add3A_95 = arith.constant 816 : i32
      %add3A_96 = vector.broadcast %add3A_95 : i32 to vector<16xi32>
      %add3A_97 = arith.addi %add3A_96, %iota3A : vector<16xi32>
      %sub3A_98 = arith.constant 1 : i32
      %sub3A_99 = arith.subi %reduce_max3A_8, %sub3A_98 : i32
      %min3A_100 = vector.broadcast %sub3A_99 : i32 to vector<16xi32>
      %min3A_101 = arith.minsi %add3A_97, %min3A_100 : vector<16xi32>
      %gather3A_102 = tpu.vector_load_idx %arg12[%min3A_101] : memref<1024xi32, #tpu.memory_space<vmem>>[vector<16xi32>], vector<16xi32>,
      %swap3A_103 = arith.constant 48 : index
      %swap3A_104 = tpu.vector_load %arg14[%swap3A_103] {strides = array<i32>} : memref<128xi32, #tpu.memory_space<vmem>>, vector<16xi32>,
      tpu.vector_store %arg14[%swap3A_103], %gather3A_102 {strides = array<i32>} : memref<128xi32, #tpu.memory_space<vmem>>, vector<16xi32>,
      %gather3A_105 = tpu.vector_load_idx %arg11[%min3A_101] : memref<1024xi32, #tpu.memory_space<vmem>>[vector<16xi32>], vector<16xi32>,
      %swap3A_106 = arith.constant 48 : index
      %swap3A_107 = tpu.vector_load %arg16[%swap3A_106] {strides = array<i32>} : memref<128xi32, #tpu.memory_space<vmem>>, vector<16xi32>,
      tpu.vector_store %arg16[%swap3A_106], %gather3A_105 {strides = array<i32>} : memref<128xi32, #tpu.memory_space<vmem>>, vector<16xi32>,
      %add3A_108 = arith.constant 832 : i32
      %add3A_109 = vector.broadcast %add3A_108 : i32 to vector<16xi32>
      %add3A_110 = arith.addi %add3A_109, %iota3A : vector<16xi32>
      %sub3A_111 = arith.constant 1 : i32
      %sub3A_112 = arith.subi %reduce_max3A_8, %sub3A_111 : i32
      %min3A_113 = vector.broadcast %sub3A_112 : i32 to vector<16xi32>
      %min3A_114 = arith.minsi %add3A_110, %min3A_113 : vector<16xi32>
      %gather3A_115 = tpu.vector_load_idx %arg12[%min3A_114] : memref<1024xi32, #tpu.memory_space<vmem>>[vector<16xi32>], vector<16xi32>,
      %swap3A_116 = arith.constant 64 : index
      %swap3A_117 = tpu.vector_load %arg14[%swap3A_116] {strides = array<i32>} : memref<128xi32, #tpu.memory_space<vmem>>, vector<16xi32>,
      tpu.vector_store %arg14[%swap3A_116], %gather3A_115 {strides = array<i32>} : memref<128xi32, #tpu.memory_space<vmem>>, vector<16xi32>,
      %gather3A_118 = tpu.vector_load_idx %arg11[%min3A_114] : memref<1024xi32, #tpu.memory_space<vmem>>[vector<16xi32>], vector<16xi32>,
      %swap3A_119 = arith.constant 64 : index
      %swap3A_120 = tpu.vector_load %arg16[%swap3A_119] {strides = array<i32>} : memref<128xi32, #tpu.memory_space<vmem>>, vector<16xi32>,
      tpu.vector_store %arg16[%swap3A_119], %gather3A_118 {strides = array<i32>} : memref<128xi32, #tpu.memory_space<vmem>>, vector<16xi32>,
      %add3A_121 = arith.constant 848 : i32
      %add3A_122 = vector.broadcast %add3A_121 : i32 to vector<16xi32>
      %add3A_123 = arith.addi %add3A_122, %iota3A : vector<16xi32>
      %sub3A_124 = arith.constant 1 : i32
      %sub3A_125 = arith.subi %reduce_max3A_8, %sub3A_124 : i32
      %min3A_126 = vector.broadcast %sub3A_125 : i32 to vector<16xi32>
      %min3A_127 = arith.minsi %add3A_123, %min3A_126 : vector<16xi32>
      %gather3A_128 = tpu.vector_load_idx %arg12[%min3A_127] : memref<1024xi32, #tpu.memory_space<vmem>>[vector<16xi32>], vector<16xi32>,
      %swap3A_129 = arith.constant 80 : index
      %swap3A_130 = tpu.vector_load %arg14[%swap3A_129] {strides = array<i32>} : memref<128xi32, #tpu.memory_space<vmem>>, vector<16xi32>,
      tpu.vector_store %arg14[%swap3A_129], %gather3A_128 {strides = array<i32>} : memref<128xi32, #tpu.memory_space<vmem>>, vector<16xi32>,
      %gather3A_131 = tpu.vector_load_idx %arg11[%min3A_127] : memref<1024xi32, #tpu.memory_space<vmem>>[vector<16xi32>], vector<16xi32>,
      %swap3A_132 = arith.constant 80 : index
      %swap3A_133 = tpu.vector_load %arg16[%swap3A_132] {strides = array<i32>} : memref<128xi32, #tpu.memory_space<vmem>>, vector<16xi32>,
      tpu.vector_store %arg16[%swap3A_132], %gather3A_131 {strides = array<i32>} : memref<128xi32, #tpu.memory_space<vmem>>, vector<16xi32>,
      %add3A_134 = arith.constant 864 : i32
      %add3A_135 = vector.broadcast %add3A_134 : i32 to vector<16xi32>
      %add3A_136 = arith.addi %add3A_135, %iota3A : vector<16xi32>
      %sub3A_137 = arith.constant 1 : i32
      %sub3A_138 = arith.subi %reduce_max3A_8, %sub3A_137 : i32
      %min3A_139 = vector.broadcast %sub3A_138 : i32 to vector<16xi32>
      %min3A_140 = arith.minsi %add3A_136, %min3A_139 : vector<16xi32>
      %gather3A_141 = tpu.vector_load_idx %arg12[%min3A_140] : memref<1024xi32, #tpu.memory_space<vmem>>[vector<16xi32>], vector<16xi32>,
      %swap3A_142 = arith.constant 96 : index
      %swap3A_143 = tpu.vector_load %arg14[%swap3A_142] {strides = array<i32>} : memref<128xi32, #tpu.memory_space<vmem>>, vector<16xi32>,
      tpu.vector_store %arg14[%swap3A_142], %gather3A_141 {strides = array<i32>} : memref<128xi32, #tpu.memory_space<vmem>>, vector<16xi32>,
      %gather3A_144 = tpu.vector_load_idx %arg11[%min3A_140] : memref<1024xi32, #tpu.memory_space<vmem>>[vector<16xi32>], vector<16xi32>,
      %swap3A_145 = arith.constant 96 : index
      %swap3A_146 = tpu.vector_load %arg16[%swap3A_145] {strides = array<i32>} : memref<128xi32, #tpu.memory_space<vmem>>, vector<16xi32>,
      tpu.vector_store %arg16[%swap3A_145], %gather3A_144 {strides = array<i32>} : memref<128xi32, #tpu.memory_space<vmem>>, vector<16xi32>,
      %add3A_147 = arith.constant 880 : i32
      %add3A_148 = vector.broadcast %add3A_147 : i32 to vector<16xi32>
      %add3A_149 = arith.addi %add3A_148, %iota3A : vector<16xi32>
      %sub3A_150 = arith.constant 1 : i32
      %sub3A_151 = arith.subi %reduce_max3A_8, %sub3A_150 : i32
      %min3A_152 = vector.broadcast %sub3A_151 : i32 to vector<16xi32>
      %min3A_153 = arith.minsi %add3A_149, %min3A_152 : vector<16xi32>
      %gather3A_154 = tpu.vector_load_idx %arg12[%min3A_153] : memref<1024xi32, #tpu.memory_space<vmem>>[vector<16xi32>], vector<16xi32>,
      %swap3A_155 = arith.constant 112 : index
      %swap3A_156 = tpu.vector_load %arg14[%swap3A_155] {strides = array<i32>} : memref<128xi32, #tpu.memory_space<vmem>>, vector<16xi32>,
      tpu.vector_store %arg14[%swap3A_155], %gather3A_154 {strides = array<i32>} : memref<128xi32, #tpu.memory_space<vmem>>, vector<16xi32>,
      %gather3A_157 = tpu.vector_load_idx %arg11[%min3A_153] : memref<1024xi32, #tpu.memory_space<vmem>>[vector<16xi32>], vector<16xi32>,
      %swap3A_158 = arith.constant 112 : index
      %swap3A_159 = tpu.vector_load %arg16[%swap3A_158] {strides = array<i32>} : memref<128xi32, #tpu.memory_space<vmem>>, vector<16xi32>,
      tpu.vector_store %arg16[%swap3A_158], %gather3A_157 {strides = array<i32>} : memref<128xi32, #tpu.memory_space<vmem>>, vector<16xi32>,
      %dma_start3A = tpu.memref_bitcast %arg2 : memref<8192x8x128xf8E4M3FN, #tpu.memory_space<hbm>> -> memref<8192x2x128xi32, #tpu.memory_space<hbm>>
      %dma_start3A_160 = arith.constant 0 : i32
      %dma_start3A_161 = arith.constant 0 : i32
      %dma_start3A_162 = arith.constant 0 : i32
      %dma_start3A_163 = tpu.memref_slice %dma_start3A[%dma_start3A_160, %dma_start3A_161, %dma_start3A_162] : memref<8192x2x128xi32, #tpu.memory_space<hbm>> -> memref<8192x2x128xi32, #tpu.memory_space<hbm>>
      tpu.enqueue_indirect_dma source(%dma_start3A_163 : memref<8192x2x128xi32, #tpu.memory_space<hbm>>) target(%arg18 : memref<128x2x128xi32, #tpu.memory_space<vmem>>) offsets(%arg14 : memref<128xi32, #tpu.memory_space<vmem>>) semaphore(%arg20 : memref<!tpu.dma_semaphore, #tpu.memory_space<semaphore_mem>>)
      %dma_wait3A_164 = tpu.memref_bitcast %arg2 : memref<8192x8x128xf8E4M3FN, #tpu.memory_space<hbm>> -> memref<8192x2x128xi32, #tpu.memory_space<hbm>>
      %dma_wait3A_165 = arith.constant 0 : i32
      %dma_wait3A_166 = arith.constant 0 : i32
      %dma_wait3A_167 = arith.constant 0 : i32
      %dma_wait3A_168 = tpu.memref_slice %dma_wait3A_164[%dma_wait3A_165, %dma_wait3A_166, %dma_wait3A_167] : memref<8192x2x128xi32, #tpu.memory_space<hbm>> -> memref<8192x2x128xi32, #tpu.memory_space<hbm>>
      tpu.wait_indirect_dma semaphore(%arg20 : memref<!tpu.dma_semaphore, #tpu.memory_space<semaphore_mem>>) src(%dma_wait3A_168 : memref<8192x2x128xi32, #tpu.memory_space<hbm>>) dst(%arg18 : memref<128x2x128xi32, #tpu.memory_space<vmem>>)
      %dma_start3A_169 = tpu.memref_bitcast %arg6 : memref<32768x8x128xf8E4M3FN, #tpu.memory_space<hbm>> -> memref<32768x2x128xi32, #tpu.memory_space<hbm>>
      %dma_start3A_170 = arith.constant 0 : i32
      %dma_start3A_171 = arith.constant 0 : i32
      %dma_start3A_172 = arith.constant 0 : i32
      %dma_start3A_173 = tpu.memref_slice %dma_start3A_169[%dma_start3A_170, %dma_start3A_171, %dma_start3A_172] : memref<32768x2x128xi32, #tpu.memory_space<hbm>> -> memref<32768x2x128xi32, #tpu.memory_space<hbm>>
      tpu.enqueue_indirect_dma source(%arg18 : memref<128x2x128xi32, #tpu.memory_space<vmem>>) target(%dma_start3A_173 : memref<32768x2x128xi32, #tpu.memory_space<hbm>>) offsets(%arg16 : memref<128xi32, #tpu.memory_space<vmem>>) semaphore(%arg22 : memref<!tpu.dma_semaphore, #tpu.memory_space<semaphore_mem>>)
    } else {
    }
    %gt3A_41 = arith.constant 896 : i32
    %gt3A_42 = arith.cmpi sgt, %reduce_max3A_8, %gt3A_41 : i32
    %convert_element_type3A_43 = arith.extui %gt3A_42 : i1 to i32
    %cond3A_44 = arith.constant 0 : i32
    %cond3A_45 = arith.cmpi ne, %convert_element_type3A_43, %cond3A_44 : i32
    scf.if %cond3A_45 {
      %dma_wait3A = tpu.memref_bitcast %arg6 : memref<32768x8x128xf8E4M3FN, #tpu.memory_space<hbm>> -> memref<32768x2x128xi32, #tpu.memory_space<hbm>>
      %dma_wait3A_56 = arith.constant 0 : i32
      %dma_wait3A_57 = arith.constant 0 : i32
      %dma_wait3A_58 = arith.constant 0 : i32
      %dma_wait3A_59 = tpu.memref_slice %dma_wait3A[%dma_wait3A_56, %dma_wait3A_57, %dma_wait3A_58] : memref<32768x2x128xi32, #tpu.memory_space<hbm>> -> memref<32768x2x128xi32, #tpu.memory_space<hbm>>
      tpu.wait_indirect_dma semaphore(%arg23 : memref<!tpu.dma_semaphore, #tpu.memory_space<semaphore_mem>>) src(%arg19 : memref<128x2x128xi32, #tpu.memory_space<vmem>>) dst(%dma_wait3A_59 : memref<32768x2x128xi32, #tpu.memory_space<hbm>>)
      %add3A_60 = arith.constant 896 : i32
      %add3A_61 = vector.broadcast %add3A_60 : i32 to vector<16xi32>
      %add3A_62 = arith.addi %add3A_61, %iota3A : vector<16xi32>
      %sub3A = arith.constant 1 : i32
      %sub3A_63 = arith.subi %reduce_max3A_8, %sub3A : i32
      %min3A = vector.broadcast %sub3A_63 : i32 to vector<16xi32>
      %min3A_64 = arith.minsi %add3A_62, %min3A : vector<16xi32>
      %gather3A = tpu.vector_load_idx %arg12[%min3A_64] : memref<1024xi32, #tpu.memory_space<vmem>>[vector<16xi32>], vector<16xi32>,
      %swap3A = arith.constant 0 : index
      %swap3A_65 = tpu.vector_load %arg15[%swap3A] {strides = array<i32>} : memref<128xi32, #tpu.memory_space<vmem>>, vector<16xi32>,
      tpu.vector_store %arg15[%swap3A], %gather3A {strides = array<i32>} : memref<128xi32, #tpu.memory_space<vmem>>, vector<16xi32>,
      %gather3A_66 = tpu.vector_load_idx %arg11[%min3A_64] : memref<1024xi32, #tpu.memory_space<vmem>>[vector<16xi32>], vector<16xi32>,
      %swap3A_67 = arith.constant 0 : index
      %swap3A_68 = tpu.vector_load %arg17[%swap3A_67] {strides = array<i32>} : memref<128xi32, #tpu.memory_space<vmem>>, vector<16xi32>,
      tpu.vector_store %arg17[%swap3A_67], %gather3A_66 {strides = array<i32>} : memref<128xi32, #tpu.memory_space<vmem>>, vector<16xi32>,
      %add3A_69 = arith.constant 912 : i32
      %add3A_70 = vector.broadcast %add3A_69 : i32 to vector<16xi32>
      %add3A_71 = arith.addi %add3A_70, %iota3A : vector<16xi32>
      %sub3A_72 = arith.constant 1 : i32
      %sub3A_73 = arith.subi %reduce_max3A_8, %sub3A_72 : i32
      %min3A_74 = vector.broadcast %sub3A_73 : i32 to vector<16xi32>
      %min3A_75 = arith.minsi %add3A_71, %min3A_74 : vector<16xi32>
      %gather3A_76 = tpu.vector_load_idx %arg12[%min3A_75] : memref<1024xi32, #tpu.memory_space<vmem>>[vector<16xi32>], vector<16xi32>,
      %swap3A_77 = arith.constant 16 : index
      %swap3A_78 = tpu.vector_load %arg15[%swap3A_77] {strides = array<i32>} : memref<128xi32, #tpu.memory_space<vmem>>, vector<16xi32>,
      tpu.vector_store %arg15[%swap3A_77], %gather3A_76 {strides = array<i32>} : memref<128xi32, #tpu.memory_space<vmem>>, vector<16xi32>,
      %gather3A_79 = tpu.vector_load_idx %arg11[%min3A_75] : memref<1024xi32, #tpu.memory_space<vmem>>[vector<16xi32>], vector<16xi32>,
      %swap3A_80 = arith.constant 16 : index
      %swap3A_81 = tpu.vector_load %arg17[%swap3A_80] {strides = array<i32>} : memref<128xi32, #tpu.memory_space<vmem>>, vector<16xi32>,
      tpu.vector_store %arg17[%swap3A_80], %gather3A_79 {strides = array<i32>} : memref<128xi32, #tpu.memory_space<vmem>>, vector<16xi32>,
      %add3A_82 = arith.constant 928 : i32
      %add3A_83 = vector.broadcast %add3A_82 : i32 to vector<16xi32>
      %add3A_84 = arith.addi %add3A_83, %iota3A : vector<16xi32>
      %sub3A_85 = arith.constant 1 : i32
      %sub3A_86 = arith.subi %reduce_max3A_8, %sub3A_85 : i32
      %min3A_87 = vector.broadcast %sub3A_86 : i32 to vector<16xi32>
      %min3A_88 = arith.minsi %add3A_84, %min3A_87 : vector<16xi32>
      %gather3A_89 = tpu.vector_load_idx %arg12[%min3A_88] : memref<1024xi32, #tpu.memory_space<vmem>>[vector<16xi32>], vector<16xi32>,
      %swap3A_90 = arith.constant 32 : index
      %swap3A_91 = tpu.vector_load %arg15[%swap3A_90] {strides = array<i32>} : memref<128xi32, #tpu.memory_space<vmem>>, vector<16xi32>,
      tpu.vector_store %arg15[%swap3A_90], %gather3A_89 {strides = array<i32>} : memref<128xi32, #tpu.memory_space<vmem>>, vector<16xi32>,
      %gather3A_92 = tpu.vector_load_idx %arg11[%min3A_88] : memref<1024xi32, #tpu.memory_space<vmem>>[vector<16xi32>], vector<16xi32>,
      %swap3A_93 = arith.constant 32 : index
      %swap3A_94 = tpu.vector_load %arg17[%swap3A_93] {strides = array<i32>} : memref<128xi32, #tpu.memory_space<vmem>>, vector<16xi32>,
      tpu.vector_store %arg17[%swap3A_93], %gather3A_92 {strides = array<i32>} : memref<128xi32, #tpu.memory_space<vmem>>, vector<16xi32>,
      %add3A_95 = arith.constant 944 : i32
      %add3A_96 = vector.broadcast %add3A_95 : i32 to vector<16xi32>
      %add3A_97 = arith.addi %add3A_96, %iota3A : vector<16xi32>
      %sub3A_98 = arith.constant 1 : i32
      %sub3A_99 = arith.subi %reduce_max3A_8, %sub3A_98 : i32
      %min3A_100 = vector.broadcast %sub3A_99 : i32 to vector<16xi32>
      %min3A_101 = arith.minsi %add3A_97, %min3A_100 : vector<16xi32>
      %gather3A_102 = tpu.vector_load_idx %arg12[%min3A_101] : memref<1024xi32, #tpu.memory_space<vmem>>[vector<16xi32>], vector<16xi32>,
      %swap3A_103 = arith.constant 48 : index
      %swap3A_104 = tpu.vector_load %arg15[%swap3A_103] {strides = array<i32>} : memref<128xi32, #tpu.memory_space<vmem>>, vector<16xi32>,
      tpu.vector_store %arg15[%swap3A_103], %gather3A_102 {strides = array<i32>} : memref<128xi32, #tpu.memory_space<vmem>>, vector<16xi32>,
      %gather3A_105 = tpu.vector_load_idx %arg11[%min3A_101] : memref<1024xi32, #tpu.memory_space<vmem>>[vector<16xi32>], vector<16xi32>,
      %swap3A_106 = arith.constant 48 : index
      %swap3A_107 = tpu.vector_load %arg17[%swap3A_106] {strides = array<i32>} : memref<128xi32, #tpu.memory_space<vmem>>, vector<16xi32>,
      tpu.vector_store %arg17[%swap3A_106], %gather3A_105 {strides = array<i32>} : memref<128xi32, #tpu.memory_space<vmem>>, vector<16xi32>,
      %add3A_108 = arith.constant 960 : i32
      %add3A_109 = vector.broadcast %add3A_108 : i32 to vector<16xi32>
      %add3A_110 = arith.addi %add3A_109, %iota3A : vector<16xi32>
      %sub3A_111 = arith.constant 1 : i32
      %sub3A_112 = arith.subi %reduce_max3A_8, %sub3A_111 : i32
      %min3A_113 = vector.broadcast %sub3A_112 : i32 to vector<16xi32>
      %min3A_114 = arith.minsi %add3A_110, %min3A_113 : vector<16xi32>
      %gather3A_115 = tpu.vector_load_idx %arg12[%min3A_114] : memref<1024xi32, #tpu.memory_space<vmem>>[vector<16xi32>], vector<16xi32>,
      %swap3A_116 = arith.constant 64 : index
      %swap3A_117 = tpu.vector_load %arg15[%swap3A_116] {strides = array<i32>} : memref<128xi32, #tpu.memory_space<vmem>>, vector<16xi32>,
      tpu.vector_store %arg15[%swap3A_116], %gather3A_115 {strides = array<i32>} : memref<128xi32, #tpu.memory_space<vmem>>, vector<16xi32>,
      %gather3A_118 = tpu.vector_load_idx %arg11[%min3A_114] : memref<1024xi32, #tpu.memory_space<vmem>>[vector<16xi32>], vector<16xi32>,
      %swap3A_119 = arith.constant 64 : index
      %swap3A_120 = tpu.vector_load %arg17[%swap3A_119] {strides = array<i32>} : memref<128xi32, #tpu.memory_space<vmem>>, vector<16xi32>,
      tpu.vector_store %arg17[%swap3A_119], %gather3A_118 {strides = array<i32>} : memref<128xi32, #tpu.memory_space<vmem>>, vector<16xi32>,
      %add3A_121 = arith.constant 976 : i32
      %add3A_122 = vector.broadcast %add3A_121 : i32 to vector<16xi32>
      %add3A_123 = arith.addi %add3A_122, %iota3A : vector<16xi32>
      %sub3A_124 = arith.constant 1 : i32
      %sub3A_125 = arith.subi %reduce_max3A_8, %sub3A_124 : i32
      %min3A_126 = vector.broadcast %sub3A_125 : i32 to vector<16xi32>
      %min3A_127 = arith.minsi %add3A_123, %min3A_126 : vector<16xi32>
      %gather3A_128 = tpu.vector_load_idx %arg12[%min3A_127] : memref<1024xi32, #tpu.memory_space<vmem>>[vector<16xi32>], vector<16xi32>,
      %swap3A_129 = arith.constant 80 : index
      %swap3A_130 = tpu.vector_load %arg15[%swap3A_129] {strides = array<i32>} : memref<128xi32, #tpu.memory_space<vmem>>, vector<16xi32>,
      tpu.vector_store %arg15[%swap3A_129], %gather3A_128 {strides = array<i32>} : memref<128xi32, #tpu.memory_space<vmem>>, vector<16xi32>,
      %gather3A_131 = tpu.vector_load_idx %arg11[%min3A_127] : memref<1024xi32, #tpu.memory_space<vmem>>[vector<16xi32>], vector<16xi32>,
      %swap3A_132 = arith.constant 80 : index
      %swap3A_133 = tpu.vector_load %arg17[%swap3A_132] {strides = array<i32>} : memref<128xi32, #tpu.memory_space<vmem>>, vector<16xi32>,
      tpu.vector_store %arg17[%swap3A_132], %gather3A_131 {strides = array<i32>} : memref<128xi32, #tpu.memory_space<vmem>>, vector<16xi32>,
      %add3A_134 = arith.constant 992 : i32
      %add3A_135 = vector.broadcast %add3A_134 : i32 to vector<16xi32>
      %add3A_136 = arith.addi %add3A_135, %iota3A : vector<16xi32>
      %sub3A_137 = arith.constant 1 : i32
      %sub3A_138 = arith.subi %reduce_max3A_8, %sub3A_137 : i32
      %min3A_139 = vector.broadcast %sub3A_138 : i32 to vector<16xi32>
      %min3A_140 = arith.minsi %add3A_136, %min3A_139 : vector<16xi32>
      %gather3A_141 = tpu.vector_load_idx %arg12[%min3A_140] : memref<1024xi32, #tpu.memory_space<vmem>>[vector<16xi32>], vector<16xi32>,
      %swap3A_142 = arith.constant 96 : index
      %swap3A_143 = tpu.vector_load %arg15[%swap3A_142] {strides = array<i32>} : memref<128xi32, #tpu.memory_space<vmem>>, vector<16xi32>,
      tpu.vector_store %arg15[%swap3A_142], %gather3A_141 {strides = array<i32>} : memref<128xi32, #tpu.memory_space<vmem>>, vector<16xi32>,
      %gather3A_144 = tpu.vector_load_idx %arg11[%min3A_140] : memref<1024xi32, #tpu.memory_space<vmem>>[vector<16xi32>], vector<16xi32>,
      %swap3A_145 = arith.constant 96 : index
      %swap3A_146 = tpu.vector_load %arg17[%swap3A_145] {strides = array<i32>} : memref<128xi32, #tpu.memory_space<vmem>>, vector<16xi32>,
      tpu.vector_store %arg17[%swap3A_145], %gather3A_144 {strides = array<i32>} : memref<128xi32, #tpu.memory_space<vmem>>, vector<16xi32>,
      %add3A_147 = arith.constant 1008 : i32
      %add3A_148 = vector.broadcast %add3A_147 : i32 to vector<16xi32>
      %add3A_149 = arith.addi %add3A_148, %iota3A : vector<16xi32>
      %sub3A_150 = arith.constant 1 : i32
      %sub3A_151 = arith.subi %reduce_max3A_8, %sub3A_150 : i32
      %min3A_152 = vector.broadcast %sub3A_151 : i32 to vector<16xi32>
      %min3A_153 = arith.minsi %add3A_149, %min3A_152 : vector<16xi32>
      %gather3A_154 = tpu.vector_load_idx %arg12[%min3A_153] : memref<1024xi32, #tpu.memory_space<vmem>>[vector<16xi32>], vector<16xi32>,
      %swap3A_155 = arith.constant 112 : index
      %swap3A_156 = tpu.vector_load %arg15[%swap3A_155] {strides = array<i32>} : memref<128xi32, #tpu.memory_space<vmem>>, vector<16xi32>,
      tpu.vector_store %arg15[%swap3A_155], %gather3A_154 {strides = array<i32>} : memref<128xi32, #tpu.memory_space<vmem>>, vector<16xi32>,
      %gather3A_157 = tpu.vector_load_idx %arg11[%min3A_153] : memref<1024xi32, #tpu.memory_space<vmem>>[vector<16xi32>], vector<16xi32>,
      %swap3A_158 = arith.constant 112 : index
      %swap3A_159 = tpu.vector_load %arg17[%swap3A_158] {strides = array<i32>} : memref<128xi32, #tpu.memory_space<vmem>>, vector<16xi32>,
      tpu.vector_store %arg17[%swap3A_158], %gather3A_157 {strides = array<i32>} : memref<128xi32, #tpu.memory_space<vmem>>, vector<16xi32>,
      %dma_start3A = tpu.memref_bitcast %arg2 : memref<8192x8x128xf8E4M3FN, #tpu.memory_space<hbm>> -> memref<8192x2x128xi32, #tpu.memory_space<hbm>>
      %dma_start3A_160 = arith.constant 0 : i32
      %dma_start3A_161 = arith.constant 0 : i32
      %dma_start3A_162 = arith.constant 0 : i32
      %dma_start3A_163 = tpu.memref_slice %dma_start3A[%dma_start3A_160, %dma_start3A_161, %dma_start3A_162] : memref<8192x2x128xi32, #tpu.memory_space<hbm>> -> memref<8192x2x128xi32, #tpu.memory_space<hbm>>
      tpu.enqueue_indirect_dma source(%dma_start3A_163 : memref<8192x2x128xi32, #tpu.memory_space<hbm>>) target(%arg19 : memref<128x2x128xi32, #tpu.memory_space<vmem>>) offsets(%arg15 : memref<128xi32, #tpu.memory_space<vmem>>) semaphore(%arg21 : memref<!tpu.dma_semaphore, #tpu.memory_space<semaphore_mem>>)
      %dma_wait3A_164 = tpu.memref_bitcast %arg2 : memref<8192x8x128xf8E4M3FN, #tpu.memory_space<hbm>> -> memref<8192x2x128xi32, #tpu.memory_space<hbm>>
      %dma_wait3A_165 = arith.constant 0 : i32
      %dma_wait3A_166 = arith.constant 0 : i32
      %dma_wait3A_167 = arith.constant 0 : i32
      %dma_wait3A_168 = tpu.memref_slice %dma_wait3A_164[%dma_wait3A_165, %dma_wait3A_166, %dma_wait3A_167] : memref<8192x2x128xi32, #tpu.memory_space<hbm>> -> memref<8192x2x128xi32, #tpu.memory_space<hbm>>
      tpu.wait_indirect_dma semaphore(%arg21 : memref<!tpu.dma_semaphore, #tpu.memory_space<semaphore_mem>>) src(%dma_wait3A_168 : memref<8192x2x128xi32, #tpu.memory_space<hbm>>) dst(%arg19 : memref<128x2x128xi32, #tpu.memory_space<vmem>>)
      %dma_start3A_169 = tpu.memref_bitcast %arg6 : memref<32768x8x128xf8E4M3FN, #tpu.memory_space<hbm>> -> memref<32768x2x128xi32, #tpu.memory_space<hbm>>
      %dma_start3A_170 = arith.constant 0 : i32
      %dma_start3A_171 = arith.constant 0 : i32
      %dma_start3A_172 = arith.constant 0 : i32
      %dma_start3A_173 = tpu.memref_slice %dma_start3A_169[%dma_start3A_170, %dma_start3A_171, %dma_start3A_172] : memref<32768x2x128xi32, #tpu.memory_space<hbm>> -> memref<32768x2x128xi32, #tpu.memory_space<hbm>>
      tpu.enqueue_indirect_dma source(%arg19 : memref<128x2x128xi32, #tpu.memory_space<vmem>>) target(%dma_start3A_173 : memref<32768x2x128xi32, #tpu.memory_space<hbm>>) offsets(%arg17 : memref<128xi32, #tpu.memory_space<vmem>>) semaphore(%arg23 : memref<!tpu.dma_semaphore, #tpu.memory_space<semaphore_mem>>)
    } else {
    }
    %gt3A_46 = arith.constant 0 : i32
    %gt3A_47 = arith.cmpi sgt, %reduce_max3A_8, %gt3A_46 : i32
    %convert_element_type3A_48 = arith.extui %gt3A_47 : i1 to i32
    %cond3A_49 = arith.constant 0 : i32
    %cond3A_50 = arith.cmpi ne, %convert_element_type3A_48, %cond3A_49 : i32
    scf.if %cond3A_50 {
      %dma_wait3A = tpu.memref_bitcast %arg6 : memref<32768x8x128xf8E4M3FN, #tpu.memory_space<hbm>> -> memref<32768x2x128xi32, #tpu.memory_space<hbm>>
      %dma_wait3A_56 = arith.constant 0 : i32
      %dma_wait3A_57 = arith.constant 0 : i32
      %dma_wait3A_58 = arith.constant 0 : i32
      %dma_wait3A_59 = tpu.memref_slice %dma_wait3A[%dma_wait3A_56, %dma_wait3A_57, %dma_wait3A_58] : memref<32768x2x128xi32, #tpu.memory_space<hbm>> -> memref<32768x2x128xi32, #tpu.memory_space<hbm>>
      tpu.wait_indirect_dma semaphore(%arg22 : memref<!tpu.dma_semaphore, #tpu.memory_space<semaphore_mem>>) src(%arg18 : memref<128x2x128xi32, #tpu.memory_space<vmem>>) dst(%dma_wait3A_59 : memref<32768x2x128xi32, #tpu.memory_space<hbm>>)
    } else {
    }
    %gt3A_51 = arith.constant 128 : i32
    %gt3A_52 = arith.cmpi sgt, %reduce_max3A_8, %gt3A_51 : i32
    %convert_element_type3A_53 = arith.extui %gt3A_52 : i1 to i32
    %cond3A_54 = arith.constant 0 : i32
    %cond3A_55 = arith.cmpi ne, %convert_element_type3A_53, %cond3A_54 : i32
    scf.if %cond3A_55 {
      %dma_wait3A = tpu.memref_bitcast %arg6 : memref<32768x8x128xf8E4M3FN, #tpu.memory_space<hbm>> -> memref<32768x2x128xi32, #tpu.memory_space<hbm>>
      %dma_wait3A_56 = arith.constant 0 : i32
      %dma_wait3A_57 = arith.constant 0 : i32
      %dma_wait3A_58 = arith.constant 0 : i32
      %dma_wait3A_59 = tpu.memref_slice %dma_wait3A[%dma_wait3A_56, %dma_wait3A_57, %dma_wait3A_58] : memref<32768x2x128xi32, #tpu.memory_space<hbm>> -> memref<32768x2x128xi32, #tpu.memory_space<hbm>>
      tpu.wait_indirect_dma semaphore(%arg23 : memref<!tpu.dma_semaphore, #tpu.memory_space<semaphore_mem>>) src(%arg19 : memref<128x2x128xi32, #tpu.memory_space<vmem>>) dst(%dma_wait3A_59 : memref<32768x2x128xi32, #tpu.memory_space<hbm>>)
    } else {
    }
    return
  }
}

#map = affine_map<(d0, d1) -> (0)>
#map1 = affine_map<(d0, d1) -> (0, 0)>
module attributes {stable_mosaic.version = 14 : i64} {
  func.func @new_body(%arg0: i32, %arg1: i32, %arg2: memref<8192xi32, #tpu.memory_space<hbm>>, %arg3: memref<32x1024xi32, #tpu.memory_space<hbm>>, %arg4: memref<32x1024xi32, #tpu.memory_space<hbm>>, %arg5: memref<32x16xi32, #tpu.memory_space<hbm>>, %arg6: memref<32x1024xi32, #tpu.memory_space<hbm>>, %arg7: memref<32x1024xi32, #tpu.memory_space<hbm>>, %arg8: memref<32x16xi32, #tpu.memory_space<hbm>>, %arg9: memref<8192xi32, #tpu.memory_space<vmem>>, %arg10: memref<1024xi32, #tpu.memory_space<vmem>>, %arg11: memref<1024xi32, #tpu.memory_space<vmem>>, %arg12: memref<1024xi32, #tpu.memory_space<vmem>>, %arg13: memref<16xi32, #tpu.memory_space<vmem>>, %arg14: memref<!tpu.dma_semaphore, #tpu.memory_space<semaphore_mem>>) attributes {dimension_semantics = [#tpu.dimension_semantics<core_parallel>, #tpu.dimension_semantics<subcore_parallel>], iteration_bounds = array<i64: 2, 16>, scalar_prefetch = 0 : i64, scratch_operands = 6 : i64, tpu.core_type = #tpu.core_type<sc_vector_subcore>, window_params = [{transform_indices = #map}, {transform_indices = #map1}, {transform_indices = #map1}, {transform_indices = #map1}, {transform_indices = #map1}, {transform_indices = #map1}, {transform_indices = #map1}]} {
    %mul3A = arith.constant 2 : i32
    %mul3A_0 = arith.muli %arg1, %mul3A : i32
    %add3A = arith.addi %mul3A_0, %arg0 : i32
    %mul3A_1 = arith.constant 1024 : i32
    %mul3A_2 = arith.muli %add3A, %mul3A_1 : i32
    "tpu.region"() ({
      %run_scoped3A = tpu.sem_alloc : memref<!tpu.dma_semaphore, #tpu.memory_space<semaphore_mem>>
      tpu.enqueue_dma source(%arg2 : memref<8192xi32, #tpu.memory_space<hbm>>) target(%arg9 : memref<8192xi32, #tpu.memory_space<vmem>>) target_semaphore(%run_scoped3A : memref<!tpu.dma_semaphore, #tpu.memory_space<semaphore_mem>>)
      tpu.wait_dma2 semaphore(%run_scoped3A : memref<!tpu.dma_semaphore, #tpu.memory_space<semaphore_mem>>) src(%arg2 : memref<8192xi32, #tpu.memory_space<hbm>>) dst(%arg9 : memref<8192xi32, #tpu.memory_space<vmem>>)
      tpu.yield
    }) : () -> ()
    %iota3A = tpu.iota {dimensions = array<i32: 0>} : vector<16xi32>
    %broadcast_in_dim3A = arith.constant -1 : i32
    %broadcast_in_dim3A_3 = vector.broadcast %broadcast_in_dim3A : i32 to vector<16xi32>
    %scan3A = arith.constant 0 : i32
    %scan3A_4 = arith.constant 0 : i32
    %scan3A_5 = arith.constant 64 : i32
    %scan3A_6 = arith.addi %scan3A_4, %scan3A_5 : i32
    %scan3A_7 = arith.constant 1 : i32
    scf.for %scan3A_24 = %scan3A_4 to %scan3A_6 step %scan3A_7  : i32 {
      %mul3A_25 = arith.constant 16 : i32
      %mul3A_26 = arith.muli %scan3A_24, %mul3A_25 : i32
      %swap3A_27 = arith.index_cast %mul3A_26 : i32 to index
      %swap3A_28 = tpu.vector_load %arg10[%swap3A_27] {strides = array<i32>} : memref<1024xi32, #tpu.memory_space<vmem>>, vector<16xi32>,
      tpu.vector_store %arg10[%swap3A_27], %broadcast_in_dim3A_3 {strides = array<i32>} : memref<1024xi32, #tpu.memory_space<vmem>>, vector<16xi32>,
    }
    %scan3A_8 = arith.constant 64 : i32
    %scan3A_9 = arith.constant 0 : i32
    %scan3A_10 = arith.constant 0 : i32
    %scan3A_11 = arith.constant 512 : i32
    %scan3A_12 = arith.addi %scan3A_10, %scan3A_11 : i32
    %scan3A_13 = arith.constant 1 : i32
    scf.for %scan3A_24 = %scan3A_10 to %scan3A_12 step %scan3A_13  : i32 {
      %mul3A_25 = arith.constant 16 : i32
      %mul3A_26 = arith.muli %scan3A_24, %mul3A_25 : i32
      %get3A = arith.index_cast %mul3A_26 : i32 to index
      %get3A_27 = tpu.vector_load %arg9[%get3A] {strides = array<i32>} : memref<8192xi32, #tpu.memory_space<vmem>>, vector<16xi32>,
      %sub3A = vector.broadcast %mul3A_2 : i32 to vector<16xi32>
      %sub3A_28 = arith.subi %get3A_27, %sub3A : vector<16xi32>
      %ge3A = arith.constant 0 : i32
      %ge3A_29 = vector.broadcast %ge3A : i32 to vector<16xi32>
      %ge3A_30 = arith.cmpi sge, %sub3A_28, %ge3A_29 : vector<16xi32>
      %lt3A = arith.constant 1024 : i32
      %lt3A_31 = vector.broadcast %lt3A : i32 to vector<16xi32>
      %lt3A_32 = arith.cmpi slt, %sub3A_28, %lt3A_31 : vector<16xi32>
      %and3A = arith.andi %ge3A_30, %lt3A_32 : vector<16xi1>
      %and3A_33 = arith.constant 1023 : i32
      %and3A_34 = vector.broadcast %and3A_33 : i32 to vector<16xi32>
      %and3A_35 = arith.andi %sub3A_28, %and3A_34 : vector<16xi32>
      %mul3A_36 = arith.constant 16 : i32
      %mul3A_37 = arith.muli %scan3A_24, %mul3A_36 : i32
      %add3A_38 = vector.broadcast %mul3A_37 : i32 to vector<16xi32>
      %add3A_39 = arith.addi %add3A_38, %iota3A : vector<16xi32>
      tpu.vector_store_idx %arg10[%and3A_35], %add3A_39 masked %and3A : memref<1024xi32, #tpu.memory_space<vmem>>[vector<16xi32>], vector<16xi32>, vector<16xi1>
    }
    %scan3A_14 = arith.constant 512 : i32
    %scan3A_15 = arith.constant 0 : i32
    %scan3A_16 = arith.constant 0 : i32
    %scan3A_17 = arith.constant 64 : i32
    %scan3A_18 = arith.addi %scan3A_16, %scan3A_17 : i32
    %scan3A_19 = arith.constant 1 : i32
    %scan3A_20 = scf.for %scan3A_24 = %scan3A_16 to %scan3A_18 step %scan3A_19 iter_args(%scan3A_25 = %scan3A_15) -> (i32)  : i32 {
      %mul3A_26 = arith.constant 16 : i32
      %mul3A_27 = arith.muli %scan3A_24, %mul3A_26 : i32
      %get3A = arith.index_cast %mul3A_27 : i32 to index
      %get3A_28 = tpu.vector_load %arg10[%get3A] {strides = array<i32>} : memref<1024xi32, #tpu.memory_space<vmem>>, vector<16xi32>,
      %ge3A = arith.constant 0 : i32
      %ge3A_29 = vector.broadcast %ge3A : i32 to vector<16xi32>
      %ge3A_30 = arith.cmpi sge, %get3A_28, %ge3A_29 : vector<16xi32>
      %convert_element_type3A = arith.extui %ge3A_30 : vector<16xi1> to vector<16xi32>
      %broadcast_in_dim3A_31 = arith.constant true
      %broadcast_in_dim3A_32 = vector.broadcast %broadcast_in_dim3A_31 : i1 to vector<16xi1>
      %masked_cumsum3A = tpu.scan <sum>, %convert_element_type3A masked %broadcast_in_dim3A_32 : vector<16xi32>, vector<16xi1> -> vector<16xi32>
      %add3A_33 = vector.broadcast %scan3A_25 : i32 to vector<16xi32>
      %add3A_34 = arith.addi %add3A_33, %masked_cumsum3A : vector<16xi32>
      %sub3A = arith.constant 1 : i32
      %sub3A_35 = vector.broadcast %sub3A : i32 to vector<16xi32>
      %sub3A_36 = arith.subi %add3A_34, %sub3A_35 : vector<16xi32>
      %max3A = arith.constant 0 : i32
      %max3A_37 = vector.broadcast %max3A : i32 to vector<16xi32>
      %max3A_38 = arith.maxsi %sub3A_36, %max3A_37 : vector<16xi32>
      %mul3A_39 = arith.constant 16 : i32
      %mul3A_40 = arith.muli %scan3A_24, %mul3A_39 : i32
      %add3A_41 = arith.addi %mul3A_2, %mul3A_40 : i32
      %add3A_42 = vector.broadcast %add3A_41 : i32 to vector<16xi32>
      %add3A_43 = arith.addi %add3A_42, %iota3A : vector<16xi32>
      tpu.vector_store_idx %arg11[%max3A_38], %add3A_43 masked %ge3A_30 : memref<1024xi32, #tpu.memory_space<vmem>>[vector<16xi32>], vector<16xi32>, vector<16xi1>
      tpu.vector_store_idx %arg12[%max3A_38], %get3A_28 masked %ge3A_30 : memref<1024xi32, #tpu.memory_space<vmem>>[vector<16xi32>], vector<16xi32>, vector<16xi1>
      %reduce_sum3A = arith.constant true
      %reduce_sum3A_44 = vector.broadcast %reduce_sum3A : i1 to vector<16xi1>
      %reduce_sum3A_45 = tpu.scan <sum>, %convert_element_type3A masked %reduce_sum3A_44 : vector<16xi32>, vector<16xi1> -> vector<16xi32>
      %reduce_sum3A_46 = vector.extract %reduce_sum3A_45[15] : i32 from vector<16xi32>
      %add3A_47 = arith.addi %scan3A_25, %reduce_sum3A_46 : i32
      scf.yield %add3A_47 : i32
    }
    %scan3A_21 = arith.constant 64 : i32
    %broadcast_in_dim3A_22 = vector.broadcast %scan3A_20 : i32 to vector<16xi32>
    %swap3A = arith.constant 0 : index
    %swap3A_23 = tpu.vector_load %arg13[%swap3A] {strides = array<i32>} : memref<16xi32, #tpu.memory_space<vmem>>, vector<16xi32>,
    tpu.vector_store %arg13[%swap3A], %broadcast_in_dim3A_22 {strides = array<i32>} : memref<16xi32, #tpu.memory_space<vmem>>, vector<16xi32>,
    "tpu.region"() ({
      %run_scoped3A = tpu.sem_alloc : memref<!tpu.dma_semaphore, #tpu.memory_space<semaphore_mem>>
      %dma_start3A = arith.constant 0 : i32
      %dma_start3A_24 = tpu.memref_slice %arg3[%add3A, %dma_start3A] : memref<32x1024xi32, #tpu.memory_space<hbm>> -> memref<1x1024xi32, #tpu.memory_space<hbm>>
      %dma_start3A_25 = tpu.memref_squeeze %dma_start3A_24 : memref<1x1024xi32, #tpu.memory_space<hbm>> -> memref<1024xi32, #tpu.memory_space<hbm>>
      %dma_start3A_26 = arith.constant 0 : i32
      %dma_start3A_27 = tpu.memref_slice %arg3[%add3A, %dma_start3A_26] : memref<32x1024xi32, #tpu.memory_space<hbm>> -> memref<1x1024xi32, #tpu.memory_space<hbm>>
      %dma_start3A_28 = tpu.memref_squeeze %dma_start3A_27 : memref<1x1024xi32, #tpu.memory_space<hbm>> -> memref<1024xi32, #tpu.memory_space<hbm>>
      tpu.enqueue_dma source(%arg11 : memref<1024xi32, #tpu.memory_space<vmem>>) target(%dma_start3A_28 : memref<1024xi32, #tpu.memory_space<hbm>>) target_semaphore(%run_scoped3A : memref<!tpu.dma_semaphore, #tpu.memory_space<semaphore_mem>>)
      %dma_wait3A = arith.constant 0 : i32
      %dma_wait3A_29 = tpu.memref_slice %arg3[%add3A, %dma_wait3A] : memref<32x1024xi32, #tpu.memory_space<hbm>> -> memref<1x1024xi32, #tpu.memory_space<hbm>>
      %dma_wait3A_30 = tpu.memref_squeeze %dma_wait3A_29 : memref<1x1024xi32, #tpu.memory_space<hbm>> -> memref<1024xi32, #tpu.memory_space<hbm>>
      %dma_wait3A_31 = arith.constant 0 : i32
      %dma_wait3A_32 = tpu.memref_slice %arg3[%add3A, %dma_wait3A_31] : memref<32x1024xi32, #tpu.memory_space<hbm>> -> memref<1x1024xi32, #tpu.memory_space<hbm>>
      %dma_wait3A_33 = tpu.memref_squeeze %dma_wait3A_32 : memref<1x1024xi32, #tpu.memory_space<hbm>> -> memref<1024xi32, #tpu.memory_space<hbm>>
      tpu.wait_dma2 semaphore(%run_scoped3A : memref<!tpu.dma_semaphore, #tpu.memory_space<semaphore_mem>>) src(%arg11 : memref<1024xi32, #tpu.memory_space<vmem>>) dst(%dma_wait3A_33 : memref<1024xi32, #tpu.memory_space<hbm>>)
      tpu.yield
    }) : () -> ()
    "tpu.region"() ({
      %run_scoped3A = tpu.sem_alloc : memref<!tpu.dma_semaphore, #tpu.memory_space<semaphore_mem>>
      %dma_start3A = arith.constant 0 : i32
      %dma_start3A_24 = tpu.memref_slice %arg4[%add3A, %dma_start3A] : memref<32x1024xi32, #tpu.memory_space<hbm>> -> memref<1x1024xi32, #tpu.memory_space<hbm>>
      %dma_start3A_25 = tpu.memref_squeeze %dma_start3A_24 : memref<1x1024xi32, #tpu.memory_space<hbm>> -> memref<1024xi32, #tpu.memory_space<hbm>>
      %dma_start3A_26 = arith.constant 0 : i32
      %dma_start3A_27 = tpu.memref_slice %arg4[%add3A, %dma_start3A_26] : memref<32x1024xi32, #tpu.memory_space<hbm>> -> memref<1x1024xi32, #tpu.memory_space<hbm>>
      %dma_start3A_28 = tpu.memref_squeeze %dma_start3A_27 : memref<1x1024xi32, #tpu.memory_space<hbm>> -> memref<1024xi32, #tpu.memory_space<hbm>>
      tpu.enqueue_dma source(%arg12 : memref<1024xi32, #tpu.memory_space<vmem>>) target(%dma_start3A_28 : memref<1024xi32, #tpu.memory_space<hbm>>) target_semaphore(%run_scoped3A : memref<!tpu.dma_semaphore, #tpu.memory_space<semaphore_mem>>)
      %dma_wait3A = arith.constant 0 : i32
      %dma_wait3A_29 = tpu.memref_slice %arg4[%add3A, %dma_wait3A] : memref<32x1024xi32, #tpu.memory_space<hbm>> -> memref<1x1024xi32, #tpu.memory_space<hbm>>
      %dma_wait3A_30 = tpu.memref_squeeze %dma_wait3A_29 : memref<1x1024xi32, #tpu.memory_space<hbm>> -> memref<1024xi32, #tpu.memory_space<hbm>>
      %dma_wait3A_31 = arith.constant 0 : i32
      %dma_wait3A_32 = tpu.memref_slice %arg4[%add3A, %dma_wait3A_31] : memref<32x1024xi32, #tpu.memory_space<hbm>> -> memref<1x1024xi32, #tpu.memory_space<hbm>>
      %dma_wait3A_33 = tpu.memref_squeeze %dma_wait3A_32 : memref<1x1024xi32, #tpu.memory_space<hbm>> -> memref<1024xi32, #tpu.memory_space<hbm>>
      tpu.wait_dma2 semaphore(%run_scoped3A : memref<!tpu.dma_semaphore, #tpu.memory_space<semaphore_mem>>) src(%arg12 : memref<1024xi32, #tpu.memory_space<vmem>>) dst(%dma_wait3A_33 : memref<1024xi32, #tpu.memory_space<hbm>>)
      tpu.yield
    }) : () -> ()
    "tpu.region"() ({
      %run_scoped3A = tpu.sem_alloc : memref<!tpu.dma_semaphore, #tpu.memory_space<semaphore_mem>>
      %dma_start3A = arith.constant 0 : i32
      %dma_start3A_24 = tpu.memref_slice %arg5[%add3A, %dma_start3A] : memref<32x16xi32, #tpu.memory_space<hbm>> -> memref<1x16xi32, #tpu.memory_space<hbm>>
      %dma_start3A_25 = tpu.memref_squeeze %dma_start3A_24 : memref<1x16xi32, #tpu.memory_space<hbm>> -> memref<16xi32, #tpu.memory_space<hbm>>
      %dma_start3A_26 = arith.constant 0 : i32
      %dma_start3A_27 = tpu.memref_slice %arg5[%add3A, %dma_start3A_26] : memref<32x16xi32, #tpu.memory_space<hbm>> -> memref<1x16xi32, #tpu.memory_space<hbm>>
      %dma_start3A_28 = tpu.memref_squeeze %dma_start3A_27 : memref<1x16xi32, #tpu.memory_space<hbm>> -> memref<16xi32, #tpu.memory_space<hbm>>
      tpu.enqueue_dma source(%arg13 : memref<16xi32, #tpu.memory_space<vmem>>) target(%dma_start3A_28 : memref<16xi32, #tpu.memory_space<hbm>>) target_semaphore(%run_scoped3A : memref<!tpu.dma_semaphore, #tpu.memory_space<semaphore_mem>>)
      %dma_wait3A = arith.constant 0 : i32
      %dma_wait3A_29 = tpu.memref_slice %arg5[%add3A, %dma_wait3A] : memref<32x16xi32, #tpu.memory_space<hbm>> -> memref<1x16xi32, #tpu.memory_space<hbm>>
      %dma_wait3A_30 = tpu.memref_squeeze %dma_wait3A_29 : memref<1x16xi32, #tpu.memory_space<hbm>> -> memref<16xi32, #tpu.memory_space<hbm>>
      %dma_wait3A_31 = arith.constant 0 : i32
      %dma_wait3A_32 = tpu.memref_slice %arg5[%add3A, %dma_wait3A_31] : memref<32x16xi32, #tpu.memory_space<hbm>> -> memref<1x16xi32, #tpu.memory_space<hbm>>
      %dma_wait3A_33 = tpu.memref_squeeze %dma_wait3A_32 : memref<1x16xi32, #tpu.memory_space<hbm>> -> memref<16xi32, #tpu.memory_space<hbm>>
      tpu.wait_dma2 semaphore(%run_scoped3A : memref<!tpu.dma_semaphore, #tpu.memory_space<semaphore_mem>>) src(%arg13 : memref<16xi32, #tpu.memory_space<vmem>>) dst(%dma_wait3A_33 : memref<16xi32, #tpu.memory_space<hbm>>)
      tpu.yield
    }) : () -> ()
    return
  }
}

module attributes {stable_mosaic.version = 14 : i64} {
  func.func @_quant_body(%arg0: i32, %arg1: memref<512x8x128xf32, #tpu.memory_space<vmem>>, %arg2: memref<512x8x128xf8E4M3FN, #tpu.memory_space<vmem>>) attributes {dimension_semantics = [#tpu.dimension_semantics<arbitrary>], iteration_bounds = array<i64: 16>, scalar_prefetch = 0 : i64, scratch_operands = 0 : i64, tpu.core_type = #tpu.core_type<tc>, window_params = [{transform_indices = @transform_0, window_bounds = array<i64: 512, 8, 128>}, {transform_indices = @transform_1, window_bounds = array<i64: 512, 8, 128>}]} {
    %get3A = arith.constant 0 : index
    %get3A_0 = arith.constant 0 : index
    %get3A_1 = arith.constant 0 : index
    %get3A_2 = vector.load %arg1[%get3A, %get3A_0, %get3A_1] : memref<512x8x128xf32, #tpu.memory_space<vmem>>, vector<512x8x128xf32>
    %convert_element_type3A = arith.truncf %get3A_2 : vector<512x8x128xf32> to vector<512x8x128xf8E4M3FN>
    %swap3A = arith.constant 0 : index
    %swap3A_3 = arith.constant 0 : index
    %swap3A_4 = arith.constant 0 : index
    %swap3A_5 = vector.load %arg2[%swap3A, %swap3A_3, %swap3A_4] : memref<512x8x128xf8E4M3FN, #tpu.memory_space<vmem>>, vector<512x8x128xf8E4M3FN>
    tpu.vector_store %arg2[%swap3A, %swap3A_3, %swap3A_4], %convert_element_type3A {strides = array<i32>} : memref<512x8x128xf8E4M3FN, #tpu.memory_space<vmem>>, vector<512x8x128xf8E4M3FN>,
    return
  }
  func.func @transform_0(%arg0: i32) -> (i32, i32, i32) {
    %c0_i32 = arith.constant 0 : i32
    %c0_i32_0 = arith.constant 0 : i32
    %c0_i32_1 = arith.constant 0 : i32
    return %arg0, %c0_i32, %c0_i32_0 : i32, i32, i32
  }
  func.func @transform_1(%arg0: i32) -> (i32, i32, i32) {
    %c0_i32 = arith.constant 0 : i32
    %c0_i32_0 = arith.constant 0 : i32
    %c0_i32_1 = arith.constant 0 : i32
    return %arg0, %c0_i32, %c0_i32_0 : i32, i32, i32
  }
}

</mosaic_0001>

<sc_bundles>
// kernel: kernel.5.cloned.1.call-start
scs
__scs_entry_jumppad:
0x0: {  	(pc) =	sbr.rel $0x88, $3  }
0x1: {  	(tag) =	ssettag $0x0;
	lr =	simm.s32 $0x1  }
0x2: {  	[smem:$0x3F9E] =	sst lr;
	_ =	strace $0xD0000000  }
0x3: {  	_ = 	snop  }
0x4: {  	_ = 	snop  }
0x5: {  	_ = 	snop  }
0x6: {  	_ = 	snop  }
0x7: {  	_ = 	snop  }
__scs_overlays_trampoline_lowered:
0x8: {  	[smem:$0x3FAD] =	sst s0  }
0x9: {  	[smem:$0x3FAE] =	sst s1  }
0xa: {  	[smem:$0x3FAF] =	sst s2  }
0xb: {  	[smem:$0x3FB0] =	sst s3  }
0xc: {  	[smem:$0x3FB1] =	sst s4  }
0xd: {  	[smem:$0x3FB2] =	sst s5  }
0xe: {  	[smem:$0x3FB3] =	sst s6  }
0xf: {  	[smem:$0x3FB4] =	sst s7  }
0x10: {  	[smem:$0x3FB5] =	sst s8  }
0x11: {  	[smem:$0x3FB6] =	sst s9;
	s0 =	simm.s32 @!p0 $0x0  }
0x12: {  	s1 =	sld [smem:$0x3F9C];
	s0 =	simm.s32 @p0 $0x1  }
0x13: {  	[smem:$0x3FB7] =	sst s0;
	s0 =	simm.s32 @!p1 $0x0  }
0x14: {  	s2 =	sld [smem:$0x3F9B];
	s0 =	simm.s32 @p1 $0x1  }
0x15: {  	[smem:$0x3FB8] =	sst s0;
	s0 =	simm.s32 @!p2 $0x0  }
0x16: {  	s3 =	sld [smem:$0x3FDB];
	s0 =	simm.s32 @p2 $0x1  }
0x17: {  	s4 =	simm.s32 $0x1BF5;
	[smem:$0x3FBA] =	sst s0  }
0x18: {  	s0 =	sld [smem:$0x3F9D];
	_ =	swait.ge [sflag:s4], $0x0  }
0x19: {  	s7 =	sld [smem:$0x3F9E]  }
0x1a: {  	s8 =	sadd.s32 $0xFFFFE003, lr  }
0x1b: {  	s9 =	sadd.s32 $0xFFFFFEF7, lr;
	s5 =	simm.s32 $0xFFFFFFFF;
	p2 =	slt.u32 s8, $0xFFFFF086  }
0x1c: {  	p1 =	slt.u32 s9, $0xF7A;
	s5 =	simm.s32 @!p2 $0x0  }
0x1d: {  	s5 =	simm.s32 @p1 $0x1;
	p0 =	seq.s32 s7, s2  }
0x1e: {  	s7 =	smul.u32 @!p0 $0xF7A, s2;
	p2 =	seq.s32 @!p0 s5, $0x0  }
0x1f: {  	s9 =	smul.u32 $0xF7A, s1;
	s8 =	simm.s32 @!p0 $0x1BF5;
	p2 =	por !p2, p0  }
0x20: {  	[sflag:s8] =	ssyncset.s32 @!p0 $0xFFFFF086;
	s6 =	sadd.s32 @!p0 s3, s7;
	s7 =	simm.s32 @!p0 $0x108  }
0x21: {  	s3 =	sadd.s32 s3, s9;
	s6 =	sadd.s32 @!p0 $0x88, s6;
	s7 =	simm.s32 @p2 $0x1082  }
0x22: {  	[simem:s7], [sflag:s8] =	dma.local @!p0 [hbm:s6], $0xF7A  }
0x23: {  	s9 =	sor.u32 $0xD0000000, s2;
	s6 =	simm.s32 $0x108;
	_ =	swait.ge @!p0 [sflag:s8], $0x0  }
0x24: {  	s3 =	sadd.s32 $0x88, s3;
	s6 =	simm.s32 @!p1 $0x1082;
	[sflag:s4] =	ssyncset.s32 $0xFFFFF086  }
0x25: {  	[simem:s6], [sflag:s4] =	dma.local [hbm:s3], $0xF7A  }
0x26: {  	[smem:$0x3F9E] =	sst s1;
	(tag) =	ssettag s2;
	_ =	strace s9  }
0x27: {  	s1 =	sld [smem:$0x3FAE]  }
0x28: {  	s2 =	sld [smem:$0x3FAF]  }
0x29: {  	s4 =	sld [smem:$0x3FB1]  }
0x2a: {  	p0 =	seq.s32 s5, $0x0;
	s5 =	sld [smem:$0x3FB2]  }
0x2b: {  	s6 =	sld [smem:$0x3FB3]  }
0x2c: {  	s7 =	sld [smem:$0x3FB4]  }
0x2d: {  	s3 =	simm.s32 $0x108;
	s8 =	sld [smem:$0x3FB5]  }
0x2e: {  	s3 =	simm.s32 @!p0 $0x1082;
	s9 =	sld [smem:$0x3FB6]  }
0x2f: {  	lr =	sadd.s32 s0, s3;
	s0 =	sld [smem:$0x3FAD]  }
0x30: {  	s3 =	sld [smem:$0x3FB0]  }
0x31: {  	[smem:$0x3FB9] =	sst s10  }
0x32: {  	s10 =	sld [smem:$0x3FB7];
	_ =	sdelay $0x3  }
0x33: {  	p0 =	seq.s32 s10, $0x1;
	s10 =	sld [smem:$0x3FB9];
	_ =	sdelay $0x3  }
0x34: {  	[smem:$0x3FB9] =	sst s10  }
0x35: {  	s10 =	sld [smem:$0x3FB8];
	_ =	sdelay $0x3  }
0x36: {  	p1 =	seq.s32 s10, $0x1;
	s10 =	sld [smem:$0x3FB9];
	_ =	sdelay $0x3  }
0x37: {  	[smem:$0x3FB9] =	sst s10  }
0x38: {  	s10 =	sld [smem:$0x3FBA]  }
0x39: {  	_ = 	snop;
	(pc) =	sbr.ind lr, $3  }
0x3a: {  	_ = 	snop  }
0x3b: {  	_ = 	snop  }
0x3c: {  	p2 =	seq.s32 s10, $0x1;
	s10 =	sld [smem:$0x3FB9]  }
0x3d: {  	_ =	shalt  }
0x3e: {  	_ =	shalt  }
0x3f: {  	_ =	shalt  }
0x40: {  	_ =	shalt  }
0x41: {  	_ =	shalt  }
0x42: {  	_ =	shalt  }
0x43: {  	_ =	shalt  }
0x44: {  	_ =	shalt  }
0x45: {  	_ =	shalt  }
0x46: {  	_ =	shalt  }
0x47: {  	_ =	shalt  }
0x48: {  	_ =	shalt  }
0x49: {  	_ =	shalt  }
0x4a: {  	_ =	shalt  }
0x4b: {  	_ =	shalt  }
0x4c: {  	_ =	shalt  }
0x4d: {  	_ =	shalt  }
0x4e: {  	_ =	shalt  }
0x4f: {  	_ =	shalt  }
0x50: {  	_ =	shalt  }
0x51: {  	_ =	shalt  }
0x52: {  	_ =	shalt  }
0x53: {  	_ =	shalt  }
0x54: {  	_ =	shalt  }
0x55: {  	_ =	shalt  }
0x56: {  	_ =	shalt  }
0x57: {  	_ =	shalt  }
0x58: {  	_ =	shalt  }
0x59: {  	_ =	shalt  }
0x5a: {  	_ =	shalt  }
0x5b: {  	_ =	shalt  }
0x5c: {  	_ =	shalt  }
0x5d: {  	_ =	shalt  }
0x5e: {  	_ =	shalt  }
0x5f: {  	_ =	shalt  }
0x60: {  	_ =	shalt  }
0x61: {  	_ =	shalt  }
0x62: {  	_ =	shalt  }
0x63: {  	_ =	shalt  }
0x64: {  	_ =	shalt  }
0x65: {  	_ =	shalt  }
0x66: {  	_ =	shalt  }
0x67: {  	_ =	shalt  }
0x68: {  	_ =	shalt  }
0x69: {  	_ =	shalt  }
0x6a: {  	_ =	shalt  }
0x6b: {  	_ =	shalt  }
0x6c: {  	_ =	shalt  }
0x6d: {  	_ =	shalt  }
0x6e: {  	_ =	shalt  }
0x6f: {  	_ =	shalt  }
0x70: {  	_ =	shalt  }
0x71: {  	_ =	shalt  }
0x72: {  	_ =	shalt  }
0x73: {  	_ =	shalt  }
0x74: {  	_ =	shalt  }
0x75: {  	_ =	shalt  }
0x76: {  	_ =	shalt  }
0x77: {  	_ =	shalt  }
0x78: {  	_ =	shalt  }
0x79: {  	_ =	shalt  }
0x7a: {  	_ =	shalt  }
0x7b: {  	_ =	shalt  }
0x7c: {  	_ =	shalt  }
0x7d: {  	_ =	shalt  }
0x7e: {  	_ =	shalt  }
0x7f: {  	_ =	shalt  }
0x80: {  	_ =	shalt  }
0x81: {  	_ =	shalt  }
0x82: {  	_ =	shalt  }
0x83: {  	_ =	shalt  }
0x84: {  	_ =	shalt  }
0x85: {  	_ =	shalt  }
0x86: {  	_ =	shalt  }
0x87: {  	_ =	shalt  }
.Lfunc_end0:
.L_simem_size_0:
called_computation_lowered:
.L_overlay_start_0:
0x88: {  	s2 =	sld [smem:$0x3FD9]  }
0x89: {  	s3 =	sld [smem:$0x3FFE];
	_ =	sdelay $0x1  }
0x8a: {  	s1 =	srdreg.scid  }
0x8b: {  	s0 =	sand.u32 $0x1, s1  }
0x8c: {  	s17 =	sshll.u32 s0, $0xA;
	s2 =	sadd.s32 s3, s2  }
0x8d: {  	s2 =	sadd.s32 s2, s17  }
0x8e: {  	[smem:$0x3FC5] =	sst s2  }
0x8f: {  	_ = 	snop  }
0x90: {  	s2 =	sld [smem:$0x3FC7];
	(tm) =	ssettm $0x1  }
0x91: {  	s18 =	sld [smem:$0x3FFB];
	_ =	sdelay $0x3  }
0x92: {  	_ =	strace s18  }
0x93: {  	s3 =	sld [smem:$0x3FFC];
	_ =	sdelay $0x3  }
0x94: {  	_ =	strace s3  }
0x95: {  	s3 =	sld [smem:$0x3FFD];
	_ =	sdelay $0x3  }
0x96: {  	_ =	strace s3  }
0x97: {  	_ =	strace $0x8FFFFFFF  }
0x98: {  	s19 =	sld [smem:$0x3FDB];
	_ =	sdelay $0x1  }
0x99: {  	s4 =	simm.s32 $_scs_section_size  }
0x9a: {  	s5 =	simm.s32 $_size__tile_overlayer_lowered;
	s6 =	simm.s32 $_tile_overlayer_lowered  }
0x9b: {  	s22 =	simm.s32 $0x1BFF;
	s21 =	sshll.u32 s6, $0x1;
	s3 =	sadd.s32 s4, s19  }
0x9c: {  	s7 =	simm.s32 $0x0;
	s20 =	sshll.u32 s5, $0x1;
	s5 =	sadd.s32 s21, s3  }
0x9d: {  	[timem:s7], [sflag:s22] =	dma.local [hbm:s5], s20  }
0x9e: {  	_ =	swait.ge [sflag:s22], s20  }
0x9f: {  	s4 =	ssub.s32 $0x0, s20;
	[sflag:s22] =	ssyncset.done $0x0  }
0xa0: {  	[sflag:s22] =	ssyncadd.s32 s4;
	_ =	sdelay $0x1  }
0xa1: {  	s23 =	simm.s32 $0x1B8B  }
0xa2: {  	_ =	swait.ge [sflag:s23], $0x1  }
0xa3: {  	[sflag:s23] =	ssyncset.done $0x0  }
0xa4: {  	s25 =	simm.s32 $0x1B8E;
	s24 =	sld [smem:$0x3FFE];
	[sflag:s23] =	ssyncadd.s32 $0xFFFFFFFF  }
0xa5: {  	s26 =	simm.s32 $execute0_lowered;
	[smem:$0x3FD2] =	sst s25  }
0xa6: {  	s5 =	sshll.u32 s26, $0x1;
	_ =	strace $0x80000046;
	[dreg:$0x1] =	wrdreg $0xFFFFFFFF  }
0xa7: {  	s28 =	simm.s32 $_size_execute0_lowered;
	s3 =	sadd.s32 s3, s5;
	[dreg:$0x0] =	wrdreg $0x0  }
0xa8: {  	s5 =	sshll.u32 s28, $0x1;
	[dreg:$0x2] =	wrdreg s3  }
0xa9: {  	[dreg:$0x3] =	wrdreg s5  }
0xaa: {  	[dreg:$0x4] =	wrdreg $0xC0  }
0xab: {  	_ =	task [dreg:s7], $0x5FFFF  }
0xac: {  	[dreg:$0x1] =	wrdreg $0xFFFFFFFF  }
0xad: {  	[dreg:$0x0] =	wrdreg $0x60  }
0xae: {  	[dreg:$0x2] =	wrdreg s2  }
0xaf: {  	[dreg:$0x3] =	wrdreg s24  }
0xb0: {  	[dreg:$0x4] =	wrdreg $0x9  }
0xb1: {  	_ =	task.clear_ibuf [dreg:s7], $0x5FFFF;
	_ =	strace $0x90000046  }
0xb2: {  	s29 =	simm.s32 $0x9;
	_ =	strace $0x80000048  }
0xb3: {  	_ =	swait.ge [sflag:s29], $0x1  }
0xb4: {  	[sflag:s29] =	ssyncadd.s32 $0xFFFFFFFF  }
0xb5: {  	_ =	strace $0x90000048  }
0xb6: {  	_ =	sfence  }
0xb7: {  	s30 =	sld [smem:$0x0];
	_ =	sdelay $0x2  }
0xb8: {  	s31 =	sshll.u32 s1, $0xD;
	s1 =	sshrl.u32 s1, $0x2  }
0xb9: {  	s3 =	sand.u32 $0x4000, s31;
	s1 =	sadd.s32 s1, s30  }
0xba: {  	s0 =	sor.u32 s3, s0;
	s1 =	sshll.u32 s1, $0x11  }
0xbb: {  	s0 =	sor.u32 s1, s0  }
0xbc: {  	s0 =	sadd.s32 $0x8F2B, s0  }
0xbd: {  	[sflag:s0] =	ssyncadd.remote.s32 $0x1  }
0xbe: {  	_ =	sfence.sel $0xFFFF  }
0xbf: {  	[dreg:$0x0] =	wrdreg $0xFFFFFFFF;
	(pc) =	sbr.abs _section_cstart, $3  }
0xc0: {  	[dreg:$0x1] =	wrdreg $0xFFFFFFFF  }
0xc1: {  	_ =	task.clear_ibuf [dreg:s7], $0x2FFFF;
	_ =	strace $0x9FFFFFFF  }
0xc2: {  	(tm) =	ssettm $0x7FFFFFFF  }
0xc3: {  	_ =	shalt  }
tec
execute0_lowered:
.L_overlay_start_1:
0x0: {  	(tag) =	ssettag $0x1  }
0x1: {  	s2 =	rddreg [dreg:$0x0];
	s1 =	srdreg.scid  }
0x2: {  	s0 =	stileid.u32;
	s4 =	rddreg [dreg:$0x1];
	s12 =	simm.s32 $0x2800  }
0x3: {  	s13 =	simm.s32 $0x80;
	s14 =	simm.s32 $0x400;
	s15 =	simm.s32 $0x2C00  }
0x4: {  	s16 =	simm.s32 $0x0;
	s8 =	sand.u32 $0x1, s1;
	s3 =	sshll.u32 s0, $0x1  }
0x5: {  	s1 =	rddreg [dreg:$0x2];
	s6 =	sshrl.u32 s0, $0x2;
	s31 =	sshll.u32 s0, $0xB  }
0x6: {  	s5 =	sor.u32 s8, s3;
	s3 =	simm.s32 $0x0;
	s9 =	sshll.u32 s6, $0xD  }
0x7: {  	s6 =	sshll.u32 s6, $0xA;
	s30 =	ssub.s32 $0x2, s8;
	s8 =	sshll.u32 s8, $0xA  }
0x8: {  	s7 =	sshll.u32 s5, $0x7;
	[smem:$0x7FF] =	sst s3;
	s10 =	sshrl.u32 s30, $0x1  }
0x9: {  	s11 =	sshll.u32 s5, $0xA;
	s8 =	sor.u32 s8, s31;
	s7 =	sand.u32 $0x380, s7  }
0xa: {  	_ =	strace $0x80000047;
	v0 =	vmov s11;
	s11 =	simm.s32 $0x2400;
	s9 =	sor.u32 s9, s7  }
0xb: {  	s6 =	sor.u32 s6, s7;
	s7 =	ssub.s32 s30, s10;
	s9 =	sshrl.u32 s9, $0x3  }
0xc: {  	s10 =	simm.s32 $0x2000;
	s6 =	sshrl.u32 s6, $0x3;
	s9 =	sadd.s32 s9, s4  }
0xd: {  	s7 =	smax.u32 s7, $0x1;
	s6 =	sadd.s32 s6, s4;
	s4 =	sadd.s32 $0x2400, s9  }
0xe: {  	v1 =	vimm.s32 $0xFFFFFFFF;
	v2 =	vlaneseq.u32;
	v3 =	vimm.s32 $0x0;
	s5 =	sadd.s32 $0x1400, s9;
	s6 =	sadd.s32 $0x1200, s6;
	s9 =	simm.s32 $0x1  }
.LBB2_1:
0xf: {  	[tilespmem:s3], [sflag:$0x1] =	stream.linear.gather [hbm4b:s2+s3], $0x2000, $0x38;
	[tilespmem:$0x2C80] =	vst v63  }
0x10: {  	_ =	swait.ge [sflag:s9], $0x2000  }
0x11: {  	[sflag:s9] =	ssyncset.done $0x0  }
0x12: {  	s17 =	simm.s32 $0x40;
	s18 =	simm.s32 $0x0;
	[sflag:s9] =	ssyncadd.s32 $0xFFFFE000  }
.LBB2_2:
0x13: {  	p0 =	sne.s32 s17, $0xFC0;
	[tilespmem:s18+$0x2000] =	vst v1;
	s18 =	smov.u32 s17;
	s17 =	sadd.s32 $0x40, s17  }
.Ltmp0:
0x14: {  	(pc) =	sbr.rel @p0 .LBB2_2-.Ltmp0, $2  }
0x15: {  	_ =	sdelay $0x2  }
0x16: {  	s18 =	sshra.s32 s18, $0x2  }
0x17: {  	[tilespmem:s18+$0x2000] =	vst v1;
	s17 =	simm.s32 $0x0  }
0x18: {  	s19 =	simm.s32 $0x10;
	s18 =	simm.s32 $0x0;
	s20 =	simm.s32 $0x0;
	v4 =	vld [tilespmem:s17+$0x0]  }
.LBB2_4:
0x19: {  	p0 =	sne.s32 s19, $0x1FF0;
	_ =	sdelay $0x3  }
0x1a: {  	v5 =	vsub.s32 v4, v0  }
0x1b: {  	vm0 =	vlt.u32 v5, $0x400  }
0x1c: {  	v4 =	vand.u32 $0x3FF, v4;
	_ =	sdelay $0x1  }
.Ltmp1:
0x1d: {  	(pc) =	sbr.rel @p0 .LBB2_4-.Ltmp1, $4  }
0x1e: {  	_ = 	snop  }
0x1f: {  	v5 =	vor.u32 s18, v2;
	s18 =	smov.u32 s19  }
0x20: {  	s20 =	sadd.s32 $0x10, s20;
	[tilespmem:v4+s10+$0x0] =	vst.idx.msk vm0, v5  }
0x21: {  	s19 =	sadd.s32 $0x10, s19;
	v4 =	vld [tilespmem:s20+$0x0]  }
0x22: {  	_ =	sdelay $0x3  }
0x23: {  	v5 =	vsub.s32 v4, v0  }
0x24: {  	vm0 =	vlt.u32 v5, $0x400  }
0x25: {  	v4 =	vand.u32 $0x3FF, v4;
	_ =	sdelay $0x3  }
0x26: {  	v5 =	vor.u32 s18, v2  }
0x27: {  	s31 =	simm.s32 $0x0;
	[tilespmem:v4+s10+$0x0] =	vst.idx.msk vm0, v5  }
0x28: {  	v4 =	vld [tilespmem:s31+$0x2000];
	_ =	sdelay $0x4  }
0x29: {  	vm15 =	vgt.s32 v4, $0xFFFFFFFF  }
0x2a: {  	v5 =	vsel vm15, $0x1, v3  }
0x2b: {  	(xrf0) =	vadd.scan.msk.s32 $0xffff, v5;
	_ =	sdelay $0x2  }
0x2c: {  	v5 =	vmov s17  }
0x2d: {  	v5 =	vadd.s32 $0xFFFFFFFF, v5  }
0x2e: {  	v5 =	vbroadcast v5, $0x0  }
0x2f: {  	v6, _, _ =	vpop (xrf0)  }
0x30: {  	v5 =	vadd.s32 v6, v5;
	(v2sf) =	vpush v6, $0xF  }
0x31: {  	vm1 =	vgt.s32 v5, $0x0  }
0x32: {  	v5 =	vnsel vm1, $0x0, v5;
	_ =	sdelay $0x3  }
0x33: {  	v7 =	vor.u32 s8, v2  }
0x34: {  	[tilespmem:v5+s11+$0x0] =	vst.idx.msk vm15, v7  }
0x35: {  	s20 =	simm.s32 $0x10;
	s19 =	simm.s32 $0x80;
	s18 =	smov.u32 s8;
	[tilespmem:v5+s12+$0x0] =	vst.idx.msk vm15, v4  }
.LBB2_6:
0x36: {  	p0 =	sne.s32 s19, $0xFC0;
	v4 =	vld [tilespmem:s20+$0x2000];
	_ =	sdelay $0x4  }
0x37: {  	vm0 =	vgt.s32 v4, $0xFFFFFFFF  }
0x38: {  	v5 =	vsel vm0, $0x1, v3;
	s20 =	spop (v2sf)  }
0x39: {  	(xrf0) =	vadd.scan.msk.s32 $0xffff, v5;
	s17 =	sadd.s32 s17, s20  }
0x3a: {  	v5 =	vmov s17  }
0x3b: {  	v5 =	vadd.s32 $0xFFFFFFFF, v5  }
0x3c: {  	v5 =	vbroadcast v5, $0x0;
	_ =	sdelay $0x2  }
0x3d: {  	v6, _, _ =	vpop (xrf0)  }
0x3e: {  	v5 =	vadd.s32 v6, v5;
	(v2sf) =	vpush v6, $0xF  }
0x3f: {  	vm1 =	vgt.s32 v5, $0x0  }
0x40: {  	v5 =	vnsel vm1, $0x0, v5;
	_ =	sdelay $0x1  }
.Ltmp2:
0x41: {  	(pc) =	sbr.rel @p0 .LBB2_6-.Ltmp2, $4  }
0x42: {  	s18 =	sadd.s32 $0x10, s18  }
0x43: {  	v6 =	vor.u32 s18, v2  }
0x44: {  	[tilespmem:v5+s11+$0x0] =	vst.idx.msk vm0, v6  }
0x45: {  	s20 =	sshra.s32 s19, $0x2;
	s19 =	sadd.s32 $0x40, s19;
	[tilespmem:v5+s12+$0x0] =	vst.idx.msk vm0, v4  }
0x46: {  	v4 =	vld [tilespmem:s20+$0x2000];
	_ =	sdelay $0x4  }
0x47: {  	vm0 =	vgt.s32 v4, $0xFFFFFFFF  }
0x48: {  	v5 =	vsel vm0, $0x1, v3  }
0x49: {  	(xrf0) =	vadd.scan.msk.s32 $0xffff, v5;
	_ =	sdelay $0x5  }
0x4a: {  	v5, _, _ =	vpop (xrf0)  }
0x4b: {  	(v2sf) =	vpush v5, $0xF;
	_ =	sdelay $0x2  }
0x4c: {  	s19 =	spop (v2sf)  }
0x4d: {  	s17 =	sadd.s32 s17, s19  }
0x4e: {  	v6 =	vmov s17  }
0x4f: {  	v6 =	vadd.s32 $0xFFFFFFFF, v6  }
0x50: {  	v6 =	vbroadcast v6, $0x0;
	_ =	sdelay $0x1  }
0x51: {  	v5 =	vadd.s32 v5, v6  }
0x52: {  	vm1 =	vgt.s32 v5, $0x0  }
0x53: {  	v5 =	vnsel vm1, $0x0, v5;
	_ =	sdelay $0x2  }
0x54: {  	s18 =	sadd.s32 $0x10, s18  }
0x55: {  	v63 =	vor.u32 s18, v2;
	s31 =	spop (v2sf)  }
0x56: {  	[tilespmem:v5+s11+$0x0] =	vst.idx.msk vm0, v63;
	s17 =	sadd.s32 s17, s31  }
0x57: {  	[tilespmem:v5+s12+$0x0] =	vst.idx.msk vm0, v4;
	v4 =	vmov s17  }
0x58: {  	[tilespmem:$0x2C00] =	vst v4  }
0x59: {  	[hbm4b:s4+s13] =	stream.strided.scatter [tilespmem:s11], [sflag:$0x1], $0x400, s14, s13, $0x38;
	[tilespmem:$0x2C80] =	vst v63  }
0x5a: {  	_ =	swait.ge [sflag:s9], $0x400  }
0x5b: {  	[sflag:s9] =	ssyncset.done $0x0  }
0x5c: {  	[sflag:s9] =	ssyncadd.s32 $0xFFFFFC00  }
0x5d: {  	[hbm4b:s5+s13] =	stream.strided.scatter [tilespmem:s12], [sflag:$0x1], $0x400, s14, s13, $0x38;
	[tilespmem:$0x2C80] =	vst v63  }
0x5e: {  	s16 =	sadd.s32 $0x1, s16;
	_ =	swait.ge [sflag:s9], $0x400  }
0x5f: {  	p0 =	sne.s32 s16, s7;
	[sflag:s9] =	ssyncset.done $0x0  }
.Ltmp3:
0x60: {  	[sflag:s9] =	ssyncadd.s32 $0xFFFFFC00;
	(pc) =	sbr.rel @p0 .LBB2_1-.Ltmp3, $4  }
0x61: {  	[hbm4b:s6+s3] =	stream.linear.scatter [tilespmem:s15], [sflag:$0x1], $0x80, $0x38;
	[tilespmem:$0x2C80] =	vst v63  }
0x62: {  	_ =	swait.ge [sflag:s9], $0x80  }
0x63: {  	[sflag:s9] =	ssyncset.done $0x0  }
0x64: {  	[sflag:s9] =	ssyncadd.s32 $0xFFFFFF80  }
0x65: {  	_ =	sfence.sel $0x180000  }
0x66: {  	[bflag:$0x0] =	sbarrier.arrive $0xFFFF  }
0x67: {  	p0 =	sne.s32 s0, $0x0;
	_ =	strace $0x90000047  }
0x68: {  	s0 =	sadd.s32 @!p0 $0x100000, s1;
	[bflag:$0x2] =	sbarrier.arrive $0xFFFF  }
0x69: {  	[sflag:s0] =	ssyncadd.tile.s32 @!p0 $0x1;
	_ =	shalt  }
.Lfunc_end2:
_tile_overlayer_lowered:
.L_overlay_start_2:
0x6a: {  	(tag) =	ssettag $0x2  }
0x6b: {  	s0 =	rddreg [dreg:$0x0];
	s2 =	stileid.u32  }
0x6c: {  	s1 =	rddreg [dreg:$0x1];
	p0 =	sne.s32 s2, $0x0  }
0x6d: {  	s3 =	rddreg [dreg:$0x2];
	[bflag:$0x3] =	sbarrier.arrive $0xFFFF;
	s2 =	simm.s32 @!p0 $0x1C01  }
0x6e: {  	[timem:s3], [sflag:s2] =	dma.local @!p0 [hbm:s0], s1  }
0x6f: {  	s0 =	simm.s32 @!p0 $0x1  }
0x70: {  	_ =	swait.ge @!p0 [sflag:s0], s1  }
0x71: {  	s1 =	ssub.s32 @!p0 $0x0, s1;
	[sflag:s0] =	ssyncset.done @!p0 $0x0  }
0x72: {  	[sflag:s0] =	ssyncadd.s32 @!p0 s1  }
0x73: {  	[bflag:$0x3] =	sbarrier.arrive $0xFFFF  }
0x74: {  	_ =	shalt  }

// kernel: kernel.8.cloned.1.call-start
scs
__scs_entry_jumppad:
0x0: {  	(pc) =	sbr.rel $0x88, $3  }
0x1: {  	(tag) =	ssettag $0x0;
	lr =	simm.s32 $0x1  }
0x2: {  	[smem:$0x3F9E] =	sst lr;
	_ =	strace $0xD0000000  }
0x3: {  	_ = 	snop  }
0x4: {  	_ = 	snop  }
0x5: {  	_ = 	snop  }
0x6: {  	_ = 	snop  }
0x7: {  	_ = 	snop  }
__scs_overlays_trampoline_lowered:
0x8: {  	[smem:$0x3FAD] =	sst s0  }
0x9: {  	[smem:$0x3FAE] =	sst s1  }
0xa: {  	[smem:$0x3FAF] =	sst s2  }
0xb: {  	[smem:$0x3FB0] =	sst s3  }
0xc: {  	[smem:$0x3FB1] =	sst s4  }
0xd: {  	[smem:$0x3FB2] =	sst s5  }
0xe: {  	[smem:$0x3FB3] =	sst s6  }
0xf: {  	[smem:$0x3FB4] =	sst s7  }
0x10: {  	[smem:$0x3FB5] =	sst s8  }
0x11: {  	[smem:$0x3FB6] =	sst s9;
	s0 =	simm.s32 @!p0 $0x0  }
0x12: {  	s1 =	sld [smem:$0x3F9C];
	s0 =	simm.s32 @p0 $0x1  }
0x13: {  	[smem:$0x3FB7] =	sst s0;
	s0 =	simm.s32 @!p1 $0x0  }
0x14: {  	s2 =	sld [smem:$0x3F9B];
	s0 =	simm.s32 @p1 $0x1  }
0x15: {  	[smem:$0x3FB8] =	sst s0;
	s0 =	simm.s32 @!p2 $0x0  }
0x16: {  	s3 =	sld [smem:$0x3FDB];
	s0 =	simm.s32 @p2 $0x1  }
0x17: {  	s4 =	simm.s32 $0x1BF5;
	[smem:$0x3FBA] =	sst s0  }
0x18: {  	s0 =	sld [smem:$0x3F9D];
	_ =	swait.ge [sflag:s4], $0x0  }
0x19: {  	s7 =	sld [smem:$0x3F9E]  }
0x1a: {  	s8 =	sadd.s32 $0xFFFFE003, lr  }
0x1b: {  	s9 =	sadd.s32 $0xFFFFFEF7, lr;
	s5 =	simm.s32 $0xFFFFFFFF;
	p2 =	slt.u32 s8, $0xFFFFF086  }
0x1c: {  	p1 =	slt.u32 s9, $0xF7A;
	s5 =	simm.s32 @!p2 $0x0  }
0x1d: {  	s5 =	simm.s32 @p1 $0x1;
	p0 =	seq.s32 s7, s2  }
0x1e: {  	s7 =	smul.u32 @!p0 $0xF7A, s2;
	p2 =	seq.s32 @!p0 s5, $0x0  }
0x1f: {  	s9 =	smul.u32 $0xF7A, s1;
	s8 =	simm.s32 @!p0 $0x1BF5;
	p2 =	por !p2, p0  }
0x20: {  	[sflag:s8] =	ssyncset.s32 @!p0 $0xFFFFF086;
	s6 =	sadd.s32 @!p0 s3, s7;
	s7 =	simm.s32 @!p0 $0x108  }
0x21: {  	s3 =	sadd.s32 s3, s9;
	s6 =	sadd.s32 @!p0 $0x88, s6;
	s7 =	simm.s32 @p2 $0x1082  }
0x22: {  	[simem:s7], [sflag:s8] =	dma.local @!p0 [hbm:s6], $0xF7A  }
0x23: {  	s9 =	sor.u32 $0xD0000000, s2;
	s6 =	simm.s32 $0x108;
	_ =	swait.ge @!p0 [sflag:s8], $0x0  }
0x24: {  	s3 =	sadd.s32 $0x88, s3;
	s6 =	simm.s32 @!p1 $0x1082;
	[sflag:s4] =	ssyncset.s32 $0xFFFFF086  }
0x25: {  	[simem:s6], [sflag:s4] =	dma.local [hbm:s3], $0xF7A  }
0x26: {  	[smem:$0x3F9E] =	sst s1;
	(tag) =	ssettag s2;
	_ =	strace s9  }
0x27: {  	s1 =	sld [smem:$0x3FAE]  }
0x28: {  	s2 =	sld [smem:$0x3FAF]  }
0x29: {  	s4 =	sld [smem:$0x3FB1]  }
0x2a: {  	p0 =	seq.s32 s5, $0x0;
	s5 =	sld [smem:$0x3FB2]  }
0x2b: {  	s6 =	sld [smem:$0x3FB3]  }
0x2c: {  	s7 =	sld [smem:$0x3FB4]  }
0x2d: {  	s3 =	simm.s32 $0x108;
	s8 =	sld [smem:$0x3FB5]  }
0x2e: {  	s3 =	simm.s32 @!p0 $0x1082;
	s9 =	sld [smem:$0x3FB6]  }
0x2f: {  	lr =	sadd.s32 s0, s3;
	s0 =	sld [smem:$0x3FAD]  }
0x30: {  	s3 =	sld [smem:$0x3FB0]  }
0x31: {  	[smem:$0x3FB9] =	sst s10  }
0x32: {  	s10 =	sld [smem:$0x3FB7];
	_ =	sdelay $0x3  }
0x33: {  	p0 =	seq.s32 s10, $0x1;
	s10 =	sld [smem:$0x3FB9];
	_ =	sdelay $0x3  }
0x34: {  	[smem:$0x3FB9] =	sst s10  }
0x35: {  	s10 =	sld [smem:$0x3FB8];
	_ =	sdelay $0x3  }
0x36: {  	p1 =	seq.s32 s10, $0x1;
	s10 =	sld [smem:$0x3FB9];
	_ =	sdelay $0x3  }
0x37: {  	[smem:$0x3FB9] =	sst s10  }
0x38: {  	s10 =	sld [smem:$0x3FBA]  }
0x39: {  	_ = 	snop;
	(pc) =	sbr.ind lr, $3  }
0x3a: {  	_ = 	snop  }
0x3b: {  	_ = 	snop  }
0x3c: {  	p2 =	seq.s32 s10, $0x1;
	s10 =	sld [smem:$0x3FB9]  }
0x3d: {  	_ =	shalt  }
0x3e: {  	_ =	shalt  }
0x3f: {  	_ =	shalt  }
0x40: {  	_ =	shalt  }
0x41: {  	_ =	shalt  }
0x42: {  	_ =	shalt  }
0x43: {  	_ =	shalt  }
0x44: {  	_ =	shalt  }
0x45: {  	_ =	shalt  }
0x46: {  	_ =	shalt  }
0x47: {  	_ =	shalt  }
0x48: {  	_ =	shalt  }
0x49: {  	_ =	shalt  }
0x4a: {  	_ =	shalt  }
0x4b: {  	_ =	shalt  }
0x4c: {  	_ =	shalt  }
0x4d: {  	_ =	shalt  }
0x4e: {  	_ =	shalt  }
0x4f: {  	_ =	shalt  }
0x50: {  	_ =	shalt  }
0x51: {  	_ =	shalt  }
0x52: {  	_ =	shalt  }
0x53: {  	_ =	shalt  }
0x54: {  	_ =	shalt  }
0x55: {  	_ =	shalt  }
0x56: {  	_ =	shalt  }
0x57: {  	_ =	shalt  }
0x58: {  	_ =	shalt  }
0x59: {  	_ =	shalt  }
0x5a: {  	_ =	shalt  }
0x5b: {  	_ =	shalt  }
0x5c: {  	_ =	shalt  }
0x5d: {  	_ =	shalt  }
0x5e: {  	_ =	shalt  }
0x5f: {  	_ =	shalt  }
0x60: {  	_ =	shalt  }
0x61: {  	_ =	shalt  }
0x62: {  	_ =	shalt  }
0x63: {  	_ =	shalt  }
0x64: {  	_ =	shalt  }
0x65: {  	_ =	shalt  }
0x66: {  	_ =	shalt  }
0x67: {  	_ =	shalt  }
0x68: {  	_ =	shalt  }
0x69: {  	_ =	shalt  }
0x6a: {  	_ =	shalt  }
0x6b: {  	_ =	shalt  }
0x6c: {  	_ =	shalt  }
0x6d: {  	_ =	shalt  }
0x6e: {  	_ =	shalt  }
0x6f: {  	_ =	shalt  }
0x70: {  	_ =	shalt  }
0x71: {  	_ =	shalt  }
0x72: {  	_ =	shalt  }
0x73: {  	_ =	shalt  }
0x74: {  	_ =	shalt  }
0x75: {  	_ =	shalt  }
0x76: {  	_ =	shalt  }
0x77: {  	_ =	shalt  }
0x78: {  	_ =	shalt  }
0x79: {  	_ =	shalt  }
0x7a: {  	_ =	shalt  }
0x7b: {  	_ =	shalt  }
0x7c: {  	_ =	shalt  }
0x7d: {  	_ =	shalt  }
0x7e: {  	_ =	shalt  }
0x7f: {  	_ =	shalt  }
0x80: {  	_ =	shalt  }
0x81: {  	_ =	shalt  }
0x82: {  	_ =	shalt  }
0x83: {  	_ =	shalt  }
0x84: {  	_ =	shalt  }
0x85: {  	_ =	shalt  }
0x86: {  	_ =	shalt  }
0x87: {  	_ =	shalt  }
.Lfunc_end0:
.L_simem_size_0:
called_computation.1_lowered:
.L_overlay_start_0:
0x88: {  	s2 =	sld [smem:$0x3FD9]  }
0x89: {  	s3 =	sld [smem:$0x3FFE];
	_ =	sdelay $0x1  }
0x8a: {  	s1 =	srdreg.scid  }
0x8b: {  	s0 =	sand.u32 $0x1, s1  }
0x8c: {  	s17 =	sshll.u32 s0, $0xA;
	s2 =	sadd.s32 s3, s2  }
0x8d: {  	s2 =	sadd.s32 s2, s17  }
0x8e: {  	[smem:$0x3FC5] =	sst s2  }
0x8f: {  	_ = 	snop  }
0x90: {  	s2 =	sld [smem:$0x3FD0];
	(tm) =	ssettm $0x1  }
0x91: {  	s18 =	sld [smem:$0x3FFB];
	_ =	sdelay $0x3  }
0x92: {  	_ =	strace s18  }
0x93: {  	s3 =	sld [smem:$0x3FFC];
	_ =	sdelay $0x3  }
0x94: {  	_ =	strace s3  }
0x95: {  	s3 =	sld [smem:$0x3FFD];
	_ =	sdelay $0x3  }
0x96: {  	_ =	strace s3  }
0x97: {  	_ =	strace $0x8FFFFFFF  }
0x98: {  	s19 =	sld [smem:$0x3FDB];
	_ =	sdelay $0x1  }
0x99: {  	s4 =	simm.s32 $_scs_section_size  }
0x9a: {  	s5 =	simm.s32 $_size__tile_overlayer_lowered;
	s6 =	simm.s32 $_tile_overlayer_lowered  }
0x9b: {  	s22 =	simm.s32 $0x1BFF;
	s21 =	sshll.u32 s6, $0x1;
	s3 =	sadd.s32 s4, s19  }
0x9c: {  	s7 =	simm.s32 $0x0;
	s20 =	sshll.u32 s5, $0x1;
	s5 =	sadd.s32 s21, s3  }
0x9d: {  	[timem:s7], [sflag:s22] =	dma.local [hbm:s5], s20  }
0x9e: {  	_ =	swait.ge [sflag:s22], s20  }
0x9f: {  	s4 =	ssub.s32 $0x0, s20;
	[sflag:s22] =	ssyncset.done $0x0  }
0xa0: {  	[sflag:s22] =	ssyncadd.s32 s4;
	_ =	sdelay $0x1  }
0xa1: {  	s23 =	simm.s32 $0x1B8B  }
0xa2: {  	_ =	swait.ge [sflag:s23], $0x1  }
0xa3: {  	[sflag:s23] =	ssyncset.done $0x0  }
0xa4: {  	s25 =	simm.s32 $0x1B8E;
	s24 =	sld [smem:$0x3FFE];
	[sflag:s23] =	ssyncadd.s32 $0xFFFFFFFF  }
0xa5: {  	s26 =	simm.s32 $execute0_lowered;
	[smem:$0x3FD2] =	sst s25  }
0xa6: {  	s5 =	sshll.u32 s26, $0x1;
	_ =	strace $0x80000049;
	[dreg:$0x1] =	wrdreg $0xFFFFFFFF  }
0xa7: {  	s28 =	simm.s32 $_size_execute0_lowered;
	s3 =	sadd.s32 s3, s5;
	[dreg:$0x0] =	wrdreg $0x0  }
0xa8: {  	s5 =	sshll.u32 s28, $0x1;
	[dreg:$0x2] =	wrdreg s3  }
0xa9: {  	[dreg:$0x3] =	wrdreg s5  }
0xaa: {  	[dreg:$0x4] =	wrdreg $0xC0  }
0xab: {  	_ =	task [dreg:s7], $0x5FFFF  }
0xac: {  	[dreg:$0x1] =	wrdreg $0xFFFFFFFF  }
0xad: {  	[dreg:$0x0] =	wrdreg $0x60  }
0xae: {  	[dreg:$0x2] =	wrdreg s24  }
0xaf: {  	[dreg:$0x3] =	wrdreg s2  }
0xb0: {  	[dreg:$0x4] =	wrdreg $0x9  }
0xb1: {  	_ =	task.clear_ibuf [dreg:s7], $0x5FFFF;
	_ =	strace $0x90000049  }
0xb2: {  	s29 =	simm.s32 $0x9;
	_ =	strace $0x8000004B  }
0xb3: {  	_ =	swait.ge [sflag:s29], $0x1  }
0xb4: {  	[sflag:s29] =	ssyncadd.s32 $0xFFFFFFFF  }
0xb5: {  	_ =	strace $0x9000004B  }
0xb6: {  	_ =	sfence  }
0xb7: {  	s30 =	sld [smem:$0x0];
	_ =	sdelay $0x2  }
0xb8: {  	s31 =	sshll.u32 s1, $0xD;
	s1 =	sshrl.u32 s1, $0x2  }
0xb9: {  	s3 =	sand.u32 $0x4000, s31;
	s1 =	sadd.s32 s1, s30  }
0xba: {  	s0 =	sor.u32 s3, s0;
	s1 =	sshll.u32 s1, $0x11  }
0xbb: {  	s0 =	sor.u32 s1, s0  }
0xbc: {  	s0 =	sadd.s32 $0x8F2B, s0  }
0xbd: {  	[sflag:s0] =	ssyncadd.remote.s32 $0x1  }
0xbe: {  	_ =	sfence.sel $0xFFFF  }
0xbf: {  	[dreg:$0x0] =	wrdreg $0xFFFFFFFF;
	(pc) =	sbr.abs _section_cstart, $3  }
0xc0: {  	[dreg:$0x1] =	wrdreg $0xFFFFFFFF  }
0xc1: {  	_ =	task.clear_ibuf [dreg:s7], $0x2FFFF;
	_ =	strace $0x9FFFFFFF  }
0xc2: {  	(tm) =	ssettm $0x7FFFFFFF  }
0xc3: {  	_ =	shalt  }
tec
execute0_lowered:
.L_overlay_start_1:
0x0: {  	(tag) =	ssettag $0x1  }
0x1: {  	s5 =	rddreg [dreg:$0x0]  }
0x2: {  	s1 =	rddreg [dreg:$0x1]  }
0x3: {  	s0 =	rddreg [dreg:$0x2]  }
0x4: {  	s3 =	simm.s32 $0x0;
	s6 =	srdreg.scid;
	s2 =	stileid.u32  }
0x5: {  	s10 =	simm.s32 $0x400;
	s11 =	simm.s32 $0x5;
	s12 =	simm.s32 $0x800  }
0x6: {  	s13 =	simm.s32 $0x880;
	s14 =	simm.s32 $0xA80;
	s15 =	simm.s32 $0x1  }
0x7: {  	s16 =	simm.s32 $0x980;
	s17 =	simm.s32 $0x900;
	s18 =	simm.s32 $0x8A80  }
0x8: {  	s19 =	simm.s32 $0x2;
	s20 =	simm.s32 $0xA00;
	s21 =	simm.s32 $0x4  }
0x9: {  	s22 =	simm.s32 $0x3;
	[smem:$0x7FF] =	sst s3;
	s4 =	sadd.s32 $0x3400, s5  }
0xa: {  	s6 =	sand.u32 $0x1, s6;
	s7 =	sshll.u32 s2, $0x8;
	s8 =	sshrl.u32 s2, $0x2  }
0xb: {  	_ =	strace $0x8000004A;
	s9 =	sshll.u32 s6, $0x7;
	s7 =	sand.u32 $0x300, s7  }
0xc: {  	v0 =	vlaneseq.u32;
	s29 =	sshll.u32 s8, $0xD;
	s8 =	sshll.u32 s8, $0xA;
	s7 =	sor.u32 s9, s7  }
.Ltmp0:
0xd: {  	v1 =	vor.u32 $0x10, v0;
	v2 =	vor.u32 $0x20, v0;
	v3 =	vor.u32 $0x30, v0;
	s6 =	ssub.s32 $0x2, s6;
	s9 =	sor.u32 s29, s7;
	(pc) =	sbr.rel .LBB2_1-.Ltmp0, $4  }
0xe: {  	v4 =	vor.u32 $0x40, v0;
	v5 =	vor.u32 $0x50, v0;
	v6 =	vor.u32 $0x60, v0;
	s31 =	sshrl.u32 s6, $0x1;
	s7 =	sor.u32 s8, s7;
	s30 =	sshrl.u32 s9, $0x3  }
0xf: {  	v7 =	vor.u32 $0x70, v0;
	v8 =	vor.u32 $0x80, v0;
	v9 =	vor.u32 $0x90, v0;
	s7 =	sshrl.u32 s7, $0x3;
	s9 =	ssub.s32 s6, s31;
	s8 =	sadd.s32 s30, s5  }
0x10: {  	v10 =	vor.u32 $0xA0, v0;
	v11 =	vor.u32 $0xB0, v0;
	v12 =	vor.u32 $0xC0, v0;
	s7 =	sadd.s32 s7, s5;
	s5 =	sadd.s32 $0x2400, s8;
	s6 =	sadd.s32 $0x1400, s8  }
0x11: {  	v13 =	vor.u32 $0xD0, v0;
	v14 =	vor.u32 $0xE0, v0;
	v15 =	vor.u32 $0xF0, v0;
	s7 =	sadd.s32 $0x1200, s7;
	s8 =	smax.u32 s9, $0x1;
	s9 =	simm.s32 $0x80  }
.LBB2_5:
0x12: {  	_ =	swait.ge [sflag:s22], $0x8000  }
0x13: {  	[sflag:s22] =	ssyncset.done $0x0  }
0x14: {  	s24 =	simm.s32 $0x4;
	[sflag:s22] =	ssyncadd.s32 $0xFFFF8000  }
.LBB2_6:
0x15: {  	_ =	swait.ge [sflag:s24], $0x8000  }
0x16: {  	[sflag:s24] =	ssyncset.done $0x0  }
0x17: {  	[sflag:s24] =	ssyncadd.s32 $0xFFFF8000  }
.LBB2_7:
0x18: {  	s8 =	sadd.s32 $0xFFFFFFFF, s8  }
0x19: {  	p0 =	sne.s32 s8, $0x0  }
.Ltmp1:
0x1a: {  	_ = 	snop;
	(pc) =	sbr.rel @!p0 .LBB2_8-.Ltmp1, $1  }
0x1b: {  	_ =	sdelay $0x3  }
.LBB2_1:
0x1c: {  	[tilespmem:s3], [sflag:$0x5] =	stream.strided.gather [hbm4b:s5+s9], $0x400, s10, s9, $0x38;
	[tilespmem:$0x10A80] =	vst v63  }
0x1d: {  	_ =	swait.ge [sflag:s11], $0x400  }
0x1e: {  	[sflag:s11] =	ssyncset.done $0x0  }
0x1f: {  	[sflag:s11] =	ssyncadd.s32 $0xFFFFFC00  }
0x20: {  	[tilespmem:s10], [sflag:$0x5] =	stream.strided.gather [hbm4b:s6+s9], $0x400, s10, s9, $0x38;
	[tilespmem:$0x10A80] =	vst v63  }
0x21: {  	_ =	swait.ge [sflag:s11], $0x400  }
0x22: {  	[sflag:s11] =	ssyncset.done $0x0  }
0x23: {  	[sflag:s11] =	ssyncadd.s32 $0xFFFFFC00  }
0x24: {  	[tilespmem:s12], [sflag:$0x5] =	stream.linear.gather [hbm4b:s7+s3], $0x80, $0x38;
	[tilespmem:$0x10A80] =	vst v63  }
0x25: {  	_ =	swait.ge [sflag:s11], $0x80  }
0x26: {  	[sflag:s11] =	ssyncset.done $0x0  }
0x27: {  	[sflag:s11] =	ssyncadd.s32 $0xFFFFFF80  }
0x28: {  	v16 =	vld [tilespmem:$0x800];
	_ =	sdelay $0x4  }
0x29: {  	v16 =	vxor.u32 $0x80000000, v16  }
0x2a: {  	(xrf0) =	vmax.scan.msk.u32 $0xffff, v16;
	_ =	sdelay $0x5  }
0x2b: {  	v16, _, _ =	vpop (xrf0)  }
0x2c: {  	(v2sf) =	vpush v16, $0xF;
	_ =	sdelay $0xe  }
0x2d: {  	s24 =	spop (v2sf)  }
0x2e: {  	s23 =	sxor.u32 $0x80000000, s24  }
0x2f: {  	p0 =	slt.s32 s23, $0x1  }
.Ltmp2:
0x30: {  	_ = 	snop;
	(pc) =	sbr.rel @p0 .LBB2_7-.Ltmp2, $1  }
0x31: {  	_ =	sdelay $0x3  }
0x32: {  	s24 =	sadd.s32 $0x7FFFFFFF, s24  }
0x33: {  	v16 =	vmov s24  }
0x34: {  	vm0 =	vlt.s32 v16, v0  }
0x35: {  	v17 =	vsel vm0, s24, v0;
	_ =	sdelay $0x4  }
0x36: {  	v18 =	vld.idx.msk [tilespmem:v17+s10+$0x0], $0xffff;
	_ =	sdelay $0x4  }
0x37: {  	[tilespmem:$0x880] =	vst v18  }
0x38: {  	vm9 =	vlt.s32 v16, v1;
	v17 =	vld.idx.msk [tilespmem:v17+s3+$0x0], $0xffff  }
0x39: {  	v18 =	vsel vm9, s24, v1;
	_ =	sdelay $0x3  }
0x3a: {  	[tilespmem:$0x980] =	vst v17  }
0x3b: {  	v17 =	vld.idx.msk [tilespmem:v18+s10+$0x0], $0xffff;
	_ =	sdelay $0x4  }
0x3c: {  	[tilespmem:$0x890] =	vst v17  }
0x3d: {  	vm10 =	vlt.s32 v16, v2;
	v17 =	vld.idx.msk [tilespmem:v18+s3+$0x0], $0xffff  }
0x3e: {  	v18 =	vsel vm10, s24, v2;
	_ =	sdelay $0x3  }
0x3f: {  	[tilespmem:$0x990] =	vst v17  }
0x40: {  	v17 =	vld.idx.msk [tilespmem:v18+s10+$0x0], $0xffff;
	_ =	sdelay $0x4  }
0x41: {  	[tilespmem:$0x8A0] =	vst v17  }
0x42: {  	vm11 =	vlt.s32 v16, v3;
	v17 =	vld.idx.msk [tilespmem:v18+s3+$0x0], $0xffff  }
0x43: {  	v18 =	vsel vm11, s24, v3;
	_ =	sdelay $0x3  }
0x44: {  	[tilespmem:$0x9A0] =	vst v17  }
0x45: {  	v17 =	vld.idx.msk [tilespmem:v18+s10+$0x0], $0xffff;
	_ =	sdelay $0x4  }
0x46: {  	[tilespmem:$0x8B0] =	vst v17  }
0x47: {  	vm12 =	vlt.s32 v16, v4;
	v17 =	vld.idx.msk [tilespmem:v18+s3+$0x0], $0xffff  }
0x48: {  	v18 =	vsel vm12, s24, v4;
	_ =	sdelay $0x3  }
0x49: {  	[tilespmem:$0x9B0] =	vst v17  }
0x4a: {  	v17 =	vld.idx.msk [tilespmem:v18+s10+$0x0], $0xffff;
	_ =	sdelay $0x4  }
0x4b: {  	[tilespmem:$0x8C0] =	vst v17  }
0x4c: {  	vm13 =	vlt.s32 v16, v5;
	v17 =	vld.idx.msk [tilespmem:v18+s3+$0x0], $0xffff  }
0x4d: {  	v18 =	vsel vm13, s24, v5;
	_ =	sdelay $0x3  }
0x4e: {  	[tilespmem:$0x9C0] =	vst v17  }
0x4f: {  	v17 =	vld.idx.msk [tilespmem:v18+s10+$0x0], $0xffff;
	_ =	sdelay $0x4  }
0x50: {  	[tilespmem:$0x8D0] =	vst v17  }
0x51: {  	vm14 =	vlt.s32 v16, v6;
	v17 =	vld.idx.msk [tilespmem:v18+s3+$0x0], $0xffff  }
0x52: {  	v18 =	vsel vm14, s24, v6;
	_ =	sdelay $0x3  }
0x53: {  	[tilespmem:$0x9D0] =	vst v17  }
0x54: {  	v17 =	vld.idx.msk [tilespmem:v18+s10+$0x0], $0xffff;
	_ =	sdelay $0x4  }
0x55: {  	[tilespmem:$0x8E0] =	vst v17  }
0x56: {  	vm15 =	vlt.s32 v16, v7;
	v17 =	vld.idx.msk [tilespmem:v18+s3+$0x0], $0xffff  }
0x57: {  	v18 =	vsel vm15, s24, v7;
	_ =	sdelay $0x3  }
0x58: {  	[tilespmem:$0x9E0] =	vst v17  }
0x59: {  	v17 =	vld.idx.msk [tilespmem:v18+s10+$0x0], $0xffff;
	_ =	sdelay $0x4  }
0x5a: {  	[tilespmem:$0x8F0] =	vst v17  }
0x5b: {  	v17 =	vld.idx.msk [tilespmem:v18+s3+$0x0], $0xffff;
	_ =	sdelay $0x4  }
0x5c: {  	p0 =	slt.u32 s23, $0x81;
	[tilespmem:$0x9F0] =	vst v17  }
0x5d: {  	[tilespmem:s14], [sflag:$0x1] =	stream.indirect.gather [hbm4b:s4+s9], $0x100, s13, s9, $0xb8;
	[tilespmem:$0x10A80] =	vst v63  }
.Ltmp3:
0x5e: {  	_ = 	snop;
	(pc) =	sbr.rel @p0 .LBB2_6-.Ltmp3, $4  }
0x5f: {  	_ =	swait.ge [sflag:s15], $0x8000  }
0x60: {  	[sflag:s15] =	ssyncset.done $0x0  }
0x61: {  	s24 =	simm.s32 $0x3;
	[sflag:s15] =	ssyncadd.s32 $0xFFFF8000  }
0x62: {  	[hbm4b:s1+s9] =	stream.indirect.scatter [tilespmem:s14], [sflag:$0x3], $0x100, s16, s9, $0xb8;
	[tilespmem:$0x10A80] =	vst v63  }
0x63: {  	vm0 =	vlt.s32 v16, v8  }
0x64: {  	v17 =	vsel vm0, v16, v8;
	_ =	sdelay $0x4  }
0x65: {  	v18 =	vld.idx.msk [tilespmem:v17+s10+$0x0], $0xffff;
	_ =	sdelay $0x4  }
0x66: {  	[tilespmem:$0x900] =	vst v18  }
0x67: {  	vm9 =	vlt.s32 v16, v9;
	v17 =	vld.idx.msk [tilespmem:v17+s3+$0x0], $0xffff  }
0x68: {  	v18 =	vsel vm9, v16, v9;
	_ =	sdelay $0x3  }
0x69: {  	[tilespmem:$0xA00] =	vst v17  }
0x6a: {  	v17 =	vld.idx.msk [tilespmem:v18+s10+$0x0], $0xffff;
	_ =	sdelay $0x4  }
0x6b: {  	[tilespmem:$0x910] =	vst v17  }
0x6c: {  	vm10 =	vlt.s32 v16, v10;
	v17 =	vld.idx.msk [tilespmem:v18+s3+$0x0], $0xffff  }
0x6d: {  	v18 =	vsel vm10, v16, v10;
	_ =	sdelay $0x3  }
0x6e: {  	[tilespmem:$0xA10] =	vst v17  }
0x6f: {  	v17 =	vld.idx.msk [tilespmem:v18+s10+$0x0], $0xffff;
	_ =	sdelay $0x4  }
0x70: {  	[tilespmem:$0x920] =	vst v17  }
0x71: {  	vm11 =	vlt.s32 v16, v11;
	v17 =	vld.idx.msk [tilespmem:v18+s3+$0x0], $0xffff  }
0x72: {  	v18 =	vsel vm11, v16, v11;
	_ =	sdelay $0x3  }
0x73: {  	[tilespmem:$0xA20] =	vst v17  }
0x74: {  	v17 =	vld.idx.msk [tilespmem:v18+s10+$0x0], $0xffff;
	_ =	sdelay $0x4  }
0x75: {  	[tilespmem:$0x930] =	vst v17  }
0x76: {  	vm12 =	vlt.s32 v16, v12;
	v17 =	vld.idx.msk [tilespmem:v18+s3+$0x0], $0xffff  }
0x77: {  	v18 =	vsel vm12, v16, v12;
	_ =	sdelay $0x3  }
0x78: {  	[tilespmem:$0xA30] =	vst v17  }
0x79: {  	v17 =	vld.idx.msk [tilespmem:v18+s10+$0x0], $0xffff;
	_ =	sdelay $0x4  }
0x7a: {  	[tilespmem:$0x940] =	vst v17  }
0x7b: {  	vm13 =	vlt.s32 v16, v13;
	v17 =	vld.idx.msk [tilespmem:v18+s3+$0x0], $0xffff  }
0x7c: {  	v18 =	vsel vm13, v16, v13;
	_ =	sdelay $0x3  }
0x7d: {  	[tilespmem:$0xA40] =	vst v17  }
0x7e: {  	v17 =	vld.idx.msk [tilespmem:v18+s10+$0x0], $0xffff;
	_ =	sdelay $0x4  }
0x7f: {  	[tilespmem:$0x950] =	vst v17  }
0x80: {  	vm14 =	vlt.s32 v16, v14;
	v17 =	vld.idx.msk [tilespmem:v18+s3+$0x0], $0xffff  }
0x81: {  	v18 =	vsel vm14, v16, v14;
	_ =	sdelay $0x3  }
0x82: {  	[tilespmem:$0xA50] =	vst v17  }
0x83: {  	v17 =	vld.idx.msk [tilespmem:v18+s10+$0x0], $0xffff;
	_ =	sdelay $0x4  }
0x84: {  	[tilespmem:$0x960] =	vst v17  }
0x85: {  	vm15 =	vlt.s32 v16, v15;
	v17 =	vld.idx.msk [tilespmem:v18+s3+$0x0], $0xffff  }
0x86: {  	v18 =	vsel vm15, v16, v15;
	_ =	sdelay $0x3  }
0x87: {  	[tilespmem:$0xA60] =	vst v17  }
0x88: {  	v17 =	vld.idx.msk [tilespmem:v18+s10+$0x0], $0xffff;
	_ =	sdelay $0x4  }
0x89: {  	[tilespmem:$0x970] =	vst v17  }
0x8a: {  	v17 =	vld.idx.msk [tilespmem:v18+s3+$0x0], $0xffff;
	_ =	sdelay $0x4  }
0x8b: {  	p1 =	slt.u32 s23, $0x101;
	[tilespmem:$0xA70] =	vst v17  }
0x8c: {  	v17 =	vlaneseq.u32 @!p1;
	[tilespmem:s18], [sflag:$0x2] =	stream.indirect.gather [hbm4b:s4+s9], $0x100, s17, s9, $0xb8;
	[tilespmem:$0x10A80] =	vst v63  }
0x8d: {  	v18 =	vor.u32 @!p1 $0x100, v17;
	_ =	swait.ge [sflag:s19], $0x8000  }
0x8e: {  	vm0 =	vlt.s32 @!p1 v16, v18;
	[sflag:s19] =	ssyncset.done $0x0  }
0x8f: {  	s24 =	simm.s32 @!p1 $0x3;
	v18 =	vsel @!p1 vm0, v16, v18;
	[sflag:s19] =	ssyncadd.s32 $0xFFFF8000  }
0x90: {  	[hbm4b:s1+s9] =	stream.indirect.scatter [tilespmem:s18], [sflag:$0x4], $0x100, s20, s9, $0xb8;
	[tilespmem:$0x10A80] =	vst v63  }
0x91: {  	_ =	swait.ge @!p1 [sflag:s24], $0x8000  }
0x92: {  	[sflag:s24] =	ssyncset.done @!p1 $0x0  }
0x93: {  	[sflag:s24] =	ssyncadd.s32 @!p1 $0xFFFF8000;
	s24 =	simm.s32 @!p1 $0x400  }
0x94: {  	v19 =	vld.idx.msk @!p1 [tilespmem:v18+s24+$0x0], $0xffff;
	_ =	sdelay $0x4  }
0x95: {  	s25 =	simm.s32 @!p1 $0x0;
	[tilespmem:$0x880] =	vst @!p1 v19;
	v19 =	vor.u32 @!p1 $0x110, v17  }
0x96: {  	v18 =	vld.idx.msk @!p1 [tilespmem:v18+s25+$0x0], $0xffff;
	vm0 =	vlt.s32 @!p1 v16, v19  }
0x97: {  	v19 =	vsel @!p1 vm0, v16, v19;
	_ =	sdelay $0x3  }
0x98: {  	[tilespmem:$0x980] =	vst @!p1 v18  }
0x99: {  	v18 =	vld.idx.msk @!p1 [tilespmem:v19+s24+$0x0], $0xffff;
	_ =	sdelay $0x4  }
0x9a: {  	[tilespmem:$0x890] =	vst @!p1 v18;
	v18 =	vor.u32 @!p1 $0x120, v17  }
0x9b: {  	v19 =	vld.idx.msk @!p1 [tilespmem:v19+s25+$0x0], $0xffff;
	vm0 =	vlt.s32 @!p1 v16, v18  }
0x9c: {  	v18 =	vsel @!p1 vm0, v16, v18;
	_ =	sdelay $0x3  }
0x9d: {  	[tilespmem:$0x990] =	vst @!p1 v19  }
0x9e: {  	v19 =	vld.idx.msk @!p1 [tilespmem:v18+s24+$0x0], $0xffff;
	_ =	sdelay $0x4  }
0x9f: {  	[tilespmem:$0x8A0] =	vst @!p1 v19;
	v19 =	vor.u32 @!p1 $0x130, v17  }
0xa0: {  	v18 =	vld.idx.msk @!p1 [tilespmem:v18+s25+$0x0], $0xffff;
	vm0 =	vlt.s32 @!p1 v16, v19  }
0xa1: {  	v19 =	vsel @!p1 vm0, v16, v19;
	_ =	sdelay $0x3  }
0xa2: {  	[tilespmem:$0x9A0] =	vst @!p1 v18  }
0xa3: {  	v18 =	vld.idx.msk @!p1 [tilespmem:v19+s24+$0x0], $0xffff;
	_ =	sdelay $0x4  }
0xa4: {  	[tilespmem:$0x8B0] =	vst @!p1 v18;
	v18 =	vor.u32 @!p1 $0x140, v17  }
0xa5: {  	v19 =	vld.idx.msk @!p1 [tilespmem:v19+s25+$0x0], $0xffff;
	vm0 =	vlt.s32 @!p1 v16, v18  }
0xa6: {  	v18 =	vsel @!p1 vm0, v16, v18;
	_ =	sdelay $0x3  }
0xa7: {  	[tilespmem:$0x9B0] =	vst @!p1 v19  }
0xa8: {  	v19 =	vld.idx.msk @!p1 [tilespmem:v18+s24+$0x0], $0xffff;
	_ =	sdelay $0x4  }
0xa9: {  	[tilespmem:$0x8C0] =	vst @!p1 v19;
	v19 =	vor.u32 @!p1 $0x150, v17  }
0xaa: {  	v18 =	vld.idx.msk @!p1 [tilespmem:v18+s25+$0x0], $0xffff;
	vm0 =	vlt.s32 @!p1 v16, v19  }
0xab: {  	v19 =	vsel @!p1 vm0, v16, v19;
	_ =	sdelay $0x3  }
0xac: {  	[tilespmem:$0x9C0] =	vst @!p1 v18  }
0xad: {  	v18 =	vld.idx.msk @!p1 [tilespmem:v19+s24+$0x0], $0xffff;
	_ =	sdelay $0x4  }
0xae: {  	[tilespmem:$0x8D0] =	vst @!p1 v18;
	v18 =	vor.u32 @!p1 $0x160, v17  }
0xaf: {  	v19 =	vld.idx.msk @!p1 [tilespmem:v19+s25+$0x0], $0xffff;
	vm0 =	vlt.s32 @!p1 v16, v18  }
0xb0: {  	v18 =	vsel @!p1 vm0, v16, v18;
	_ =	sdelay $0x3  }
0xb1: {  	[tilespmem:$0x9D0] =	vst @!p1 v19  }
0xb2: {  	v19 =	vld.idx.msk @!p1 [tilespmem:v18+s24+$0x0], $0xffff;
	_ =	sdelay $0x4  }
0xb3: {  	v17 =	vor.u32 @!p1 $0x170, v17;
	[tilespmem:$0x8E0] =	vst @!p1 v19  }
0xb4: {  	vm0 =	vlt.s32 @!p1 v16, v17;
	v18 =	vld.idx.msk @!p1 [tilespmem:v18+s25+$0x0], $0xffff  }
0xb5: {  	v17 =	vsel @!p1 vm0, v16, v17;
	_ =	sdelay $0x3  }
0xb6: {  	[tilespmem:$0x9E0] =	vst @!p1 v18  }
0xb7: {  	v18 =	vld.idx.msk @!p1 [tilespmem:v17+s24+$0x0], $0xffff;
	_ =	sdelay $0x4  }
0xb8: {  	[tilespmem:$0x8F0] =	vst @!p1 v18  }
0xb9: {  	v17 =	vld.idx.msk @!p1 [tilespmem:v17+s25+$0x0], $0xffff;
	_ =	sdelay $0x3  }
0xba: {  	s26 =	simm.s32 @!p1 $0xA80  }
0xbb: {  	p0 =	slt.u32 @!p1 s23, $0x181;
	s24 =	simm.s32 @!p1 $0x80;
	s25 =	simm.s32 @!p1 $0x880;
	[tilespmem:$0x9F0] =	vst @!p1 v17  }
0xbc: {  	[tilespmem:s26], [sflag:$0x1] =	stream.indirect.gather @!p1 [hbm4b:s4+s24], $0x100, s25, s24, $0xb8;
	[tilespmem:$0x10A80] =	vst v63  }
0xbd: {  	p0 =	por p1, p0;
	s25 =	simm.s32 @!p1 $0x1  }
0xbe: {  	v17 =	vlaneseq.u32 @!p0;
	_ =	swait.ge @!p1 [sflag:s25], $0x8000  }
0xbf: {  	v18 =	vor.u32 @!p0 $0x180, v17;
	[sflag:s25] =	ssyncset.done @!p1 $0x0  }
0xc0: {  	vm0 =	vlt.s32 @!p0 v16, v18;
	[sflag:s25] =	ssyncadd.s32 @!p1 $0xFFFF8000;
	s25 =	simm.s32 @!p1 $0x980  }
0xc1: {  	v18 =	vsel @!p0 vm0, v16, v18;
	[hbm4b:s1+s24] =	stream.indirect.scatter @!p1 [tilespmem:s26], [sflag:$0x3], $0x100, s25, s24, $0xb8;
	[tilespmem:$0x10A80] =	vst v63  }
0xc2: {  	s24 =	simm.s32 @!p0 $0x4  }
0xc3: {  	_ =	swait.ge @!p0 [sflag:s24], $0x8000  }
0xc4: {  	[sflag:s24] =	ssyncset.done @!p0 $0x0  }
0xc5: {  	[sflag:s24] =	ssyncadd.s32 @!p0 $0xFFFF8000;
	s24 =	simm.s32 @!p0 $0x400  }
0xc6: {  	v19 =	vld.idx.msk @!p0 [tilespmem:v18+s24+$0x0], $0xffff;
	_ =	sdelay $0x4  }
0xc7: {  	s25 =	simm.s32 @!p0 $0x0;
	[tilespmem:$0x900] =	vst @!p0 v19;
	v19 =	vor.u32 @!p0 $0x190, v17  }
0xc8: {  	v18 =	vld.idx.msk @!p0 [tilespmem:v18+s25+$0x0], $0xffff;
	vm0 =	vlt.s32 @!p0 v16, v19  }
0xc9: {  	v19 =	vsel @!p0 vm0, v16, v19;
	_ =	sdelay $0x3  }
0xca: {  	[tilespmem:$0xA00] =	vst @!p0 v18  }
0xcb: {  	v18 =	vld.idx.msk @!p0 [tilespmem:v19+s24+$0x0], $0xffff;
	_ =	sdelay $0x4  }
0xcc: {  	[tilespmem:$0x910] =	vst @!p0 v18;
	v18 =	vor.u32 @!p0 $0x1A0, v17  }
0xcd: {  	v19 =	vld.idx.msk @!p0 [tilespmem:v19+s25+$0x0], $0xffff;
	vm0 =	vlt.s32 @!p0 v16, v18  }
0xce: {  	v18 =	vsel @!p0 vm0, v16, v18;
	_ =	sdelay $0x3  }
0xcf: {  	[tilespmem:$0xA10] =	vst @!p0 v19  }
0xd0: {  	v19 =	vld.idx.msk @!p0 [tilespmem:v18+s24+$0x0], $0xffff;
	_ =	sdelay $0x4  }
0xd1: {  	[tilespmem:$0x920] =	vst @!p0 v19;
	v19 =	vor.u32 @!p0 $0x1B0, v17  }
0xd2: {  	v18 =	vld.idx.msk @!p0 [tilespmem:v18+s25+$0x0], $0xffff;
	vm0 =	vlt.s32 @!p0 v16, v19  }
0xd3: {  	v19 =	vsel @!p0 vm0, v16, v19;
	_ =	sdelay $0x3  }
0xd4: {  	[tilespmem:$0xA20] =	vst @!p0 v18  }
0xd5: {  	v18 =	vld.idx.msk @!p0 [tilespmem:v19+s24+$0x0], $0xffff;
	_ =	sdelay $0x4  }
0xd6: {  	[tilespmem:$0x930] =	vst @!p0 v18;
	v18 =	vor.u32 @!p0 $0x1C0, v17  }
0xd7: {  	v19 =	vld.idx.msk @!p0 [tilespmem:v19+s25+$0x0], $0xffff;
	vm0 =	vlt.s32 @!p0 v16, v18  }
0xd8: {  	v18 =	vsel @!p0 vm0, v16, v18;
	_ =	sdelay $0x3  }
0xd9: {  	[tilespmem:$0xA30] =	vst @!p0 v19  }
0xda: {  	v19 =	vld.idx.msk @!p0 [tilespmem:v18+s24+$0x0], $0xffff;
	_ =	sdelay $0x4  }
0xdb: {  	[tilespmem:$0x940] =	vst @!p0 v19;
	v19 =	vor.u32 @!p0 $0x1D0, v17  }
0xdc: {  	v18 =	vld.idx.msk @!p0 [tilespmem:v18+s25+$0x0], $0xffff;
	vm0 =	vlt.s32 @!p0 v16, v19  }
0xdd: {  	v19 =	vsel @!p0 vm0, v16, v19;
	_ =	sdelay $0x3  }
0xde: {  	[tilespmem:$0xA40] =	vst @!p0 v18  }
0xdf: {  	v18 =	vld.idx.msk @!p0 [tilespmem:v19+s24+$0x0], $0xffff;
	_ =	sdelay $0x4  }
0xe0: {  	[tilespmem:$0x950] =	vst @!p0 v18;
	v18 =	vor.u32 @!p0 $0x1E0, v17  }
0xe1: {  	v19 =	vld.idx.msk @!p0 [tilespmem:v19+s25+$0x0], $0xffff;
	vm0 =	vlt.s32 @!p0 v16, v18  }
0xe2: {  	v18 =	vsel @!p0 vm0, v16, v18;
	_ =	sdelay $0x3  }
0xe3: {  	[tilespmem:$0xA50] =	vst @!p0 v19  }
0xe4: {  	v19 =	vld.idx.msk @!p0 [tilespmem:v18+s24+$0x0], $0xffff;
	_ =	sdelay $0x4  }
0xe5: {  	v17 =	vor.u32 @!p0 $0x1F0, v17;
	[tilespmem:$0x960] =	vst @!p0 v19  }
0xe6: {  	vm0 =	vlt.s32 @!p0 v16, v17;
	v18 =	vld.idx.msk @!p0 [tilespmem:v18+s25+$0x0], $0xffff  }
0xe7: {  	v17 =	vsel @!p0 vm0, v16, v17;
	_ =	sdelay $0x3  }
0xe8: {  	[tilespmem:$0xA60] =	vst @!p0 v18  }
0xe9: {  	v18 =	vld.idx.msk @!p0 [tilespmem:v17+s24+$0x0], $0xffff;
	_ =	sdelay $0x4  }
0xea: {  	[tilespmem:$0x970] =	vst @!p0 v18  }
0xeb: {  	v17 =	vld.idx.msk @!p0 [tilespmem:v17+s25+$0x0], $0xffff;
	_ =	sdelay $0x3  }
0xec: {  	s26 =	simm.s32 @!p0 $0x8A80  }
0xed: {  	p1 =	slt.u32 @!p0 s23, $0x201;
	s24 =	simm.s32 @!p0 $0x80;
	s25 =	simm.s32 @!p0 $0x900;
	[tilespmem:$0xA70] =	vst @!p0 v17  }
0xee: {  	[tilespmem:s26], [sflag:$0x2] =	stream.indirect.gather @!p0 [hbm4b:s4+s24], $0x100, s25, s24, $0xb8;
	[tilespmem:$0x10A80] =	vst v63  }
0xef: {  	p1 =	por p0, p1;
	s25 =	simm.s32 @!p0 $0x2  }
0xf0: {  	v17 =	vlaneseq.u32 @!p1;
	_ =	swait.ge @!p0 [sflag:s25], $0x8000  }
0xf1: {  	v18 =	vor.u32 @!p1 $0x200, v17;
	[sflag:s25] =	ssyncset.done @!p0 $0x0  }
0xf2: {  	vm0 =	vlt.s32 @!p1 v16, v18;
	[sflag:s25] =	ssyncadd.s32 @!p0 $0xFFFF8000;
	s25 =	simm.s32 @!p0 $0xA00  }
0xf3: {  	v18 =	vsel @!p1 vm0, v16, v18;
	[hbm4b:s1+s24] =	stream.indirect.scatter @!p0 [tilespmem:s26], [sflag:$0x4], $0x100, s25, s24, $0xb8;
	[tilespmem:$0x10A80] =	vst v63  }
0xf4: {  	s24 =	simm.s32 @!p1 $0x3  }
0xf5: {  	_ =	swait.ge @!p1 [sflag:s24], $0x8000  }
0xf6: {  	[sflag:s24] =	ssyncset.done @!p1 $0x0  }
0xf7: {  	[sflag:s24] =	ssyncadd.s32 @!p1 $0xFFFF8000;
	s24 =	simm.s32 @!p1 $0x400  }
0xf8: {  	v19 =	vld.idx.msk @!p1 [tilespmem:v18+s24+$0x0], $0xffff;
	_ =	sdelay $0x4  }
0xf9: {  	s25 =	simm.s32 @!p1 $0x0;
	[tilespmem:$0x880] =	vst @!p1 v19;
	v19 =	vor.u32 @!p1 $0x210, v17  }
0xfa: {  	v18 =	vld.idx.msk @!p1 [tilespmem:v18+s25+$0x0], $0xffff;
	vm0 =	vlt.s32 @!p1 v16, v19  }
0xfb: {  	v19 =	vsel @!p1 vm0, v16, v19;
	_ =	sdelay $0x3  }
0xfc: {  	[tilespmem:$0x980] =	vst @!p1 v18  }
0xfd: {  	v18 =	vld.idx.msk @!p1 [tilespmem:v19+s24+$0x0], $0xffff;
	_ =	sdelay $0x4  }
0xfe: {  	[tilespmem:$0x890] =	vst @!p1 v18;
	v18 =	vor.u32 @!p1 $0x220, v17  }
0xff: {  	v19 =	vld.idx.msk @!p1 [tilespmem:v19+s25+$0x0], $0xffff;
	vm0 =	vlt.s32 @!p1 v16, v18  }
0x100: {  	v18 =	vsel @!p1 vm0, v16, v18;
	_ =	sdelay $0x3  }
0x101: {  	[tilespmem:$0x990] =	vst @!p1 v19  }
0x102: {  	v19 =	vld.idx.msk @!p1 [tilespmem:v18+s24+$0x0], $0xffff;
	_ =	sdelay $0x4  }
0x103: {  	[tilespmem:$0x8A0] =	vst @!p1 v19;
	v19 =	vor.u32 @!p1 $0x230, v17  }
0x104: {  	v18 =	vld.idx.msk @!p1 [tilespmem:v18+s25+$0x0], $0xffff;
	vm0 =	vlt.s32 @!p1 v16, v19  }
0x105: {  	v19 =	vsel @!p1 vm0, v16, v19;
	_ =	sdelay $0x3  }
0x106: {  	[tilespmem:$0x9A0] =	vst @!p1 v18  }
0x107: {  	v18 =	vld.idx.msk @!p1 [tilespmem:v19+s24+$0x0], $0xffff;
	_ =	sdelay $0x4  }
0x108: {  	[tilespmem:$0x8B0] =	vst @!p1 v18;
	v18 =	vor.u32 @!p1 $0x240, v17  }
0x109: {  	v19 =	vld.idx.msk @!p1 [tilespmem:v19+s25+$0x0], $0xffff;
	vm0 =	vlt.s32 @!p1 v16, v18  }
0x10a: {  	v18 =	vsel @!p1 vm0, v16, v18;
	_ =	sdelay $0x3  }
0x10b: {  	[tilespmem:$0x9B0] =	vst @!p1 v19  }
0x10c: {  	v19 =	vld.idx.msk @!p1 [tilespmem:v18+s24+$0x0], $0xffff;
	_ =	sdelay $0x4  }
0x10d: {  	[tilespmem:$0x8C0] =	vst @!p1 v19;
	v19 =	vor.u32 @!p1 $0x250, v17  }
0x10e: {  	v18 =	vld.idx.msk @!p1 [tilespmem:v18+s25+$0x0], $0xffff;
	vm0 =	vlt.s32 @!p1 v16, v19  }
0x10f: {  	v19 =	vsel @!p1 vm0, v16, v19;
	_ =	sdelay $0x3  }
0x110: {  	[tilespmem:$0x9C0] =	vst @!p1 v18  }
0x111: {  	v18 =	vld.idx.msk @!p1 [tilespmem:v19+s24+$0x0], $0xffff;
	_ =	sdelay $0x4  }
0x112: {  	[tilespmem:$0x8D0] =	vst @!p1 v18;
	v18 =	vor.u32 @!p1 $0x260, v17  }
0x113: {  	v19 =	vld.idx.msk @!p1 [tilespmem:v19+s25+$0x0], $0xffff;
	vm0 =	vlt.s32 @!p1 v16, v18  }
0x114: {  	v18 =	vsel @!p1 vm0, v16, v18;
	_ =	sdelay $0x3  }
0x115: {  	[tilespmem:$0x9D0] =	vst @!p1 v19  }
0x116: {  	v19 =	vld.idx.msk @!p1 [tilespmem:v18+s24+$0x0], $0xffff;
	_ =	sdelay $0x4  }
0x117: {  	v17 =	vor.u32 @!p1 $0x270, v17;
	[tilespmem:$0x8E0] =	vst @!p1 v19  }
0x118: {  	vm0 =	vlt.s32 @!p1 v16, v17;
	v18 =	vld.idx.msk @!p1 [tilespmem:v18+s25+$0x0], $0xffff  }
0x119: {  	v17 =	vsel @!p1 vm0, v16, v17;
	_ =	sdelay $0x3  }
0x11a: {  	[tilespmem:$0x9E0] =	vst @!p1 v18  }
0x11b: {  	v18 =	vld.idx.msk @!p1 [tilespmem:v17+s24+$0x0], $0xffff;
	_ =	sdelay $0x4  }
0x11c: {  	[tilespmem:$0x8F0] =	vst @!p1 v18  }
0x11d: {  	v17 =	vld.idx.msk @!p1 [tilespmem:v17+s25+$0x0], $0xffff;
	_ =	sdelay $0x3  }
0x11e: {  	s26 =	simm.s32 @!p1 $0xA80  }
0x11f: {  	p0 =	slt.u32 @!p1 s23, $0x281;
	s24 =	simm.s32 @!p1 $0x80;
	s25 =	simm.s32 @!p1 $0x880;
	[tilespmem:$0x9F0] =	vst @!p1 v17  }
0x120: {  	[tilespmem:s26], [sflag:$0x1] =	stream.indirect.gather @!p1 [hbm4b:s4+s24], $0x100, s25, s24, $0xb8;
	[tilespmem:$0x10A80] =	vst v63  }
0x121: {  	p0 =	por p1, p0;
	s25 =	simm.s32 @!p1 $0x1  }
0x122: {  	v17 =	vlaneseq.u32 @!p0;
	_ =	swait.ge @!p1 [sflag:s25], $0x8000  }
0x123: {  	v18 =	vor.u32 @!p0 $0x280, v17;
	[sflag:s25] =	ssyncset.done @!p1 $0x0  }
0x124: {  	vm0 =	vlt.s32 @!p0 v16, v18;
	[sflag:s25] =	ssyncadd.s32 @!p1 $0xFFFF8000;
	s25 =	simm.s32 @!p1 $0x980  }
0x125: {  	v18 =	vsel @!p0 vm0, v16, v18;
	[hbm4b:s1+s24] =	stream.indirect.scatter @!p1 [tilespmem:s26], [sflag:$0x3], $0x100, s25, s24, $0xb8;
	[tilespmem:$0x10A80] =	vst v63  }
0x126: {  	s24 =	simm.s32 @!p0 $0x4  }
0x127: {  	_ =	swait.ge @!p0 [sflag:s24], $0x8000  }
0x128: {  	[sflag:s24] =	ssyncset.done @!p0 $0x0  }
0x129: {  	[sflag:s24] =	ssyncadd.s32 @!p0 $0xFFFF8000;
	s24 =	simm.s32 @!p0 $0x400  }
0x12a: {  	v19 =	vld.idx.msk @!p0 [tilespmem:v18+s24+$0x0], $0xffff;
	_ =	sdelay $0x4  }
0x12b: {  	s25 =	simm.s32 @!p0 $0x0;
	[tilespmem:$0x900] =	vst @!p0 v19;
	v19 =	vor.u32 @!p0 $0x290, v17  }
0x12c: {  	v18 =	vld.idx.msk @!p0 [tilespmem:v18+s25+$0x0], $0xffff;
	vm0 =	vlt.s32 @!p0 v16, v19  }
0x12d: {  	v19 =	vsel @!p0 vm0, v16, v19;
	_ =	sdelay $0x3  }
0x12e: {  	[tilespmem:$0xA00] =	vst @!p0 v18  }
0x12f: {  	v18 =	vld.idx.msk @!p0 [tilespmem:v19+s24+$0x0], $0xffff;
	_ =	sdelay $0x4  }
0x130: {  	[tilespmem:$0x910] =	vst @!p0 v18;
	v18 =	vor.u32 @!p0 $0x2A0, v17  }
0x131: {  	v19 =	vld.idx.msk @!p0 [tilespmem:v19+s25+$0x0], $0xffff;
	vm0 =	vlt.s32 @!p0 v16, v18  }
0x132: {  	v18 =	vsel @!p0 vm0, v16, v18;
	_ =	sdelay $0x3  }
0x133: {  	[tilespmem:$0xA10] =	vst @!p0 v19  }
0x134: {  	v19 =	vld.idx.msk @!p0 [tilespmem:v18+s24+$0x0], $0xffff;
	_ =	sdelay $0x4  }
0x135: {  	[tilespmem:$0x920] =	vst @!p0 v19;
	v19 =	vor.u32 @!p0 $0x2B0, v17  }
0x136: {  	v18 =	vld.idx.msk @!p0 [tilespmem:v18+s25+$0x0], $0xffff;
	vm0 =	vlt.s32 @!p0 v16, v19  }
0x137: {  	v19 =	vsel @!p0 vm0, v16, v19;
	_ =	sdelay $0x3  }
0x138: {  	[tilespmem:$0xA20] =	vst @!p0 v18  }
0x139: {  	v18 =	vld.idx.msk @!p0 [tilespmem:v19+s24+$0x0], $0xffff;
	_ =	sdelay $0x4  }
0x13a: {  	[tilespmem:$0x930] =	vst @!p0 v18;
	v18 =	vor.u32 @!p0 $0x2C0, v17  }
0x13b: {  	v19 =	vld.idx.msk @!p0 [tilespmem:v19+s25+$0x0], $0xffff;
	vm0 =	vlt.s32 @!p0 v16, v18  }
0x13c: {  	v18 =	vsel @!p0 vm0, v16, v18;
	_ =	sdelay $0x3  }
0x13d: {  	[tilespmem:$0xA30] =	vst @!p0 v19  }
0x13e: {  	v19 =	vld.idx.msk @!p0 [tilespmem:v18+s24+$0x0], $0xffff;
	_ =	sdelay $0x4  }
0x13f: {  	[tilespmem:$0x940] =	vst @!p0 v19;
	v19 =	vor.u32 @!p0 $0x2D0, v17  }
0x140: {  	v18 =	vld.idx.msk @!p0 [tilespmem:v18+s25+$0x0], $0xffff;
	vm0 =	vlt.s32 @!p0 v16, v19  }
0x141: {  	v19 =	vsel @!p0 vm0, v16, v19;
	_ =	sdelay $0x3  }
0x142: {  	[tilespmem:$0xA40] =	vst @!p0 v18  }
0x143: {  	v18 =	vld.idx.msk @!p0 [tilespmem:v19+s24+$0x0], $0xffff;
	_ =	sdelay $0x4  }
0x144: {  	[tilespmem:$0x950] =	vst @!p0 v18;
	v18 =	vor.u32 @!p0 $0x2E0, v17  }
0x145: {  	v19 =	vld.idx.msk @!p0 [tilespmem:v19+s25+$0x0], $0xffff;
	vm0 =	vlt.s32 @!p0 v16, v18  }
0x146: {  	v18 =	vsel @!p0 vm0, v16, v18;
	_ =	sdelay $0x3  }
0x147: {  	[tilespmem:$0xA50] =	vst @!p0 v19  }
0x148: {  	v19 =	vld.idx.msk @!p0 [tilespmem:v18+s24+$0x0], $0xffff;
	_ =	sdelay $0x4  }
0x149: {  	v17 =	vor.u32 @!p0 $0x2F0, v17;
	[tilespmem:$0x960] =	vst @!p0 v19  }
0x14a: {  	vm0 =	vlt.s32 @!p0 v16, v17;
	v18 =	vld.idx.msk @!p0 [tilespmem:v18+s25+$0x0], $0xffff  }
0x14b: {  	v17 =	vsel @!p0 vm0, v16, v17;
	_ =	sdelay $0x3  }
0x14c: {  	[tilespmem:$0xA60] =	vst @!p0 v18  }
0x14d: {  	v18 =	vld.idx.msk @!p0 [tilespmem:v17+s24+$0x0], $0xffff;
	_ =	sdelay $0x4  }
0x14e: {  	[tilespmem:$0x970] =	vst @!p0 v18  }
0x14f: {  	v17 =	vld.idx.msk @!p0 [tilespmem:v17+s25+$0x0], $0xffff;
	_ =	sdelay $0x3  }
0x150: {  	s26 =	simm.s32 @!p0 $0x8A80  }
0x151: {  	p1 =	slt.u32 @!p0 s23, $0x301;
	s24 =	simm.s32 @!p0 $0x80;
	s25 =	simm.s32 @!p0 $0x900;
	[tilespmem:$0xA70] =	vst @!p0 v17  }
0x152: {  	[tilespmem:s26], [sflag:$0x2] =	stream.indirect.gather @!p0 [hbm4b:s4+s24], $0x100, s25, s24, $0xb8;
	[tilespmem:$0x10A80] =	vst v63  }
0x153: {  	p1 =	por p0, p1;
	s25 =	simm.s32 @!p0 $0x2  }
0x154: {  	v17 =	vlaneseq.u32 @!p1;
	_ =	swait.ge @!p0 [sflag:s25], $0x8000  }
0x155: {  	v18 =	vor.u32 @!p1 $0x300, v17;
	[sflag:s25] =	ssyncset.done @!p0 $0x0  }
0x156: {  	vm0 =	vlt.s32 @!p1 v16, v18;
	[sflag:s25] =	ssyncadd.s32 @!p0 $0xFFFF8000;
	s25 =	simm.s32 @!p0 $0xA00  }
0x157: {  	v18 =	vsel @!p1 vm0, v16, v18;
	[hbm4b:s1+s24] =	stream.indirect.scatter @!p0 [tilespmem:s26], [sflag:$0x4], $0x100, s25, s24, $0xb8;
	[tilespmem:$0x10A80] =	vst v63  }
0x158: {  	s24 =	simm.s32 @!p1 $0x3  }
0x159: {  	_ =	swait.ge @!p1 [sflag:s24], $0x8000  }
0x15a: {  	[sflag:s24] =	ssyncset.done @!p1 $0x0  }
0x15b: {  	[sflag:s24] =	ssyncadd.s32 @!p1 $0xFFFF8000;
	s24 =	simm.s32 @!p1 $0x400  }
0x15c: {  	v19 =	vld.idx.msk @!p1 [tilespmem:v18+s24+$0x0], $0xffff;
	_ =	sdelay $0x4  }
0x15d: {  	s25 =	simm.s32 @!p1 $0x0;
	[tilespmem:$0x880] =	vst @!p1 v19;
	v19 =	vor.u32 @!p1 $0x310, v17  }
0x15e: {  	v18 =	vld.idx.msk @!p1 [tilespmem:v18+s25+$0x0], $0xffff;
	vm0 =	vlt.s32 @!p1 v16, v19  }
0x15f: {  	v19 =	vsel @!p1 vm0, v16, v19;
	_ =	sdelay $0x3  }
0x160: {  	[tilespmem:$0x980] =	vst @!p1 v18  }
0x161: {  	v18 =	vld.idx.msk @!p1 [tilespmem:v19+s24+$0x0], $0xffff;
	_ =	sdelay $0x4  }
0x162: {  	[tilespmem:$0x890] =	vst @!p1 v18;
	v18 =	vor.u32 @!p1 $0x320, v17  }
0x163: {  	v19 =	vld.idx.msk @!p1 [tilespmem:v19+s25+$0x0], $0xffff;
	vm0 =	vlt.s32 @!p1 v16, v18  }
0x164: {  	v18 =	vsel @!p1 vm0, v16, v18;
	_ =	sdelay $0x3  }
0x165: {  	[tilespmem:$0x990] =	vst @!p1 v19  }
0x166: {  	v19 =	vld.idx.msk @!p1 [tilespmem:v18+s24+$0x0], $0xffff;
	_ =	sdelay $0x4  }
0x167: {  	[tilespmem:$0x8A0] =	vst @!p1 v19;
	v19 =	vor.u32 @!p1 $0x330, v17  }
0x168: {  	v18 =	vld.idx.msk @!p1 [tilespmem:v18+s25+$0x0], $0xffff;
	vm0 =	vlt.s32 @!p1 v16, v19  }
0x169: {  	v19 =	vsel @!p1 vm0, v16, v19;
	_ =	sdelay $0x3  }
0x16a: {  	[tilespmem:$0x9A0] =	vst @!p1 v18  }
0x16b: {  	v18 =	vld.idx.msk @!p1 [tilespmem:v19+s24+$0x0], $0xffff;
	_ =	sdelay $0x4  }
0x16c: {  	[tilespmem:$0x8B0] =	vst @!p1 v18;
	v18 =	vor.u32 @!p1 $0x340, v17  }
0x16d: {  	v19 =	vld.idx.msk @!p1 [tilespmem:v19+s25+$0x0], $0xffff;
	vm0 =	vlt.s32 @!p1 v16, v18  }
0x16e: {  	v18 =	vsel @!p1 vm0, v16, v18;
	_ =	sdelay $0x3  }
0x16f: {  	[tilespmem:$0x9B0] =	vst @!p1 v19  }
0x170: {  	v19 =	vld.idx.msk @!p1 [tilespmem:v18+s24+$0x0], $0xffff;
	_ =	sdelay $0x4  }
0x171: {  	[tilespmem:$0x8C0] =	vst @!p1 v19;
	v19 =	vor.u32 @!p1 $0x350, v17  }
0x172: {  	v18 =	vld.idx.msk @!p1 [tilespmem:v18+s25+$0x0], $0xffff;
	vm0 =	vlt.s32 @!p1 v16, v19  }
0x173: {  	v19 =	vsel @!p1 vm0, v16, v19;
	_ =	sdelay $0x3  }
0x174: {  	[tilespmem:$0x9C0] =	vst @!p1 v18  }
0x175: {  	v18 =	vld.idx.msk @!p1 [tilespmem:v19+s24+$0x0], $0xffff;
	_ =	sdelay $0x4  }
0x176: {  	[tilespmem:$0x8D0] =	vst @!p1 v18;
	v18 =	vor.u32 @!p1 $0x360, v17  }
0x177: {  	v19 =	vld.idx.msk @!p1 [tilespmem:v19+s25+$0x0], $0xffff;
	vm0 =	vlt.s32 @!p1 v16, v18  }
0x178: {  	v18 =	vsel @!p1 vm0, v16, v18;
	_ =	sdelay $0x3  }
0x179: {  	[tilespmem:$0x9D0] =	vst @!p1 v19  }
0x17a: {  	v19 =	vld.idx.msk @!p1 [tilespmem:v18+s24+$0x0], $0xffff;
	_ =	sdelay $0x4  }
0x17b: {  	v17 =	vor.u32 @!p1 $0x370, v17;
	[tilespmem:$0x8E0] =	vst @!p1 v19  }
0x17c: {  	vm0 =	vlt.s32 @!p1 v16, v17;
	v18 =	vld.idx.msk @!p1 [tilespmem:v18+s25+$0x0], $0xffff  }
0x17d: {  	v17 =	vsel @!p1 vm0, v16, v17;
	_ =	sdelay $0x3  }
0x17e: {  	[tilespmem:$0x9E0] =	vst @!p1 v18  }
0x17f: {  	v18 =	vld.idx.msk @!p1 [tilespmem:v17+s24+$0x0], $0xffff;
	_ =	sdelay $0x4  }
0x180: {  	[tilespmem:$0x8F0] =	vst @!p1 v18  }
0x181: {  	v17 =	vld.idx.msk @!p1 [tilespmem:v17+s25+$0x0], $0xffff;
	_ =	sdelay $0x3  }
0x182: {  	s26 =	simm.s32 @!p1 $0xA80;
	p0 =	slt.u32 @!p1 s23, $0x381  }
0x183: {  	p0 =	por p1, p0;
	s24 =	simm.s32 @!p1 $0x80;
	s25 =	simm.s32 @!p1 $0x880;
	[tilespmem:$0x9F0] =	vst @!p1 v17  }
0x184: {  	[tilespmem:s26], [sflag:$0x1] =	stream.indirect.gather @!p1 [hbm4b:s4+s24], $0x100, s25, s24, $0xb8;
	[tilespmem:$0x10A80] =	vst v63  }
.Ltmp4:
0x185: {  	s25 =	simm.s32 @!p1 $0x1;
	(pc) =	sbr.rel @p0 .LBB2_5-.Ltmp4, $4  }
0x186: {  	_ =	swait.ge @!p1 [sflag:s25], $0x8000  }
0x187: {  	[sflag:s25] =	ssyncset.done @!p1 $0x0  }
0x188: {  	[sflag:s25] =	ssyncadd.s32 @!p1 $0xFFFF8000;
	s25 =	simm.s32 @!p1 $0x980  }
0x189: {  	[hbm4b:s1+s24] =	stream.indirect.scatter @!p1 [tilespmem:s26], [sflag:$0x3], $0x100, s25, s24, $0xb8;
	[tilespmem:$0x10A80] =	vst v63  }
0x18a: {  	v17 =	vor.u32 $0x380, v0  }
0x18b: {  	vm0 =	vlt.s32 v16, v17  }
0x18c: {  	v17 =	vsel vm0, v16, v17;
	_ =	sdelay $0x1  }
0x18d: {  	_ =	swait.ge [sflag:s21], $0x8000  }
0x18e: {  	[sflag:s21] =	ssyncset.done $0x0  }
0x18f: {  	[sflag:s21] =	ssyncadd.s32 $0xFFFF8000  }
0x190: {  	v18 =	vld.idx.msk [tilespmem:v17+s10+$0x0], $0xffff;
	_ =	sdelay $0x4  }
0x191: {  	v60 =	vor.u32 $0x390, v0;
	[tilespmem:$0x900] =	vst v18  }
0x192: {  	vm9 =	vlt.s32 v16, v60;
	v17 =	vld.idx.msk [tilespmem:v17+s3+$0x0], $0xffff  }
0x193: {  	v18 =	vsel vm9, v16, v60;
	_ =	sdelay $0x3  }
0x194: {  	[tilespmem:$0xA00] =	vst v17  }
0x195: {  	v17 =	vld.idx.msk [tilespmem:v18+s10+$0x0], $0xffff;
	_ =	sdelay $0x4  }
0x196: {  	[tilespmem:$0x910] =	vst v17;
	v17 =	vor.u32 $0x3A0, v0  }
0x197: {  	v18 =	vld.idx.msk [tilespmem:v18+s3+$0x0], $0xffff;
	vm10 =	vlt.s32 v16, v17  }
0x198: {  	v17 =	vsel vm10, v16, v17;
	_ =	sdelay $0x3  }
0x199: {  	[tilespmem:$0xA10] =	vst v18  }
0x19a: {  	v18 =	vld.idx.msk [tilespmem:v17+s10+$0x0], $0xffff;
	_ =	sdelay $0x4  }
0x19b: {  	v61 =	vor.u32 $0x3B0, v0;
	[tilespmem:$0x920] =	vst v18  }
0x19c: {  	vm11 =	vlt.s32 v16, v61;
	v17 =	vld.idx.msk [tilespmem:v17+s3+$0x0], $0xffff  }
0x19d: {  	v18 =	vsel vm11, v16, v61;
	_ =	sdelay $0x3  }
0x19e: {  	[tilespmem:$0xA20] =	vst v17  }
0x19f: {  	v17 =	vld.idx.msk [tilespmem:v18+s10+$0x0], $0xffff;
	_ =	sdelay $0x4  }
0x1a0: {  	[tilespmem:$0x930] =	vst v17;
	v17 =	vor.u32 $0x3C0, v0  }
0x1a1: {  	v18 =	vld.idx.msk [tilespmem:v18+s3+$0x0], $0xffff;
	vm12 =	vlt.s32 v16, v17  }
0x1a2: {  	v17 =	vsel vm12, v16, v17;
	_ =	sdelay $0x3  }
0x1a3: {  	[tilespmem:$0xA30] =	vst v18  }
0x1a4: {  	v18 =	vld.idx.msk [tilespmem:v17+s10+$0x0], $0xffff;
	_ =	sdelay $0x4  }
0x1a5: {  	v62 =	vor.u32 $0x3D0, v0;
	[tilespmem:$0x940] =	vst v18  }
0x1a6: {  	vm13 =	vlt.s32 v16, v62;
	v17 =	vld.idx.msk [tilespmem:v17+s3+$0x0], $0xffff  }
0x1a7: {  	v18 =	vsel vm13, v16, v62;
	_ =	sdelay $0x3  }
0x1a8: {  	[tilespmem:$0xA40] =	vst v17  }
0x1a9: {  	v17 =	vld.idx.msk [tilespmem:v18+s10+$0x0], $0xffff;
	_ =	sdelay $0x4  }
0x1aa: {  	[tilespmem:$0x950] =	vst v17;
	v17 =	vor.u32 $0x3E0, v0  }
0x1ab: {  	v18 =	vld.idx.msk [tilespmem:v18+s3+$0x0], $0xffff;
	vm14 =	vlt.s32 v16, v17  }
0x1ac: {  	v17 =	vsel vm14, v16, v17;
	_ =	sdelay $0x3  }
0x1ad: {  	[tilespmem:$0xA50] =	vst v18  }
0x1ae: {  	v18 =	vld.idx.msk [tilespmem:v17+s10+$0x0], $0xffff;
	_ =	sdelay $0x4  }
0x1af: {  	v63 =	vor.u32 $0x3F0, v0;
	[tilespmem:$0x960] =	vst v18  }
0x1b0: {  	vm15 =	vlt.s32 v16, v63;
	v17 =	vld.idx.msk [tilespmem:v17+s3+$0x0], $0xffff  }
0x1b1: {  	v16 =	vsel vm15, v16, v63;
	_ =	sdelay $0x3  }
0x1b2: {  	[tilespmem:$0xA60] =	vst v17  }
0x1b3: {  	v17 =	vld.idx.msk [tilespmem:v16+s10+$0x0], $0xffff;
	_ =	sdelay $0x4  }
0x1b4: {  	[tilespmem:$0x970] =	vst v17  }
0x1b5: {  	v16 =	vld.idx.msk [tilespmem:v16+s3+$0x0], $0xffff;
	_ =	sdelay $0x4  }
0x1b6: {  	[tilespmem:$0xA70] =	vst v16  }
0x1b7: {  	[tilespmem:s18], [sflag:$0x2] =	stream.indirect.gather [hbm4b:s4+s9], $0x100, s17, s9, $0xb8;
	[tilespmem:$0x10A80] =	vst v63  }
.Ltmp5:
0x1b8: {  	_ = 	snop;
	(pc) =	sbr.rel .LBB2_5-.Ltmp5, $4  }
0x1b9: {  	_ =	swait.ge [sflag:s19], $0x8000  }
0x1ba: {  	[sflag:s19] =	ssyncset.done $0x0  }
0x1bb: {  	[sflag:s19] =	ssyncadd.s32 $0xFFFF8000  }
0x1bc: {  	[hbm4b:s1+s9] =	stream.indirect.scatter [tilespmem:s18], [sflag:$0x4], $0x100, s20, s9, $0xb8;
	[tilespmem:$0x10A80] =	vst v63  }
.LBB2_8:
0x1bd: {  	_ =	sfence.sel $0x180000  }
0x1be: {  	[bflag:$0x0] =	sbarrier.arrive $0xFFFF  }
0x1bf: {  	p0 =	sne.s32 s2, $0x0;
	_ =	strace $0x9000004A  }
0x1c0: {  	s0 =	sadd.s32 @!p0 $0x100000, s0;
	[bflag:$0x2] =	sbarrier.arrive $0xFFFF  }
0x1c1: {  	[sflag:s0] =	ssyncadd.tile.s32 @!p0 $0x1;
	_ =	shalt  }
.Lfunc_end2:
_tile_overlayer_lowered:
.L_overlay_start_2:
0x1c2: {  	(tag) =	ssettag $0x2  }
0x1c3: {  	s0 =	rddreg [dreg:$0x0];
	s2 =	stileid.u32  }
0x1c4: {  	s1 =	rddreg [dreg:$0x1];
	p0 =	sne.s32 s2, $0x0  }
0x1c5: {  	s3 =	rddreg [dreg:$0x2];
	[bflag:$0x3] =	sbarrier.arrive $0xFFFF;
	s2 =	simm.s32 @!p0 $0x1C05  }
0x1c6: {  	[timem:s3], [sflag:s2] =	dma.local @!p0 [hbm:s0], s1  }
0x1c7: {  	s0 =	simm.s32 @!p0 $0x5  }
0x1c8: {  	_ =	swait.ge @!p0 [sflag:s0], s1  }
0x1c9: {  	s1 =	ssub.s32 @!p0 $0x0, s1;
	[sflag:s0] =	ssyncset.done @!p0 $0x0  }
0x1ca: {  	[sflag:s0] =	ssyncadd.s32 @!p0 s1  }
0x1cb: {  	[bflag:$0x3] =	sbarrier.arrive $0xFFFF  }
0x1cc: {  	_ =	shalt  }

</sc_bundles>
